<compile_context>
chip_gen: v7x
topology: tpu7x:2x2x1
jax: 0.10.2.dev20260603
libtpu: 0.0.44.dev20260713+nightly
codegen_flags: <defaults>
</compile_context>

<pallas_src>
import functools

import jax
import jax.numpy as jnp
from jax import lax
from jax.experimental import pallas as pl
from jax.experimental.pallas import tpu as pltpu
from jax.experimental.pallas import tpu_sc as plsc

N = 10000
D = 128
DH = 256
E = 320000
NP = 10240
K = 128
NC, NS = 2, 16
NW = NC * NS
EP = 327680
NCH = EP // (NW * K)
CH0, CH1 = 128, 32
PS = 32
NPASS0, NPASS1 = CH0 // PS, CH1 // PS
RP = NP // NS

_mesh = plsc.VectorSubcoreMesh(
    core_axis_name="c", subcore_axis_name="s", num_cores=NC, num_subcores=NS)


@functools.partial(
    pl.kernel,
    out_type=jax.ShapeDtypeStruct((NC, NS, NP), jnp.float32),
    mesh=_mesh,
    scratch_types=[
        pltpu.VMEM((NCH, K), jnp.int32),
        pltpu.VMEM((NP,), jnp.float32),
    ],
    compiler_params=pltpu.CompilerParams(needs_layout_passes=False),
)
def _deg_kernel(dst_hbm, zeros_hbm, out_hbm, idx_v, hist_v):
    c = lax.axis_index("c")
    s = lax.axis_index("s")
    w = c * NS + s
    pltpu.sync_copy(dst_hbm.at[pl.ds(w * NCH, NCH)], idx_v)
    pltpu.sync_copy(zeros_hbm, hist_v)
    ones_v = jnp.ones((16,), jnp.float32)

    def body(ch, carry):
        def inner(j, carry2):
            idx = idx_v[ch, pl.ds(j * 16, 16)]
            plsc.addupdate_scatter(hist_v, [idx], ones_v)
            return carry2

        return lax.fori_loop(0, K // 16, inner, carry)

    lax.fori_loop(0, NCH, body, 0)
    pltpu.sync_copy(hist_v, out_hbm.at[c, s])


@functools.partial(
    pl.kernel,
    out_type=jax.ShapeDtypeStruct((NC, NP, D), jnp.float32),
    mesh=_mesh,
    scratch_types=[
        pltpu.VMEM((PS, K), jnp.int32),
        pltpu.VMEM((PS, K), jnp.int32),
        pltpu.VMEM((K, D), jnp.float32),
        pltpu.VMEM((K, D), jnp.float32),
        pltpu.VMEM_SHARED((NP, D), jnp.float32),
        pltpu.SemaphoreType.DMA,
        pltpu.SemaphoreType.DMA,
    ],
)
def _agg_kernel(tab_hbm, src_hbm, dst_hbm, zeros_hbm, out_hbm,
                src_v, dst_v, rows0_v, rows1_v, acc_sh, sem0, sem1):
    c = lax.axis_index("c")
    s = lax.axis_index("s")
    base = jnp.where(c == 0, s * CH0, NS * CH0 + s * CH1)
    npass = jnp.where(c == 0, NPASS0, NPASS1)
    pltpu.sync_copy(zeros_hbm, acc_sh.at[pl.ds(s * RP, RP)])
    plsc.subcore_barrier()

    for p in range(max(NPASS0, NPASS1)):

        @pl.when(p < npass)
        def _pass():
            pltpu.sync_copy(src_hbm.at[pl.ds(base + p * PS, PS)], src_v)
            pltpu.sync_copy(dst_hbm.at[pl.ds(base + p * PS, PS)], dst_v)
            pltpu.async_copy(tab_hbm.at[src_v.at[0]], rows0_v, sem0)

            def body(i, carry):
                ch0 = 2 * i
                ch1 = 2 * i + 1
                pltpu.async_copy(tab_hbm.at[src_v.at[ch1]], rows1_v, sem1)
                pltpu.make_async_copy(
                    tab_hbm.at[src_v.at[ch0]], rows0_v, sem0).wait()
                pltpu.sync_copy(rows0_v, acc_sh.at[dst_v.at[ch0]], add=True)

                @pl.when(ch1 + 1 < PS)
                def _():
                    pltpu.async_copy(
                        tab_hbm.at[src_v.at[ch1 + 1]], rows0_v, sem0)

                pltpu.make_async_copy(
                    tab_hbm.at[src_v.at[ch1]], rows1_v, sem1).wait()
                pltpu.sync_copy(rows1_v, acc_sh.at[dst_v.at[ch1]], add=True)
                return carry

            lax.fori_loop(0, PS // 2, body, 0)

    plsc.subcore_barrier()
    pltpu.sync_copy(acc_sh.at[pl.ds(s * RP, RP)],
                    out_hbm.at[c, pl.ds(s * RP, RP)])


def _prep_body(degp_ref, x_ref, x1_ref, dis_ref):
    degp = degp_ref[...]
    deg = jnp.sum(degp.reshape(NC * NS, NP), axis=0) + 1.0
    dis = lax.rsqrt(deg)
    dis2 = jnp.broadcast_to(dis[:, None], (NP, D))
    dis_ref[...] = dis2
    x1_ref[0:N, :] = x_ref[...] * dis2[0:N, :]
    x1_ref[N:NP, :] = jnp.zeros((NP - N, D), jnp.float32)


_prep = pl.pallas_call(
    _prep_body,
    out_shape=(jax.ShapeDtypeStruct((NP, D), jnp.float32),
               jax.ShapeDtypeStruct((NP, D), jnp.float32)),
)

RB = 512
GB = NP // RB


def _mid_body(acc_ref, x1_ref, dis_ref, W1_ref, b1_ref, W2_ref, x2_ref):
    i = pl.program_id(0)
    dis = dis_ref[...]
    u1 = dis * (acc_ref[0] + acc_ref[1] + x1_ref[...])
    h1 = jnp.dot(u1, W1_ref[...], preferred_element_type=jnp.float32,
                 precision=lax.Precision.HIGHEST) + b1_ref[...]
    h1 = jnp.maximum(h1, 0.0)
    g2 = jnp.dot(dis[:, 0:1] * h1, W2_ref[...],
                 preferred_element_type=jnp.float32,
                 precision=lax.Precision.HIGHEST)
    rows = lax.broadcasted_iota(jnp.int32, (RB, D), 0) + i * RB
    x2_ref[...] = jnp.where(rows < N, g2, 0.0)


_mid = pl.pallas_call(
    _mid_body,
    grid=(GB,),
    in_specs=[
        pl.BlockSpec((NC, RB, D), lambda i: (0, i, 0)),
        pl.BlockSpec((RB, D), lambda i: (i, 0)),
        pl.BlockSpec((RB, D), lambda i: (i, 0)),
        pl.BlockSpec((D, DH), lambda i: (0, 0)),
        pl.BlockSpec((1, DH), lambda i: (0, 0)),
        pl.BlockSpec((DH, D), lambda i: (0, 0)),
    ],
    out_specs=pl.BlockSpec((RB, D), lambda i: (i, 0)),
    out_shape=jax.ShapeDtypeStruct((NP, D), jnp.float32),
)


def _fin_body(acc_ref, x2_ref, dis_ref, b2_ref, out_ref):
    u = dis_ref[...] * (acc_ref[0] + acc_ref[1] + x2_ref[...])
    out_ref[...] = jnp.maximum(u + b2_ref[...], 0.0)


_fin = pl.pallas_call(
    _fin_body,
    grid=(GB,),
    in_specs=[
        pl.BlockSpec((NC, RB, D), lambda i: (0, i, 0)),
        pl.BlockSpec((RB, D), lambda i: (i, 0)),
        pl.BlockSpec((RB, D), lambda i: (i, 0)),
        pl.BlockSpec((1, D), lambda i: (0, 0)),
    ],
    out_specs=pl.BlockSpec((RB, D), lambda i: (i, 0)),
    out_shape=jax.ShapeDtypeStruct((NP, D), jnp.float32),
)


def kernel(x, edge_index, W1, b1, W2, b2):
    pad = jnp.full((EP - E,), N, jnp.int32)
    src2 = jnp.concatenate([edge_index[0], pad]).reshape(EP // K, K)
    dst2 = jnp.concatenate([edge_index[1], pad]).reshape(EP // K, K)
    zerosN = jnp.zeros((NP,), jnp.float32)
    zerosD = jnp.zeros((RP, D), jnp.float32)

    degp = _deg_kernel(dst2, zerosN)
    x1, dis = _prep(degp, x)
    acc1 = _agg_kernel(x1, src2, dst2, zerosD)
    x2 = _mid(acc1, x1, dis, W1, b1.reshape(1, DH), W2)
    acc2 = _agg_kernel(x2, src2, dst2, zerosD)
    out = _fin(acc2, x2, dis, b2.reshape(1, D))
    return out[:N]

# --- scband reference (transcript-rebuilt; emitter-appended) ---
"""Pipeline reference for scband-unify-model-35424890257740 (READ-ONLY COPY).

The authoritative reference and input builder live on the scoring server;
editing this copy changes nothing except your own understanding.
"""

import jax, jax.numpy as jnp
import numpy as np

N = 10000
E = 320000
D_IN = 128
D_OUT = 128
D_HID = 2 * D_OUT  # first GCN layer outputs 2*out_channels per Encoder


def gcn_conv(x, edge_index, W, b):
    # GCNConv: add self-loops, symmetric normalization, linear transform, scatter-add aggregate
    n = x.shape[0]
    loop = jnp.arange(n, dtype=edge_index.dtype)
    src = jnp.concatenate([edge_index[0], loop])
    dst = jnp.concatenate([edge_index[1], loop])
    deg = jnp.zeros((n,), dtype=x.dtype).at[dst].add(1.0)
    deg_inv_sqrt = jnp.where(deg > 0, deg ** -0.5, 0.0)
    norm = deg_inv_sqrt[src] * deg_inv_sqrt[dst]
    h = x @ W
    msg = h[src] * norm[:, None]
    out = jax.ops.segment_sum(msg, dst, num_segments=n)
    return out + b


def setup_inputs(seed: int = 0) -> dict:
    key = jax.random.key(seed)
    k1, k2, k3, k4 = jax.random.split(key, 4)
    x = jax.random.normal(k1, (N, D_IN), dtype=jnp.float32)
    edge_index = jax.random.randint(k2, (2, E), 0, N, dtype=jnp.int32)
    W1 = jax.random.normal(k3, (D_IN, D_HID), dtype=jnp.float32) * (1.0 / np.sqrt(D_IN))
    b1 = jnp.zeros((D_HID,), dtype=jnp.float32)
    W2 = jax.random.normal(k4, (D_HID, D_OUT), dtype=jnp.float32) * (1.0 / np.sqrt(D_HID))
    b2 = jnp.zeros((D_OUT,), dtype=jnp.float32)
    return {"x": x, "edge_index": edge_index, "W1": W1, "b1": b1, "W2": W2, "b2": b2}


def reference(x, edge_index, W1, b1, W2, b2):
    # UnifyModel.forward -> Encoder.forward with k=2 and relu activation
    h = jax.nn.relu(gcn_conv(x, edge_index, W1, b1))
    h = jax.nn.relu(gcn_conv(h, edge_index, W2, b2))
    return h

if __name__ == "__main__":
    import jax
    _d = setup_inputs()
    print(jax.jit(kernel)(*tuple(_d.values())))

</pallas_src>

<mosaic_0001>
#map = affine_map<(d0, d1) -> (0, 0)>
#map1 = affine_map<(d0, d1) -> (0)>
#map2 = affine_map<(d0, d1) -> (0, 0, 0)>
module attributes {stable_mosaic.version = 14 : i64} {
  func.func @_deg_kernel(%arg0: i32, %arg1: i32, %arg2: memref<2560x128xi32, #tpu.memory_space<hbm>>, %arg3: memref<10240xf32, #tpu.memory_space<hbm>>, %arg4: memref<2x16x10240xf32, #tpu.memory_space<hbm>>, %arg5: memref<80x128xi32, #tpu.memory_space<vmem>>, %arg6: memref<10240xf32, #tpu.memory_space<vmem>>) attributes {dimension_semantics = [#tpu.dimension_semantics<core_parallel>, #tpu.dimension_semantics<subcore_parallel>], iteration_bounds = array<i64: 2, 16>, scalar_prefetch = 0 : i64, scratch_operands = 2 : i64, tpu.core_type = #tpu.core_type<sc_vector_subcore>, window_params = [{transform_indices = #map}, {transform_indices = #map1}, {transform_indices = #map2}]} {
    %mul3A = arith.constant 16 : i32
    %mul3A_0 = arith.muli %arg0, %mul3A : i32
    %add3A = arith.addi %mul3A_0, %arg1 : i32
    %mul3A_1 = arith.constant 80 : i32
    %mul3A_2 = arith.muli %add3A, %mul3A_1 : i32
    "tpu.region"() ({
      %run_scoped3A = tpu.sem_alloc : memref<!tpu.dma_semaphore, #tpu.memory_space<semaphore_mem>>
      %dma_start3A = arith.constant 0 : i32
      %dma_start3A_9 = tpu.memref_slice %arg2[%mul3A_2, %dma_start3A] : memref<2560x128xi32, #tpu.memory_space<hbm>> -> memref<80x128xi32, #tpu.memory_space<hbm>>
      %dma_start3A_10 = arith.constant 0 : i32
      %dma_start3A_11 = tpu.memref_slice %arg2[%mul3A_2, %dma_start3A_10] : memref<2560x128xi32, #tpu.memory_space<hbm>> -> memref<80x128xi32, #tpu.memory_space<hbm>>
      tpu.enqueue_dma source(%dma_start3A_11 : memref<80x128xi32, #tpu.memory_space<hbm>>) target(%arg5 : memref<80x128xi32, #tpu.memory_space<vmem>>) target_semaphore(%run_scoped3A : memref<!tpu.dma_semaphore, #tpu.memory_space<semaphore_mem>>)
      %dma_wait3A = arith.constant 0 : i32
      %dma_wait3A_12 = tpu.memref_slice %arg2[%mul3A_2, %dma_wait3A] : memref<2560x128xi32, #tpu.memory_space<hbm>> -> memref<80x128xi32, #tpu.memory_space<hbm>>
      %dma_wait3A_13 = arith.constant 0 : i32
      %dma_wait3A_14 = tpu.memref_slice %arg2[%mul3A_2, %dma_wait3A_13] : memref<2560x128xi32, #tpu.memory_space<hbm>> -> memref<80x128xi32, #tpu.memory_space<hbm>>
      tpu.wait_dma2 semaphore(%run_scoped3A : memref<!tpu.dma_semaphore, #tpu.memory_space<semaphore_mem>>) src(%dma_wait3A_14 : memref<80x128xi32, #tpu.memory_space<hbm>>) dst(%arg5 : memref<80x128xi32, #tpu.memory_space<vmem>>)
      tpu.yield
    }) : () -> ()
    "tpu.region"() ({
      %run_scoped3A = tpu.sem_alloc : memref<!tpu.dma_semaphore, #tpu.memory_space<semaphore_mem>>
      tpu.enqueue_dma source(%arg3 : memref<10240xf32, #tpu.memory_space<hbm>>) target(%arg6 : memref<10240xf32, #tpu.memory_space<vmem>>) target_semaphore(%run_scoped3A : memref<!tpu.dma_semaphore, #tpu.memory_space<semaphore_mem>>)
      tpu.wait_dma2 semaphore(%run_scoped3A : memref<!tpu.dma_semaphore, #tpu.memory_space<semaphore_mem>>) src(%arg3 : memref<10240xf32, #tpu.memory_space<hbm>>) dst(%arg6 : memref<10240xf32, #tpu.memory_space<vmem>>)
      tpu.yield
    }) : () -> ()
    %broadcast_in_dim3A = arith.constant 1.000000e+00 : f32
    %broadcast_in_dim3A_3 = vector.broadcast %broadcast_in_dim3A : f32 to vector<16xf32>
    %scan3A = arith.constant 0 : i32
    %scan3A_4 = arith.constant 0 : i32
    %scan3A_5 = arith.constant 80 : i32
    %scan3A_6 = arith.addi %scan3A_4, %scan3A_5 : i32
    %scan3A_7 = arith.constant 1 : i32
    scf.for %scan3A_9 = %scan3A_4 to %scan3A_6 step %scan3A_7  : i32 {
      %scan3A_10 = arith.constant 0 : i32
      %scan3A_11 = arith.constant 8 : i32
      %scan3A_12 = arith.addi %scan3A_10, %scan3A_11 : i32
      %scan3A_13 = arith.constant 1 : i32
      scf.for %scan3A_15 = %scan3A_10 to %scan3A_12 step %scan3A_13  : i32 {
        %mul3A_16 = arith.constant 16 : i32
        %mul3A_17 = arith.muli %scan3A_15, %mul3A_16 : i32
        %get3A = arith.index_cast %scan3A_9 : i32 to index
        %get3A_18 = arith.index_cast %mul3A_17 : i32 to index
        %get3A_19 = tpu.vector_load %arg5[%get3A, %get3A_18] {strides = array<i32>} : memref<80x128xi32, #tpu.memory_space<vmem>>, vector<16xi32>,
        tpu.vector_store_idx %arg6[%get3A_19], %broadcast_in_dim3A_3 {add = true} : memref<10240xf32, #tpu.memory_space<vmem>>[vector<16xi32>], vector<16xf32>,
      }
      %scan3A_14 = arith.constant 8 : i32
    }
    %scan3A_8 = arith.constant 80 : i32
    "tpu.region"() ({
      %run_scoped3A = tpu.sem_alloc : memref<!tpu.dma_semaphore, #tpu.memory_space<semaphore_mem>>
      %dma_start3A = arith.constant 0 : i32
      %dma_start3A_9 = tpu.memref_slice %arg4[%arg0, %arg1, %dma_start3A] : memref<2x16x10240xf32, #tpu.memory_space<hbm>> -> memref<1x1x10240xf32, #tpu.memory_space<hbm>>
      %dma_start3A_10 = tpu.memref_squeeze %dma_start3A_9 : memref<1x1x10240xf32, #tpu.memory_space<hbm>> -> memref<10240xf32, #tpu.memory_space<hbm>>
      %dma_start3A_11 = arith.constant 0 : i32
      %dma_start3A_12 = tpu.memref_slice %arg4[%arg0, %arg1, %dma_start3A_11] : memref<2x16x10240xf32, #tpu.memory_space<hbm>> -> memref<1x1x10240xf32, #tpu.memory_space<hbm>>
      %dma_start3A_13 = tpu.memref_squeeze %dma_start3A_12 : memref<1x1x10240xf32, #tpu.memory_space<hbm>> -> memref<10240xf32, #tpu.memory_space<hbm>>
      tpu.enqueue_dma source(%arg6 : memref<10240xf32, #tpu.memory_space<vmem>>) target(%dma_start3A_13 : memref<10240xf32, #tpu.memory_space<hbm>>) target_semaphore(%run_scoped3A : memref<!tpu.dma_semaphore, #tpu.memory_space<semaphore_mem>>)
      %dma_wait3A = arith.constant 0 : i32
      %dma_wait3A_14 = tpu.memref_slice %arg4[%arg0, %arg1, %dma_wait3A] : memref<2x16x10240xf32, #tpu.memory_space<hbm>> -> memref<1x1x10240xf32, #tpu.memory_space<hbm>>
      %dma_wait3A_15 = tpu.memref_squeeze %dma_wait3A_14 : memref<1x1x10240xf32, #tpu.memory_space<hbm>> -> memref<10240xf32, #tpu.memory_space<hbm>>
      %dma_wait3A_16 = arith.constant 0 : i32
      %dma_wait3A_17 = tpu.memref_slice %arg4[%arg0, %arg1, %dma_wait3A_16] : memref<2x16x10240xf32, #tpu.memory_space<hbm>> -> memref<1x1x10240xf32, #tpu.memory_space<hbm>>
      %dma_wait3A_18 = tpu.memref_squeeze %dma_wait3A_17 : memref<1x1x10240xf32, #tpu.memory_space<hbm>> -> memref<10240xf32, #tpu.memory_space<hbm>>
      tpu.wait_dma2 semaphore(%run_scoped3A : memref<!tpu.dma_semaphore, #tpu.memory_space<semaphore_mem>>) src(%arg6 : memref<10240xf32, #tpu.memory_space<vmem>>) dst(%dma_wait3A_18 : memref<10240xf32, #tpu.memory_space<hbm>>)
      tpu.yield
    }) : () -> ()
    return
  }
}

#map = affine_map<(d0, d1) -> (0, 0)>
#map1 = affine_map<(d0, d1) -> (0, 0, 0)>
module attributes {stable_mosaic.version = 14 : i64} {
  func.func @_agg_kernel(%arg0: i32, %arg1: i32, %arg2: memref<10240x128xf32, #tpu.memory_space<hbm>>, %arg3: memref<2560x128xi32, #tpu.memory_space<hbm>>, %arg4: memref<2560x128xi32, #tpu.memory_space<hbm>>, %arg5: memref<640x128xf32, #tpu.memory_space<hbm>>, %arg6: memref<2x10240x128xf32, #tpu.memory_space<hbm>>, %arg7: memref<32x128xi32, #tpu.memory_space<vmem>>, %arg8: memref<32x128xi32, #tpu.memory_space<vmem>>, %arg9: memref<128x128xf32, #tpu.memory_space<vmem>>, %arg10: memref<128x128xf32, #tpu.memory_space<vmem>>, %arg11: memref<10240x128xf32, #tpu.memory_space<vmem_shared>>, %arg12: memref<!tpu.dma_semaphore, #tpu.memory_space<semaphore_mem>>, %arg13: memref<!tpu.dma_semaphore, #tpu.memory_space<semaphore_mem>>) attributes {dimension_semantics = [#tpu.dimension_semantics<core_parallel>, #tpu.dimension_semantics<subcore_parallel>], iteration_bounds = array<i64: 2, 16>, scalar_prefetch = 0 : i64, scratch_operands = 7 : i64, tpu.core_type = #tpu.core_type<sc_vector_subcore>, window_params = [{transform_indices = #map}, {transform_indices = #map}, {transform_indices = #map}, {transform_indices = #map}, {transform_indices = #map1}]} {
    %eq3A = arith.constant 0 : i32
    %eq3A_0 = arith.cmpi eq, %arg0, %eq3A : i32
    %mul3A = arith.constant 128 : i32
    %mul3A_1 = arith.muli %arg1, %mul3A : i32
    %mul3A_2 = arith.constant 32 : i32
    %mul3A_3 = arith.muli %arg1, %mul3A_2 : i32
    %add3A = arith.constant 2048 : i32
    %add3A_4 = arith.addi %add3A, %mul3A_3 : i32
    %select_n3A = arith.select %eq3A_0, %mul3A_1, %add3A_4 : i32
    %eq3A_5 = arith.constant 0 : i32
    %eq3A_6 = arith.cmpi eq, %arg0, %eq3A_5 : i32
    %jit3A = arith.constant 4 : i32
    %jit3A_7 = arith.constant 1 : i32
    %select_n3A_8 = arith.select %eq3A_6, %jit3A, %jit3A_7 : i32
    %mul3A_9 = arith.constant 640 : i32
    %mul3A_10 = arith.muli %arg1, %mul3A_9 : i32
    "tpu.region"() ({
      %run_scoped3A = tpu.sem_alloc : memref<!tpu.dma_semaphore, #tpu.memory_space<semaphore_mem>>
      %dma_start3A = arith.constant 0 : i32
      %dma_start3A_33 = tpu.memref_slice %arg11[%mul3A_10, %dma_start3A] : memref<10240x128xf32, #tpu.memory_space<vmem_shared>> -> memref<640x128xf32, #tpu.memory_space<vmem_shared>>
      tpu.enqueue_dma source(%arg5 : memref<640x128xf32, #tpu.memory_space<hbm>>) target(%dma_start3A_33 : memref<640x128xf32, #tpu.memory_space<vmem_shared>>) target_semaphore(%run_scoped3A : memref<!tpu.dma_semaphore, #tpu.memory_space<semaphore_mem>>)
      %dma_wait3A = arith.constant 0 : i32
      %dma_wait3A_34 = tpu.memref_slice %arg11[%mul3A_10, %dma_wait3A] : memref<10240x128xf32, #tpu.memory_space<vmem_shared>> -> memref<640x128xf32, #tpu.memory_space<vmem_shared>>
      tpu.wait_dma2 semaphore(%run_scoped3A : memref<!tpu.dma_semaphore, #tpu.memory_space<semaphore_mem>>) src(%arg5 : memref<640x128xf32, #tpu.memory_space<hbm>>) dst(%dma_wait3A_34 : memref<640x128xf32, #tpu.memory_space<vmem_shared>>)
      tpu.yield
    }) : () -> ()
    %barrier3A = arith.constant 0 : index
    tpu.barrier barrier_id(%barrier3A)
    %gt3A = arith.constant 0 : i32
    %gt3A_11 = arith.cmpi sgt, %select_n3A_8, %gt3A : i32
    %convert_element_type3A = arith.extui %gt3A_11 : i1 to i32
    %cond3A = arith.constant 0 : i32
    %cond3A_12 = arith.cmpi ne, %convert_element_type3A, %cond3A : i32
    scf.if %cond3A_12 {
      %add3A_33 = arith.constant 0 : i32
      %add3A_34 = arith.addi %select_n3A, %add3A_33 : i32
      "tpu.region"() ({
        %run_scoped3A = tpu.sem_alloc : memref<!tpu.dma_semaphore, #tpu.memory_space<semaphore_mem>>
        %dma_start3A_48 = arith.constant 0 : i32
        %dma_start3A_49 = tpu.memref_slice %arg3[%add3A_34, %dma_start3A_48] : memref<2560x128xi32, #tpu.memory_space<hbm>> -> memref<32x128xi32, #tpu.memory_space<hbm>>
        %dma_start3A_50 = arith.constant 0 : i32
        %dma_start3A_51 = tpu.memref_slice %arg3[%add3A_34, %dma_start3A_50] : memref<2560x128xi32, #tpu.memory_space<hbm>> -> memref<32x128xi32, #tpu.memory_space<hbm>>
        tpu.enqueue_dma source(%dma_start3A_51 : memref<32x128xi32, #tpu.memory_space<hbm>>) target(%arg7 : memref<32x128xi32, #tpu.memory_space<vmem>>) target_semaphore(%run_scoped3A : memref<!tpu.dma_semaphore, #tpu.memory_space<semaphore_mem>>)
        %dma_wait3A = arith.constant 0 : i32
        %dma_wait3A_52 = tpu.memref_slice %arg3[%add3A_34, %dma_wait3A] : memref<2560x128xi32, #tpu.memory_space<hbm>> -> memref<32x128xi32, #tpu.memory_space<hbm>>
        %dma_wait3A_53 = arith.constant 0 : i32
        %dma_wait3A_54 = tpu.memref_slice %arg3[%add3A_34, %dma_wait3A_53] : memref<2560x128xi32, #tpu.memory_space<hbm>> -> memref<32x128xi32, #tpu.memory_space<hbm>>
        tpu.wait_dma2 semaphore(%run_scoped3A : memref<!tpu.dma_semaphore, #tpu.memory_space<semaphore_mem>>) src(%dma_wait3A_54 : memref<32x128xi32, #tpu.memory_space<hbm>>) dst(%arg7 : memref<32x128xi32, #tpu.memory_space<vmem>>)
        tpu.yield
      }) : () -> ()
      %add3A_35 = arith.constant 0 : i32
      %add3A_36 = arith.addi %select_n3A, %add3A_35 : i32
      "tpu.region"() ({
        %run_scoped3A = tpu.sem_alloc : memref<!tpu.dma_semaphore, #tpu.memory_space<semaphore_mem>>
        %dma_start3A_48 = arith.constant 0 : i32
        %dma_start3A_49 = tpu.memref_slice %arg4[%add3A_36, %dma_start3A_48] : memref<2560x128xi32, #tpu.memory_space<hbm>> -> memref<32x128xi32, #tpu.memory_space<hbm>>
        %dma_start3A_50 = arith.constant 0 : i32
        %dma_start3A_51 = tpu.memref_slice %arg4[%add3A_36, %dma_start3A_50] : memref<2560x128xi32, #tpu.memory_space<hbm>> -> memref<32x128xi32, #tpu.memory_space<hbm>>
        tpu.enqueue_dma source(%dma_start3A_51 : memref<32x128xi32, #tpu.memory_space<hbm>>) target(%arg8 : memref<32x128xi32, #tpu.memory_space<vmem>>) target_semaphore(%run_scoped3A : memref<!tpu.dma_semaphore, #tpu.memory_space<semaphore_mem>>)
        %dma_wait3A = arith.constant 0 : i32
        %dma_wait3A_52 = tpu.memref_slice %arg4[%add3A_36, %dma_wait3A] : memref<2560x128xi32, #tpu.memory_space<hbm>> -> memref<32x128xi32, #tpu.memory_space<hbm>>
        %dma_wait3A_53 = arith.constant 0 : i32
        %dma_wait3A_54 = tpu.memref_slice %arg4[%add3A_36, %dma_wait3A_53] : memref<2560x128xi32, #tpu.memory_space<hbm>> -> memref<32x128xi32, #tpu.memory_space<hbm>>
        tpu.wait_dma2 semaphore(%run_scoped3A : memref<!tpu.dma_semaphore, #tpu.memory_space<semaphore_mem>>) src(%dma_wait3A_54 : memref<32x128xi32, #tpu.memory_space<hbm>>) dst(%arg8 : memref<32x128xi32, #tpu.memory_space<vmem>>)
        tpu.yield
      }) : () -> ()
      %dma_start3A = arith.constant 0 : i32
      %dma_start3A_37 = arith.constant 0 : i32
      %dma_start3A_38 = tpu.memref_slice %arg7[%dma_start3A, %dma_start3A_37] : memref<32x128xi32, #tpu.memory_space<vmem>> -> memref<1x128xi32, #tpu.memory_space<vmem>>
      %dma_start3A_39 = tpu.memref_squeeze %dma_start3A_38 : memref<1x128xi32, #tpu.memory_space<vmem>> -> memref<128xi32, #tpu.memory_space<vmem>>
      %dma_start3A_40 = arith.constant 0 : i32
      %dma_start3A_41 = arith.constant 0 : i32
      %dma_start3A_42 = tpu.memref_slice %arg2[%dma_start3A_40, %dma_start3A_41] : memref<10240x128xf32, #tpu.memory_space<hbm>> -> memref<10240x128xf32, #tpu.memory_space<hbm>>
      tpu.enqueue_indirect_dma source(%dma_start3A_42 : memref<10240x128xf32, #tpu.memory_space<hbm>>) target(%arg9 : memref<128x128xf32, #tpu.memory_space<vmem>>) offsets(%dma_start3A_39 : memref<128xi32, #tpu.memory_space<vmem>>) semaphore(%arg12 : memref<!tpu.dma_semaphore, #tpu.memory_space<semaphore_mem>>)
      %scan3A = arith.constant 0 : i32
      %scan3A_43 = arith.constant 0 : i32
      %scan3A_44 = arith.constant 16 : i32
      %scan3A_45 = arith.addi %scan3A_43, %scan3A_44 : i32
      %scan3A_46 = arith.constant 1 : i32
      scf.for %scan3A_48 = %scan3A_43 to %scan3A_45 step %scan3A_46  : i32 {
        %mul3A_49 = arith.constant 2 : i32
        %mul3A_50 = arith.muli %mul3A_49, %scan3A_48 : i32
        %mul3A_51 = arith.constant 2 : i32
        %mul3A_52 = arith.muli %mul3A_51, %scan3A_48 : i32
        %add3A_53 = arith.constant 1 : i32
        %add3A_54 = arith.addi %mul3A_52, %add3A_53 : i32
        %dma_start3A_55 = arith.constant 0 : i32
        %dma_start3A_56 = tpu.memref_slice %arg7[%add3A_54, %dma_start3A_55] : memref<32x128xi32, #tpu.memory_space<vmem>> -> memref<1x128xi32, #tpu.memory_space<vmem>>
        %dma_start3A_57 = tpu.memref_squeeze %dma_start3A_56 : memref<1x128xi32, #tpu.memory_space<vmem>> -> memref<128xi32, #tpu.memory_space<vmem>>
        %dma_start3A_58 = arith.constant 0 : i32
        %dma_start3A_59 = arith.constant 0 : i32
        %dma_start3A_60 = tpu.memref_slice %arg2[%dma_start3A_58, %dma_start3A_59] : memref<10240x128xf32, #tpu.memory_space<hbm>> -> memref<10240x128xf32, #tpu.memory_space<hbm>>
        tpu.enqueue_indirect_dma source(%dma_start3A_60 : memref<10240x128xf32, #tpu.memory_space<hbm>>) target(%arg10 : memref<128x128xf32, #tpu.memory_space<vmem>>) offsets(%dma_start3A_57 : memref<128xi32, #tpu.memory_space<vmem>>) semaphore(%arg13 : memref<!tpu.dma_semaphore, #tpu.memory_space<semaphore_mem>>)
        %dma_wait3A = arith.constant 0 : i32
        %dma_wait3A_61 = tpu.memref_slice %arg7[%mul3A_50, %dma_wait3A] : memref<32x128xi32, #tpu.memory_space<vmem>> -> memref<1x128xi32, #tpu.memory_space<vmem>>
        %dma_wait3A_62 = tpu.memref_squeeze %dma_wait3A_61 : memref<1x128xi32, #tpu.memory_space<vmem>> -> memref<128xi32, #tpu.memory_space<vmem>>
        %dma_wait3A_63 = arith.constant 0 : i32
        %dma_wait3A_64 = arith.constant 0 : i32
        %dma_wait3A_65 = tpu.memref_slice %arg2[%dma_wait3A_63, %dma_wait3A_64] : memref<10240x128xf32, #tpu.memory_space<hbm>> -> memref<10240x128xf32, #tpu.memory_space<hbm>>
        tpu.wait_indirect_dma semaphore(%arg12 : memref<!tpu.dma_semaphore, #tpu.memory_space<semaphore_mem>>) src(%dma_wait3A_65 : memref<10240x128xf32, #tpu.memory_space<hbm>>) dst(%arg9 : memref<128x128xf32, #tpu.memory_space<vmem>>)
        "tpu.region"() ({
          %run_scoped3A = tpu.sem_alloc : memref<!tpu.dma_semaphore, #tpu.memory_space<semaphore_mem>>
          %dma_start3A_78 = arith.constant 0 : i32
          %dma_start3A_79 = tpu.memref_slice %arg8[%mul3A_50, %dma_start3A_78] : memref<32x128xi32, #tpu.memory_space<vmem>> -> memref<1x128xi32, #tpu.memory_space<vmem>>
          %dma_start3A_80 = tpu.memref_squeeze %dma_start3A_79 : memref<1x128xi32, #tpu.memory_space<vmem>> -> memref<128xi32, #tpu.memory_space<vmem>>
          %dma_start3A_81 = arith.constant 0 : i32
          %dma_start3A_82 = arith.constant 0 : i32
          %dma_start3A_83 = tpu.memref_slice %arg11[%dma_start3A_81, %dma_start3A_82] : memref<10240x128xf32, #tpu.memory_space<vmem_shared>> -> memref<10240x128xf32, #tpu.memory_space<vmem_shared>>
          tpu.enqueue_indirect_dma source(%arg9 : memref<128x128xf32, #tpu.memory_space<vmem>>) target(%dma_start3A_83 : memref<10240x128xf32, #tpu.memory_space<vmem_shared>>) offsets(%dma_start3A_80 : memref<128xi32, #tpu.memory_space<vmem>>) semaphore(%run_scoped3A : memref<!tpu.dma_semaphore, #tpu.memory_space<semaphore_mem>>) {add = true}
          %dma_wait3A_84 = arith.constant 0 : i32
          %dma_wait3A_85 = tpu.memref_slice %arg8[%mul3A_50, %dma_wait3A_84] : memref<32x128xi32, #tpu.memory_space<vmem>> -> memref<1x128xi32, #tpu.memory_space<vmem>>
          %dma_wait3A_86 = tpu.memref_squeeze %dma_wait3A_85 : memref<1x128xi32, #tpu.memory_space<vmem>> -> memref<128xi32, #tpu.memory_space<vmem>>
          %dma_wait3A_87 = arith.constant 0 : i32
          %dma_wait3A_88 = arith.constant 0 : i32
          %dma_wait3A_89 = tpu.memref_slice %arg11[%dma_wait3A_87, %dma_wait3A_88] : memref<10240x128xf32, #tpu.memory_space<vmem_shared>> -> memref<10240x128xf32, #tpu.memory_space<vmem_shared>>
          tpu.wait_indirect_dma semaphore(%run_scoped3A : memref<!tpu.dma_semaphore, #tpu.memory_space<semaphore_mem>>) src(%arg9 : memref<128x128xf32, #tpu.memory_space<vmem>>) dst(%dma_wait3A_89 : memref<10240x128xf32, #tpu.memory_space<vmem_shared>>)
          tpu.yield
        }) : () -> ()
        %add3A_66 = arith.constant 1 : i32
        %add3A_67 = arith.addi %add3A_54, %add3A_66 : i32
        %lt3A = arith.constant 32 : i32
        %lt3A_68 = arith.cmpi slt, %add3A_67, %lt3A : i32
        %convert_element_type3A_69 = arith.extui %lt3A_68 : i1 to i32
        %cond3A_70 = arith.constant 0 : i32
        %cond3A_71 = arith.cmpi ne, %convert_element_type3A_69, %cond3A_70 : i32
        scf.if %cond3A_71 {
          %add3A_78 = arith.constant 1 : i32
          %add3A_79 = arith.addi %add3A_54, %add3A_78 : i32
          %dma_start3A_80 = arith.constant 0 : i32
          %dma_start3A_81 = tpu.memref_slice %arg7[%add3A_79, %dma_start3A_80] : memref<32x128xi32, #tpu.memory_space<vmem>> -> memref<1x128xi32, #tpu.memory_space<vmem>>
          %dma_start3A_82 = tpu.memref_squeeze %dma_start3A_81 : memref<1x128xi32, #tpu.memory_space<vmem>> -> memref<128xi32, #tpu.memory_space<vmem>>
          %dma_start3A_83 = arith.constant 0 : i32
          %dma_start3A_84 = arith.constant 0 : i32
          %dma_start3A_85 = tpu.memref_slice %arg2[%dma_start3A_83, %dma_start3A_84] : memref<10240x128xf32, #tpu.memory_space<hbm>> -> memref<10240x128xf32, #tpu.memory_space<hbm>>
          tpu.enqueue_indirect_dma source(%dma_start3A_85 : memref<10240x128xf32, #tpu.memory_space<hbm>>) target(%arg9 : memref<128x128xf32, #tpu.memory_space<vmem>>) offsets(%dma_start3A_82 : memref<128xi32, #tpu.memory_space<vmem>>) semaphore(%arg12 : memref<!tpu.dma_semaphore, #tpu.memory_space<semaphore_mem>>)
        } else {
        }
        %dma_wait3A_72 = arith.constant 0 : i32
        %dma_wait3A_73 = tpu.memref_slice %arg7[%add3A_54, %dma_wait3A_72] : memref<32x128xi32, #tpu.memory_space<vmem>> -> memref<1x128xi32, #tpu.memory_space<vmem>>
        %dma_wait3A_74 = tpu.memref_squeeze %dma_wait3A_73 : memref<1x128xi32, #tpu.memory_space<vmem>> -> memref<128xi32, #tpu.memory_space<vmem>>
        %dma_wait3A_75 = arith.constant 0 : i32
        %dma_wait3A_76 = arith.constant 0 : i32
        %dma_wait3A_77 = tpu.memref_slice %arg2[%dma_wait3A_75, %dma_wait3A_76] : memref<10240x128xf32, #tpu.memory_space<hbm>> -> memref<10240x128xf32, #tpu.memory_space<hbm>>
        tpu.wait_indirect_dma semaphore(%arg13 : memref<!tpu.dma_semaphore, #tpu.memory_space<semaphore_mem>>) src(%dma_wait3A_77 : memref<10240x128xf32, #tpu.memory_space<hbm>>) dst(%arg10 : memref<128x128xf32, #tpu.memory_space<vmem>>)
        "tpu.region"() ({
          %run_scoped3A = tpu.sem_alloc : memref<!tpu.dma_semaphore, #tpu.memory_space<semaphore_mem>>
          %dma_start3A_78 = arith.constant 0 : i32
          %dma_start3A_79 = tpu.memref_slice %arg8[%add3A_54, %dma_start3A_78] : memref<32x128xi32, #tpu.memory_space<vmem>> -> memref<1x128xi32, #tpu.memory_space<vmem>>
          %dma_start3A_80 = tpu.memref_squeeze %dma_start3A_79 : memref<1x128xi32, #tpu.memory_space<vmem>> -> memref<128xi32, #tpu.memory_space<vmem>>
          %dma_start3A_81 = arith.constant 0 : i32
          %dma_start3A_82 = arith.constant 0 : i32
          %dma_start3A_83 = tpu.memref_slice %arg11[%dma_start3A_81, %dma_start3A_82] : memref<10240x128xf32, #tpu.memory_space<vmem_shared>> -> memref<10240x128xf32, #tpu.memory_space<vmem_shared>>
          tpu.enqueue_indirect_dma source(%arg10 : memref<128x128xf32, #tpu.memory_space<vmem>>) target(%dma_start3A_83 : memref<10240x128xf32, #tpu.memory_space<vmem_shared>>) offsets(%dma_start3A_80 : memref<128xi32, #tpu.memory_space<vmem>>) semaphore(%run_scoped3A : memref<!tpu.dma_semaphore, #tpu.memory_space<semaphore_mem>>) {add = true}
          %dma_wait3A_84 = arith.constant 0 : i32
          %dma_wait3A_85 = tpu.memref_slice %arg8[%add3A_54, %dma_wait3A_84] : memref<32x128xi32, #tpu.memory_space<vmem>> -> memref<1x128xi32, #tpu.memory_space<vmem>>
          %dma_wait3A_86 = tpu.memref_squeeze %dma_wait3A_85 : memref<1x128xi32, #tpu.memory_space<vmem>> -> memref<128xi32, #tpu.memory_space<vmem>>
          %dma_wait3A_87 = arith.constant 0 : i32
          %dma_wait3A_88 = arith.constant 0 : i32
          %dma_wait3A_89 = tpu.memref_slice %arg11[%dma_wait3A_87, %dma_wait3A_88] : memref<10240x128xf32, #tpu.memory_space<vmem_shared>> -> memref<10240x128xf32, #tpu.memory_space<vmem_shared>>
          tpu.wait_indirect_dma semaphore(%run_scoped3A : memref<!tpu.dma_semaphore, #tpu.memory_space<semaphore_mem>>) src(%arg10 : memref<128x128xf32, #tpu.memory_space<vmem>>) dst(%dma_wait3A_89 : memref<10240x128xf32, #tpu.memory_space<vmem_shared>>)
          tpu.yield
        }) : () -> ()
      }
      %scan3A_47 = arith.constant 16 : i32
    } else {
    }
    %gt3A_13 = arith.constant 1 : i32
    %gt3A_14 = arith.cmpi sgt, %select_n3A_8, %gt3A_13 : i32
    %convert_element_type3A_15 = arith.extui %gt3A_14 : i1 to i32
    %cond3A_16 = arith.constant 0 : i32
    %cond3A_17 = arith.cmpi ne, %convert_element_type3A_15, %cond3A_16 : i32
    scf.if %cond3A_17 {
      %add3A_33 = arith.constant 32 : i32
      %add3A_34 = arith.addi %select_n3A, %add3A_33 : i32
      "tpu.region"() ({
        %run_scoped3A = tpu.sem_alloc : memref<!tpu.dma_semaphore, #tpu.memory_space<semaphore_mem>>
        %dma_start3A_48 = arith.constant 0 : i32
        %dma_start3A_49 = tpu.memref_slice %arg3[%add3A_34, %dma_start3A_48] : memref<2560x128xi32, #tpu.memory_space<hbm>> -> memref<32x128xi32, #tpu.memory_space<hbm>>
        %dma_start3A_50 = arith.constant 0 : i32
        %dma_start3A_51 = tpu.memref_slice %arg3[%add3A_34, %dma_start3A_50] : memref<2560x128xi32, #tpu.memory_space<hbm>> -> memref<32x128xi32, #tpu.memory_space<hbm>>
        tpu.enqueue_dma source(%dma_start3A_51 : memref<32x128xi32, #tpu.memory_space<hbm>>) target(%arg7 : memref<32x128xi32, #tpu.memory_space<vmem>>) target_semaphore(%run_scoped3A : memref<!tpu.dma_semaphore, #tpu.memory_space<semaphore_mem>>)
        %dma_wait3A = arith.constant 0 : i32
        %dma_wait3A_52 = tpu.memref_slice %arg3[%add3A_34, %dma_wait3A] : memref<2560x128xi32, #tpu.memory_space<hbm>> -> memref<32x128xi32, #tpu.memory_space<hbm>>
        %dma_wait3A_53 = arith.constant 0 : i32
        %dma_wait3A_54 = tpu.memref_slice %arg3[%add3A_34, %dma_wait3A_53] : memref<2560x128xi32, #tpu.memory_space<hbm>> -> memref<32x128xi32, #tpu.memory_space<hbm>>
        tpu.wait_dma2 semaphore(%run_scoped3A : memref<!tpu.dma_semaphore, #tpu.memory_space<semaphore_mem>>) src(%dma_wait3A_54 : memref<32x128xi32, #tpu.memory_space<hbm>>) dst(%arg7 : memref<32x128xi32, #tpu.memory_space<vmem>>)
        tpu.yield
      }) : () -> ()
      %add3A_35 = arith.constant 32 : i32
      %add3A_36 = arith.addi %select_n3A, %add3A_35 : i32
      "tpu.region"() ({
        %run_scoped3A = tpu.sem_alloc : memref<!tpu.dma_semaphore, #tpu.memory_space<semaphore_mem>>
        %dma_start3A_48 = arith.constant 0 : i32
        %dma_start3A_49 = tpu.memref_slice %arg4[%add3A_36, %dma_start3A_48] : memref<2560x128xi32, #tpu.memory_space<hbm>> -> memref<32x128xi32, #tpu.memory_space<hbm>>
        %dma_start3A_50 = arith.constant 0 : i32
        %dma_start3A_51 = tpu.memref_slice %arg4[%add3A_36, %dma_start3A_50] : memref<2560x128xi32, #tpu.memory_space<hbm>> -> memref<32x128xi32, #tpu.memory_space<hbm>>
        tpu.enqueue_dma source(%dma_start3A_51 : memref<32x128xi32, #tpu.memory_space<hbm>>) target(%arg8 : memref<32x128xi32, #tpu.memory_space<vmem>>) target_semaphore(%run_scoped3A : memref<!tpu.dma_semaphore, #tpu.memory_space<semaphore_mem>>)
        %dma_wait3A = arith.constant 0 : i32
        %dma_wait3A_52 = tpu.memref_slice %arg4[%add3A_36, %dma_wait3A] : memref<2560x128xi32, #tpu.memory_space<hbm>> -> memref<32x128xi32, #tpu.memory_space<hbm>>
        %dma_wait3A_53 = arith.constant 0 : i32
        %dma_wait3A_54 = tpu.memref_slice %arg4[%add3A_36, %dma_wait3A_53] : memref<2560x128xi32, #tpu.memory_space<hbm>> -> memref<32x128xi32, #tpu.memory_space<hbm>>
        tpu.wait_dma2 semaphore(%run_scoped3A : memref<!tpu.dma_semaphore, #tpu.memory_space<semaphore_mem>>) src(%dma_wait3A_54 : memref<32x128xi32, #tpu.memory_space<hbm>>) dst(%arg8 : memref<32x128xi32, #tpu.memory_space<vmem>>)
        tpu.yield
      }) : () -> ()
      %dma_start3A = arith.constant 0 : i32
      %dma_start3A_37 = arith.constant 0 : i32
      %dma_start3A_38 = tpu.memref_slice %arg7[%dma_start3A, %dma_start3A_37] : memref<32x128xi32, #tpu.memory_space<vmem>> -> memref<1x128xi32, #tpu.memory_space<vmem>>
      %dma_start3A_39 = tpu.memref_squeeze %dma_start3A_38 : memref<1x128xi32, #tpu.memory_space<vmem>> -> memref<128xi32, #tpu.memory_space<vmem>>
      %dma_start3A_40 = arith.constant 0 : i32
      %dma_start3A_41 = arith.constant 0 : i32
      %dma_start3A_42 = tpu.memref_slice %arg2[%dma_start3A_40, %dma_start3A_41] : memref<10240x128xf32, #tpu.memory_space<hbm>> -> memref<10240x128xf32, #tpu.memory_space<hbm>>
      tpu.enqueue_indirect_dma source(%dma_start3A_42 : memref<10240x128xf32, #tpu.memory_space<hbm>>) target(%arg9 : memref<128x128xf32, #tpu.memory_space<vmem>>) offsets(%dma_start3A_39 : memref<128xi32, #tpu.memory_space<vmem>>) semaphore(%arg12 : memref<!tpu.dma_semaphore, #tpu.memory_space<semaphore_mem>>)
      %scan3A = arith.constant 0 : i32
      %scan3A_43 = arith.constant 0 : i32
      %scan3A_44 = arith.constant 16 : i32
      %scan3A_45 = arith.addi %scan3A_43, %scan3A_44 : i32
      %scan3A_46 = arith.constant 1 : i32
      scf.for %scan3A_48 = %scan3A_43 to %scan3A_45 step %scan3A_46  : i32 {
        %mul3A_49 = arith.constant 2 : i32
        %mul3A_50 = arith.muli %mul3A_49, %scan3A_48 : i32
        %mul3A_51 = arith.constant 2 : i32
        %mul3A_52 = arith.muli %mul3A_51, %scan3A_48 : i32
        %add3A_53 = arith.constant 1 : i32
        %add3A_54 = arith.addi %mul3A_52, %add3A_53 : i32
        %dma_start3A_55 = arith.constant 0 : i32
        %dma_start3A_56 = tpu.memref_slice %arg7[%add3A_54, %dma_start3A_55] : memref<32x128xi32, #tpu.memory_space<vmem>> -> memref<1x128xi32, #tpu.memory_space<vmem>>
        %dma_start3A_57 = tpu.memref_squeeze %dma_start3A_56 : memref<1x128xi32, #tpu.memory_space<vmem>> -> memref<128xi32, #tpu.memory_space<vmem>>
        %dma_start3A_58 = arith.constant 0 : i32
        %dma_start3A_59 = arith.constant 0 : i32
        %dma_start3A_60 = tpu.memref_slice %arg2[%dma_start3A_58, %dma_start3A_59] : memref<10240x128xf32, #tpu.memory_space<hbm>> -> memref<10240x128xf32, #tpu.memory_space<hbm>>
        tpu.enqueue_indirect_dma source(%dma_start3A_60 : memref<10240x128xf32, #tpu.memory_space<hbm>>) target(%arg10 : memref<128x128xf32, #tpu.memory_space<vmem>>) offsets(%dma_start3A_57 : memref<128xi32, #tpu.memory_space<vmem>>) semaphore(%arg13 : memref<!tpu.dma_semaphore, #tpu.memory_space<semaphore_mem>>)
        %dma_wait3A = arith.constant 0 : i32
        %dma_wait3A_61 = tpu.memref_slice %arg7[%mul3A_50, %dma_wait3A] : memref<32x128xi32, #tpu.memory_space<vmem>> -> memref<1x128xi32, #tpu.memory_space<vmem>>
        %dma_wait3A_62 = tpu.memref_squeeze %dma_wait3A_61 : memref<1x128xi32, #tpu.memory_space<vmem>> -> memref<128xi32, #tpu.memory_space<vmem>>
        %dma_wait3A_63 = arith.constant 0 : i32
        %dma_wait3A_64 = arith.constant 0 : i32
        %dma_wait3A_65 = tpu.memref_slice %arg2[%dma_wait3A_63, %dma_wait3A_64] : memref<10240x128xf32, #tpu.memory_space<hbm>> -> memref<10240x128xf32, #tpu.memory_space<hbm>>
        tpu.wait_indirect_dma semaphore(%arg12 : memref<!tpu.dma_semaphore, #tpu.memory_space<semaphore_mem>>) src(%dma_wait3A_65 : memref<10240x128xf32, #tpu.memory_space<hbm>>) dst(%arg9 : memref<128x128xf32, #tpu.memory_space<vmem>>)
        "tpu.region"() ({
          %run_scoped3A = tpu.sem_alloc : memref<!tpu.dma_semaphore, #tpu.memory_space<semaphore_mem>>
          %dma_start3A_78 = arith.constant 0 : i32
          %dma_start3A_79 = tpu.memref_slice %arg8[%mul3A_50, %dma_start3A_78] : memref<32x128xi32, #tpu.memory_space<vmem>> -> memref<1x128xi32, #tpu.memory_space<vmem>>
          %dma_start3A_80 = tpu.memref_squeeze %dma_start3A_79 : memref<1x128xi32, #tpu.memory_space<vmem>> -> memref<128xi32, #tpu.memory_space<vmem>>
          %dma_start3A_81 = arith.constant 0 : i32
          %dma_start3A_82 = arith.constant 0 : i32
          %dma_start3A_83 = tpu.memref_slice %arg11[%dma_start3A_81, %dma_start3A_82] : memref<10240x128xf32, #tpu.memory_space<vmem_shared>> -> memref<10240x128xf32, #tpu.memory_space<vmem_shared>>
          tpu.enqueue_indirect_dma source(%arg9 : memref<128x128xf32, #tpu.memory_space<vmem>>) target(%dma_start3A_83 : memref<10240x128xf32, #tpu.memory_space<vmem_shared>>) offsets(%dma_start3A_80 : memref<128xi32, #tpu.memory_space<vmem>>) semaphore(%run_scoped3A : memref<!tpu.dma_semaphore, #tpu.memory_space<semaphore_mem>>) {add = true}
          %dma_wait3A_84 = arith.constant 0 : i32
          %dma_wait3A_85 = tpu.memref_slice %arg8[%mul3A_50, %dma_wait3A_84] : memref<32x128xi32, #tpu.memory_space<vmem>> -> memref<1x128xi32, #tpu.memory_space<vmem>>
          %dma_wait3A_86 = tpu.memref_squeeze %dma_wait3A_85 : memref<1x128xi32, #tpu.memory_space<vmem>> -> memref<128xi32, #tpu.memory_space<vmem>>
          %dma_wait3A_87 = arith.constant 0 : i32
          %dma_wait3A_88 = arith.constant 0 : i32
          %dma_wait3A_89 = tpu.memref_slice %arg11[%dma_wait3A_87, %dma_wait3A_88] : memref<10240x128xf32, #tpu.memory_space<vmem_shared>> -> memref<10240x128xf32, #tpu.memory_space<vmem_shared>>
          tpu.wait_indirect_dma semaphore(%run_scoped3A : memref<!tpu.dma_semaphore, #tpu.memory_space<semaphore_mem>>) src(%arg9 : memref<128x128xf32, #tpu.memory_space<vmem>>) dst(%dma_wait3A_89 : memref<10240x128xf32, #tpu.memory_space<vmem_shared>>)
          tpu.yield
        }) : () -> ()
        %add3A_66 = arith.constant 1 : i32
        %add3A_67 = arith.addi %add3A_54, %add3A_66 : i32
        %lt3A = arith.constant 32 : i32
        %lt3A_68 = arith.cmpi slt, %add3A_67, %lt3A : i32
        %convert_element_type3A_69 = arith.extui %lt3A_68 : i1 to i32
        %cond3A_70 = arith.constant 0 : i32
        %cond3A_71 = arith.cmpi ne, %convert_element_type3A_69, %cond3A_70 : i32
        scf.if %cond3A_71 {
          %add3A_78 = arith.constant 1 : i32
          %add3A_79 = arith.addi %add3A_54, %add3A_78 : i32
          %dma_start3A_80 = arith.constant 0 : i32
          %dma_start3A_81 = tpu.memref_slice %arg7[%add3A_79, %dma_start3A_80] : memref<32x128xi32, #tpu.memory_space<vmem>> -> memref<1x128xi32, #tpu.memory_space<vmem>>
          %dma_start3A_82 = tpu.memref_squeeze %dma_start3A_81 : memref<1x128xi32, #tpu.memory_space<vmem>> -> memref<128xi32, #tpu.memory_space<vmem>>
          %dma_start3A_83 = arith.constant 0 : i32
          %dma_start3A_84 = arith.constant 0 : i32
          %dma_start3A_85 = tpu.memref_slice %arg2[%dma_start3A_83, %dma_start3A_84] : memref<10240x128xf32, #tpu.memory_space<hbm>> -> memref<10240x128xf32, #tpu.memory_space<hbm>>
          tpu.enqueue_indirect_dma source(%dma_start3A_85 : memref<10240x128xf32, #tpu.memory_space<hbm>>) target(%arg9 : memref<128x128xf32, #tpu.memory_space<vmem>>) offsets(%dma_start3A_82 : memref<128xi32, #tpu.memory_space<vmem>>) semaphore(%arg12 : memref<!tpu.dma_semaphore, #tpu.memory_space<semaphore_mem>>)
        } else {
        }
        %dma_wait3A_72 = arith.constant 0 : i32
        %dma_wait3A_73 = tpu.memref_slice %arg7[%add3A_54, %dma_wait3A_72] : memref<32x128xi32, #tpu.memory_space<vmem>> -> memref<1x128xi32, #tpu.memory_space<vmem>>
        %dma_wait3A_74 = tpu.memref_squeeze %dma_wait3A_73 : memref<1x128xi32, #tpu.memory_space<vmem>> -> memref<128xi32, #tpu.memory_space<vmem>>
        %dma_wait3A_75 = arith.constant 0 : i32
        %dma_wait3A_76 = arith.constant 0 : i32
        %dma_wait3A_77 = tpu.memref_slice %arg2[%dma_wait3A_75, %dma_wait3A_76] : memref<10240x128xf32, #tpu.memory_space<hbm>> -> memref<10240x128xf32, #tpu.memory_space<hbm>>
        tpu.wait_indirect_dma semaphore(%arg13 : memref<!tpu.dma_semaphore, #tpu.memory_space<semaphore_mem>>) src(%dma_wait3A_77 : memref<10240x128xf32, #tpu.memory_space<hbm>>) dst(%arg10 : memref<128x128xf32, #tpu.memory_space<vmem>>)
        "tpu.region"() ({
          %run_scoped3A = tpu.sem_alloc : memref<!tpu.dma_semaphore, #tpu.memory_space<semaphore_mem>>
          %dma_start3A_78 = arith.constant 0 : i32
          %dma_start3A_79 = tpu.memref_slice %arg8[%add3A_54, %dma_start3A_78] : memref<32x128xi32, #tpu.memory_space<vmem>> -> memref<1x128xi32, #tpu.memory_space<vmem>>
          %dma_start3A_80 = tpu.memref_squeeze %dma_start3A_79 : memref<1x128xi32, #tpu.memory_space<vmem>> -> memref<128xi32, #tpu.memory_space<vmem>>
          %dma_start3A_81 = arith.constant 0 : i32
          %dma_start3A_82 = arith.constant 0 : i32
          %dma_start3A_83 = tpu.memref_slice %arg11[%dma_start3A_81, %dma_start3A_82] : memref<10240x128xf32, #tpu.memory_space<vmem_shared>> -> memref<10240x128xf32, #tpu.memory_space<vmem_shared>>
          tpu.enqueue_indirect_dma source(%arg10 : memref<128x128xf32, #tpu.memory_space<vmem>>) target(%dma_start3A_83 : memref<10240x128xf32, #tpu.memory_space<vmem_shared>>) offsets(%dma_start3A_80 : memref<128xi32, #tpu.memory_space<vmem>>) semaphore(%run_scoped3A : memref<!tpu.dma_semaphore, #tpu.memory_space<semaphore_mem>>) {add = true}
          %dma_wait3A_84 = arith.constant 0 : i32
          %dma_wait3A_85 = tpu.memref_slice %arg8[%add3A_54, %dma_wait3A_84] : memref<32x128xi32, #tpu.memory_space<vmem>> -> memref<1x128xi32, #tpu.memory_space<vmem>>
          %dma_wait3A_86 = tpu.memref_squeeze %dma_wait3A_85 : memref<1x128xi32, #tpu.memory_space<vmem>> -> memref<128xi32, #tpu.memory_space<vmem>>
          %dma_wait3A_87 = arith.constant 0 : i32
          %dma_wait3A_88 = arith.constant 0 : i32
          %dma_wait3A_89 = tpu.memref_slice %arg11[%dma_wait3A_87, %dma_wait3A_88] : memref<10240x128xf32, #tpu.memory_space<vmem_shared>> -> memref<10240x128xf32, #tpu.memory_space<vmem_shared>>
          tpu.wait_indirect_dma semaphore(%run_scoped3A : memref<!tpu.dma_semaphore, #tpu.memory_space<semaphore_mem>>) src(%arg10 : memref<128x128xf32, #tpu.memory_space<vmem>>) dst(%dma_wait3A_89 : memref<10240x128xf32, #tpu.memory_space<vmem_shared>>)
          tpu.yield
        }) : () -> ()
      }
      %scan3A_47 = arith.constant 16 : i32
    } else {
    }
    %gt3A_18 = arith.constant 2 : i32
    %gt3A_19 = arith.cmpi sgt, %select_n3A_8, %gt3A_18 : i32
    %convert_element_type3A_20 = arith.extui %gt3A_19 : i1 to i32
    %cond3A_21 = arith.constant 0 : i32
    %cond3A_22 = arith.cmpi ne, %convert_element_type3A_20, %cond3A_21 : i32
    scf.if %cond3A_22 {
      %add3A_33 = arith.constant 64 : i32
      %add3A_34 = arith.addi %select_n3A, %add3A_33 : i32
      "tpu.region"() ({
        %run_scoped3A = tpu.sem_alloc : memref<!tpu.dma_semaphore, #tpu.memory_space<semaphore_mem>>
        %dma_start3A_48 = arith.constant 0 : i32
        %dma_start3A_49 = tpu.memref_slice %arg3[%add3A_34, %dma_start3A_48] : memref<2560x128xi32, #tpu.memory_space<hbm>> -> memref<32x128xi32, #tpu.memory_space<hbm>>
        %dma_start3A_50 = arith.constant 0 : i32
        %dma_start3A_51 = tpu.memref_slice %arg3[%add3A_34, %dma_start3A_50] : memref<2560x128xi32, #tpu.memory_space<hbm>> -> memref<32x128xi32, #tpu.memory_space<hbm>>
        tpu.enqueue_dma source(%dma_start3A_51 : memref<32x128xi32, #tpu.memory_space<hbm>>) target(%arg7 : memref<32x128xi32, #tpu.memory_space<vmem>>) target_semaphore(%run_scoped3A : memref<!tpu.dma_semaphore, #tpu.memory_space<semaphore_mem>>)
        %dma_wait3A = arith.constant 0 : i32
        %dma_wait3A_52 = tpu.memref_slice %arg3[%add3A_34, %dma_wait3A] : memref<2560x128xi32, #tpu.memory_space<hbm>> -> memref<32x128xi32, #tpu.memory_space<hbm>>
        %dma_wait3A_53 = arith.constant 0 : i32
        %dma_wait3A_54 = tpu.memref_slice %arg3[%add3A_34, %dma_wait3A_53] : memref<2560x128xi32, #tpu.memory_space<hbm>> -> memref<32x128xi32, #tpu.memory_space<hbm>>
        tpu.wait_dma2 semaphore(%run_scoped3A : memref<!tpu.dma_semaphore, #tpu.memory_space<semaphore_mem>>) src(%dma_wait3A_54 : memref<32x128xi32, #tpu.memory_space<hbm>>) dst(%arg7 : memref<32x128xi32, #tpu.memory_space<vmem>>)
        tpu.yield
      }) : () -> ()
      %add3A_35 = arith.constant 64 : i32
      %add3A_36 = arith.addi %select_n3A, %add3A_35 : i32
      "tpu.region"() ({
        %run_scoped3A = tpu.sem_alloc : memref<!tpu.dma_semaphore, #tpu.memory_space<semaphore_mem>>
        %dma_start3A_48 = arith.constant 0 : i32
        %dma_start3A_49 = tpu.memref_slice %arg4[%add3A_36, %dma_start3A_48] : memref<2560x128xi32, #tpu.memory_space<hbm>> -> memref<32x128xi32, #tpu.memory_space<hbm>>
        %dma_start3A_50 = arith.constant 0 : i32
        %dma_start3A_51 = tpu.memref_slice %arg4[%add3A_36, %dma_start3A_50] : memref<2560x128xi32, #tpu.memory_space<hbm>> -> memref<32x128xi32, #tpu.memory_space<hbm>>
        tpu.enqueue_dma source(%dma_start3A_51 : memref<32x128xi32, #tpu.memory_space<hbm>>) target(%arg8 : memref<32x128xi32, #tpu.memory_space<vmem>>) target_semaphore(%run_scoped3A : memref<!tpu.dma_semaphore, #tpu.memory_space<semaphore_mem>>)
        %dma_wait3A = arith.constant 0 : i32
        %dma_wait3A_52 = tpu.memref_slice %arg4[%add3A_36, %dma_wait3A] : memref<2560x128xi32, #tpu.memory_space<hbm>> -> memref<32x128xi32, #tpu.memory_space<hbm>>
        %dma_wait3A_53 = arith.constant 0 : i32
        %dma_wait3A_54 = tpu.memref_slice %arg4[%add3A_36, %dma_wait3A_53] : memref<2560x128xi32, #tpu.memory_space<hbm>> -> memref<32x128xi32, #tpu.memory_space<hbm>>
        tpu.wait_dma2 semaphore(%run_scoped3A : memref<!tpu.dma_semaphore, #tpu.memory_space<semaphore_mem>>) src(%dma_wait3A_54 : memref<32x128xi32, #tpu.memory_space<hbm>>) dst(%arg8 : memref<32x128xi32, #tpu.memory_space<vmem>>)
        tpu.yield
      }) : () -> ()
      %dma_start3A = arith.constant 0 : i32
      %dma_start3A_37 = arith.constant 0 : i32
      %dma_start3A_38 = tpu.memref_slice %arg7[%dma_start3A, %dma_start3A_37] : memref<32x128xi32, #tpu.memory_space<vmem>> -> memref<1x128xi32, #tpu.memory_space<vmem>>
      %dma_start3A_39 = tpu.memref_squeeze %dma_start3A_38 : memref<1x128xi32, #tpu.memory_space<vmem>> -> memref<128xi32, #tpu.memory_space<vmem>>
      %dma_start3A_40 = arith.constant 0 : i32
      %dma_start3A_41 = arith.constant 0 : i32
      %dma_start3A_42 = tpu.memref_slice %arg2[%dma_start3A_40, %dma_start3A_41] : memref<10240x128xf32, #tpu.memory_space<hbm>> -> memref<10240x128xf32, #tpu.memory_space<hbm>>
      tpu.enqueue_indirect_dma source(%dma_start3A_42 : memref<10240x128xf32, #tpu.memory_space<hbm>>) target(%arg9 : memref<128x128xf32, #tpu.memory_space<vmem>>) offsets(%dma_start3A_39 : memref<128xi32, #tpu.memory_space<vmem>>) semaphore(%arg12 : memref<!tpu.dma_semaphore, #tpu.memory_space<semaphore_mem>>)
      %scan3A = arith.constant 0 : i32
      %scan3A_43 = arith.constant 0 : i32
      %scan3A_44 = arith.constant 16 : i32
      %scan3A_45 = arith.addi %scan3A_43, %scan3A_44 : i32
      %scan3A_46 = arith.constant 1 : i32
      scf.for %scan3A_48 = %scan3A_43 to %scan3A_45 step %scan3A_46  : i32 {
        %mul3A_49 = arith.constant 2 : i32
        %mul3A_50 = arith.muli %mul3A_49, %scan3A_48 : i32
        %mul3A_51 = arith.constant 2 : i32
        %mul3A_52 = arith.muli %mul3A_51, %scan3A_48 : i32
        %add3A_53 = arith.constant 1 : i32
        %add3A_54 = arith.addi %mul3A_52, %add3A_53 : i32
        %dma_start3A_55 = arith.constant 0 : i32
        %dma_start3A_56 = tpu.memref_slice %arg7[%add3A_54, %dma_start3A_55] : memref<32x128xi32, #tpu.memory_space<vmem>> -> memref<1x128xi32, #tpu.memory_space<vmem>>
        %dma_start3A_57 = tpu.memref_squeeze %dma_start3A_56 : memref<1x128xi32, #tpu.memory_space<vmem>> -> memref<128xi32, #tpu.memory_space<vmem>>
        %dma_start3A_58 = arith.constant 0 : i32
        %dma_start3A_59 = arith.constant 0 : i32
        %dma_start3A_60 = tpu.memref_slice %arg2[%dma_start3A_58, %dma_start3A_59] : memref<10240x128xf32, #tpu.memory_space<hbm>> -> memref<10240x128xf32, #tpu.memory_space<hbm>>
        tpu.enqueue_indirect_dma source(%dma_start3A_60 : memref<10240x128xf32, #tpu.memory_space<hbm>>) target(%arg10 : memref<128x128xf32, #tpu.memory_space<vmem>>) offsets(%dma_start3A_57 : memref<128xi32, #tpu.memory_space<vmem>>) semaphore(%arg13 : memref<!tpu.dma_semaphore, #tpu.memory_space<semaphore_mem>>)
        %dma_wait3A = arith.constant 0 : i32
        %dma_wait3A_61 = tpu.memref_slice %arg7[%mul3A_50, %dma_wait3A] : memref<32x128xi32, #tpu.memory_space<vmem>> -> memref<1x128xi32, #tpu.memory_space<vmem>>
        %dma_wait3A_62 = tpu.memref_squeeze %dma_wait3A_61 : memref<1x128xi32, #tpu.memory_space<vmem>> -> memref<128xi32, #tpu.memory_space<vmem>>
        %dma_wait3A_63 = arith.constant 0 : i32
        %dma_wait3A_64 = arith.constant 0 : i32
        %dma_wait3A_65 = tpu.memref_slice %arg2[%dma_wait3A_63, %dma_wait3A_64] : memref<10240x128xf32, #tpu.memory_space<hbm>> -> memref<10240x128xf32, #tpu.memory_space<hbm>>
        tpu.wait_indirect_dma semaphore(%arg12 : memref<!tpu.dma_semaphore, #tpu.memory_space<semaphore_mem>>) src(%dma_wait3A_65 : memref<10240x128xf32, #tpu.memory_space<hbm>>) dst(%arg9 : memref<128x128xf32, #tpu.memory_space<vmem>>)
        "tpu.region"() ({
          %run_scoped3A = tpu.sem_alloc : memref<!tpu.dma_semaphore, #tpu.memory_space<semaphore_mem>>
          %dma_start3A_78 = arith.constant 0 : i32
          %dma_start3A_79 = tpu.memref_slice %arg8[%mul3A_50, %dma_start3A_78] : memref<32x128xi32, #tpu.memory_space<vmem>> -> memref<1x128xi32, #tpu.memory_space<vmem>>
          %dma_start3A_80 = tpu.memref_squeeze %dma_start3A_79 : memref<1x128xi32, #tpu.memory_space<vmem>> -> memref<128xi32, #tpu.memory_space<vmem>>
          %dma_start3A_81 = arith.constant 0 : i32
          %dma_start3A_82 = arith.constant 0 : i32
          %dma_start3A_83 = tpu.memref_slice %arg11[%dma_start3A_81, %dma_start3A_82] : memref<10240x128xf32, #tpu.memory_space<vmem_shared>> -> memref<10240x128xf32, #tpu.memory_space<vmem_shared>>
          tpu.enqueue_indirect_dma source(%arg9 : memref<128x128xf32, #tpu.memory_space<vmem>>) target(%dma_start3A_83 : memref<10240x128xf32, #tpu.memory_space<vmem_shared>>) offsets(%dma_start3A_80 : memref<128xi32, #tpu.memory_space<vmem>>) semaphore(%run_scoped3A : memref<!tpu.dma_semaphore, #tpu.memory_space<semaphore_mem>>) {add = true}
          %dma_wait3A_84 = arith.constant 0 : i32
          %dma_wait3A_85 = tpu.memref_slice %arg8[%mul3A_50, %dma_wait3A_84] : memref<32x128xi32, #tpu.memory_space<vmem>> -> memref<1x128xi32, #tpu.memory_space<vmem>>
          %dma_wait3A_86 = tpu.memref_squeeze %dma_wait3A_85 : memref<1x128xi32, #tpu.memory_space<vmem>> -> memref<128xi32, #tpu.memory_space<vmem>>
          %dma_wait3A_87 = arith.constant 0 : i32
          %dma_wait3A_88 = arith.constant 0 : i32
          %dma_wait3A_89 = tpu.memref_slice %arg11[%dma_wait3A_87, %dma_wait3A_88] : memref<10240x128xf32, #tpu.memory_space<vmem_shared>> -> memref<10240x128xf32, #tpu.memory_space<vmem_shared>>
          tpu.wait_indirect_dma semaphore(%run_scoped3A : memref<!tpu.dma_semaphore, #tpu.memory_space<semaphore_mem>>) src(%arg9 : memref<128x128xf32, #tpu.memory_space<vmem>>) dst(%dma_wait3A_89 : memref<10240x128xf32, #tpu.memory_space<vmem_shared>>)
          tpu.yield
        }) : () -> ()
        %add3A_66 = arith.constant 1 : i32
        %add3A_67 = arith.addi %add3A_54, %add3A_66 : i32
        %lt3A = arith.constant 32 : i32
        %lt3A_68 = arith.cmpi slt, %add3A_67, %lt3A : i32
        %convert_element_type3A_69 = arith.extui %lt3A_68 : i1 to i32
        %cond3A_70 = arith.constant 0 : i32
        %cond3A_71 = arith.cmpi ne, %convert_element_type3A_69, %cond3A_70 : i32
        scf.if %cond3A_71 {
          %add3A_78 = arith.constant 1 : i32
          %add3A_79 = arith.addi %add3A_54, %add3A_78 : i32
          %dma_start3A_80 = arith.constant 0 : i32
          %dma_start3A_81 = tpu.memref_slice %arg7[%add3A_79, %dma_start3A_80] : memref<32x128xi32, #tpu.memory_space<vmem>> -> memref<1x128xi32, #tpu.memory_space<vmem>>
          %dma_start3A_82 = tpu.memref_squeeze %dma_start3A_81 : memref<1x128xi32, #tpu.memory_space<vmem>> -> memref<128xi32, #tpu.memory_space<vmem>>
          %dma_start3A_83 = arith.constant 0 : i32
          %dma_start3A_84 = arith.constant 0 : i32
          %dma_start3A_85 = tpu.memref_slice %arg2[%dma_start3A_83, %dma_start3A_84] : memref<10240x128xf32, #tpu.memory_space<hbm>> -> memref<10240x128xf32, #tpu.memory_space<hbm>>
          tpu.enqueue_indirect_dma source(%dma_start3A_85 : memref<10240x128xf32, #tpu.memory_space<hbm>>) target(%arg9 : memref<128x128xf32, #tpu.memory_space<vmem>>) offsets(%dma_start3A_82 : memref<128xi32, #tpu.memory_space<vmem>>) semaphore(%arg12 : memref<!tpu.dma_semaphore, #tpu.memory_space<semaphore_mem>>)
        } else {
        }
        %dma_wait3A_72 = arith.constant 0 : i32
        %dma_wait3A_73 = tpu.memref_slice %arg7[%add3A_54, %dma_wait3A_72] : memref<32x128xi32, #tpu.memory_space<vmem>> -> memref<1x128xi32, #tpu.memory_space<vmem>>
        %dma_wait3A_74 = tpu.memref_squeeze %dma_wait3A_73 : memref<1x128xi32, #tpu.memory_space<vmem>> -> memref<128xi32, #tpu.memory_space<vmem>>
        %dma_wait3A_75 = arith.constant 0 : i32
        %dma_wait3A_76 = arith.constant 0 : i32
        %dma_wait3A_77 = tpu.memref_slice %arg2[%dma_wait3A_75, %dma_wait3A_76] : memref<10240x128xf32, #tpu.memory_space<hbm>> -> memref<10240x128xf32, #tpu.memory_space<hbm>>
        tpu.wait_indirect_dma semaphore(%arg13 : memref<!tpu.dma_semaphore, #tpu.memory_space<semaphore_mem>>) src(%dma_wait3A_77 : memref<10240x128xf32, #tpu.memory_space<hbm>>) dst(%arg10 : memref<128x128xf32, #tpu.memory_space<vmem>>)
        "tpu.region"() ({
          %run_scoped3A = tpu.sem_alloc : memref<!tpu.dma_semaphore, #tpu.memory_space<semaphore_mem>>
          %dma_start3A_78 = arith.constant 0 : i32
          %dma_start3A_79 = tpu.memref_slice %arg8[%add3A_54, %dma_start3A_78] : memref<32x128xi32, #tpu.memory_space<vmem>> -> memref<1x128xi32, #tpu.memory_space<vmem>>
          %dma_start3A_80 = tpu.memref_squeeze %dma_start3A_79 : memref<1x128xi32, #tpu.memory_space<vmem>> -> memref<128xi32, #tpu.memory_space<vmem>>
          %dma_start3A_81 = arith.constant 0 : i32
          %dma_start3A_82 = arith.constant 0 : i32
          %dma_start3A_83 = tpu.memref_slice %arg11[%dma_start3A_81, %dma_start3A_82] : memref<10240x128xf32, #tpu.memory_space<vmem_shared>> -> memref<10240x128xf32, #tpu.memory_space<vmem_shared>>
          tpu.enqueue_indirect_dma source(%arg10 : memref<128x128xf32, #tpu.memory_space<vmem>>) target(%dma_start3A_83 : memref<10240x128xf32, #tpu.memory_space<vmem_shared>>) offsets(%dma_start3A_80 : memref<128xi32, #tpu.memory_space<vmem>>) semaphore(%run_scoped3A : memref<!tpu.dma_semaphore, #tpu.memory_space<semaphore_mem>>) {add = true}
          %dma_wait3A_84 = arith.constant 0 : i32
          %dma_wait3A_85 = tpu.memref_slice %arg8[%add3A_54, %dma_wait3A_84] : memref<32x128xi32, #tpu.memory_space<vmem>> -> memref<1x128xi32, #tpu.memory_space<vmem>>
          %dma_wait3A_86 = tpu.memref_squeeze %dma_wait3A_85 : memref<1x128xi32, #tpu.memory_space<vmem>> -> memref<128xi32, #tpu.memory_space<vmem>>
          %dma_wait3A_87 = arith.constant 0 : i32
          %dma_wait3A_88 = arith.constant 0 : i32
          %dma_wait3A_89 = tpu.memref_slice %arg11[%dma_wait3A_87, %dma_wait3A_88] : memref<10240x128xf32, #tpu.memory_space<vmem_shared>> -> memref<10240x128xf32, #tpu.memory_space<vmem_shared>>
          tpu.wait_indirect_dma semaphore(%run_scoped3A : memref<!tpu.dma_semaphore, #tpu.memory_space<semaphore_mem>>) src(%arg10 : memref<128x128xf32, #tpu.memory_space<vmem>>) dst(%dma_wait3A_89 : memref<10240x128xf32, #tpu.memory_space<vmem_shared>>)
          tpu.yield
        }) : () -> ()
      }
      %scan3A_47 = arith.constant 16 : i32
    } else {
    }
    %gt3A_23 = arith.constant 3 : i32
    %gt3A_24 = arith.cmpi sgt, %select_n3A_8, %gt3A_23 : i32
    %convert_element_type3A_25 = arith.extui %gt3A_24 : i1 to i32
    %cond3A_26 = arith.constant 0 : i32
    %cond3A_27 = arith.cmpi ne, %convert_element_type3A_25, %cond3A_26 : i32
    scf.if %cond3A_27 {
      %add3A_33 = arith.constant 96 : i32
      %add3A_34 = arith.addi %select_n3A, %add3A_33 : i32
      "tpu.region"() ({
        %run_scoped3A = tpu.sem_alloc : memref<!tpu.dma_semaphore, #tpu.memory_space<semaphore_mem>>
        %dma_start3A_48 = arith.constant 0 : i32
        %dma_start3A_49 = tpu.memref_slice %arg3[%add3A_34, %dma_start3A_48] : memref<2560x128xi32, #tpu.memory_space<hbm>> -> memref<32x128xi32, #tpu.memory_space<hbm>>
        %dma_start3A_50 = arith.constant 0 : i32
        %dma_start3A_51 = tpu.memref_slice %arg3[%add3A_34, %dma_start3A_50] : memref<2560x128xi32, #tpu.memory_space<hbm>> -> memref<32x128xi32, #tpu.memory_space<hbm>>
        tpu.enqueue_dma source(%dma_start3A_51 : memref<32x128xi32, #tpu.memory_space<hbm>>) target(%arg7 : memref<32x128xi32, #tpu.memory_space<vmem>>) target_semaphore(%run_scoped3A : memref<!tpu.dma_semaphore, #tpu.memory_space<semaphore_mem>>)
        %dma_wait3A = arith.constant 0 : i32
        %dma_wait3A_52 = tpu.memref_slice %arg3[%add3A_34, %dma_wait3A] : memref<2560x128xi32, #tpu.memory_space<hbm>> -> memref<32x128xi32, #tpu.memory_space<hbm>>
        %dma_wait3A_53 = arith.constant 0 : i32
        %dma_wait3A_54 = tpu.memref_slice %arg3[%add3A_34, %dma_wait3A_53] : memref<2560x128xi32, #tpu.memory_space<hbm>> -> memref<32x128xi32, #tpu.memory_space<hbm>>
        tpu.wait_dma2 semaphore(%run_scoped3A : memref<!tpu.dma_semaphore, #tpu.memory_space<semaphore_mem>>) src(%dma_wait3A_54 : memref<32x128xi32, #tpu.memory_space<hbm>>) dst(%arg7 : memref<32x128xi32, #tpu.memory_space<vmem>>)
        tpu.yield
      }) : () -> ()
      %add3A_35 = arith.constant 96 : i32
      %add3A_36 = arith.addi %select_n3A, %add3A_35 : i32
      "tpu.region"() ({
        %run_scoped3A = tpu.sem_alloc : memref<!tpu.dma_semaphore, #tpu.memory_space<semaphore_mem>>
        %dma_start3A_48 = arith.constant 0 : i32
        %dma_start3A_49 = tpu.memref_slice %arg4[%add3A_36, %dma_start3A_48] : memref<2560x128xi32, #tpu.memory_space<hbm>> -> memref<32x128xi32, #tpu.memory_space<hbm>>
        %dma_start3A_50 = arith.constant 0 : i32
        %dma_start3A_51 = tpu.memref_slice %arg4[%add3A_36, %dma_start3A_50] : memref<2560x128xi32, #tpu.memory_space<hbm>> -> memref<32x128xi32, #tpu.memory_space<hbm>>
        tpu.enqueue_dma source(%dma_start3A_51 : memref<32x128xi32, #tpu.memory_space<hbm>>) target(%arg8 : memref<32x128xi32, #tpu.memory_space<vmem>>) target_semaphore(%run_scoped3A : memref<!tpu.dma_semaphore, #tpu.memory_space<semaphore_mem>>)
        %dma_wait3A = arith.constant 0 : i32
        %dma_wait3A_52 = tpu.memref_slice %arg4[%add3A_36, %dma_wait3A] : memref<2560x128xi32, #tpu.memory_space<hbm>> -> memref<32x128xi32, #tpu.memory_space<hbm>>
        %dma_wait3A_53 = arith.constant 0 : i32
        %dma_wait3A_54 = tpu.memref_slice %arg4[%add3A_36, %dma_wait3A_53] : memref<2560x128xi32, #tpu.memory_space<hbm>> -> memref<32x128xi32, #tpu.memory_space<hbm>>
        tpu.wait_dma2 semaphore(%run_scoped3A : memref<!tpu.dma_semaphore, #tpu.memory_space<semaphore_mem>>) src(%dma_wait3A_54 : memref<32x128xi32, #tpu.memory_space<hbm>>) dst(%arg8 : memref<32x128xi32, #tpu.memory_space<vmem>>)
        tpu.yield
      }) : () -> ()
      %dma_start3A = arith.constant 0 : i32
      %dma_start3A_37 = arith.constant 0 : i32
      %dma_start3A_38 = tpu.memref_slice %arg7[%dma_start3A, %dma_start3A_37] : memref<32x128xi32, #tpu.memory_space<vmem>> -> memref<1x128xi32, #tpu.memory_space<vmem>>
      %dma_start3A_39 = tpu.memref_squeeze %dma_start3A_38 : memref<1x128xi32, #tpu.memory_space<vmem>> -> memref<128xi32, #tpu.memory_space<vmem>>
      %dma_start3A_40 = arith.constant 0 : i32
      %dma_start3A_41 = arith.constant 0 : i32
      %dma_start3A_42 = tpu.memref_slice %arg2[%dma_start3A_40, %dma_start3A_41] : memref<10240x128xf32, #tpu.memory_space<hbm>> -> memref<10240x128xf32, #tpu.memory_space<hbm>>
      tpu.enqueue_indirect_dma source(%dma_start3A_42 : memref<10240x128xf32, #tpu.memory_space<hbm>>) target(%arg9 : memref<128x128xf32, #tpu.memory_space<vmem>>) offsets(%dma_start3A_39 : memref<128xi32, #tpu.memory_space<vmem>>) semaphore(%arg12 : memref<!tpu.dma_semaphore, #tpu.memory_space<semaphore_mem>>)
      %scan3A = arith.constant 0 : i32
      %scan3A_43 = arith.constant 0 : i32
      %scan3A_44 = arith.constant 16 : i32
      %scan3A_45 = arith.addi %scan3A_43, %scan3A_44 : i32
      %scan3A_46 = arith.constant 1 : i32
      scf.for %scan3A_48 = %scan3A_43 to %scan3A_45 step %scan3A_46  : i32 {
        %mul3A_49 = arith.constant 2 : i32
        %mul3A_50 = arith.muli %mul3A_49, %scan3A_48 : i32
        %mul3A_51 = arith.constant 2 : i32
        %mul3A_52 = arith.muli %mul3A_51, %scan3A_48 : i32
        %add3A_53 = arith.constant 1 : i32
        %add3A_54 = arith.addi %mul3A_52, %add3A_53 : i32
        %dma_start3A_55 = arith.constant 0 : i32
        %dma_start3A_56 = tpu.memref_slice %arg7[%add3A_54, %dma_start3A_55] : memref<32x128xi32, #tpu.memory_space<vmem>> -> memref<1x128xi32, #tpu.memory_space<vmem>>
        %dma_start3A_57 = tpu.memref_squeeze %dma_start3A_56 : memref<1x128xi32, #tpu.memory_space<vmem>> -> memref<128xi32, #tpu.memory_space<vmem>>
        %dma_start3A_58 = arith.constant 0 : i32
        %dma_start3A_59 = arith.constant 0 : i32
        %dma_start3A_60 = tpu.memref_slice %arg2[%dma_start3A_58, %dma_start3A_59] : memref<10240x128xf32, #tpu.memory_space<hbm>> -> memref<10240x128xf32, #tpu.memory_space<hbm>>
        tpu.enqueue_indirect_dma source(%dma_start3A_60 : memref<10240x128xf32, #tpu.memory_space<hbm>>) target(%arg10 : memref<128x128xf32, #tpu.memory_space<vmem>>) offsets(%dma_start3A_57 : memref<128xi32, #tpu.memory_space<vmem>>) semaphore(%arg13 : memref<!tpu.dma_semaphore, #tpu.memory_space<semaphore_mem>>)
        %dma_wait3A = arith.constant 0 : i32
        %dma_wait3A_61 = tpu.memref_slice %arg7[%mul3A_50, %dma_wait3A] : memref<32x128xi32, #tpu.memory_space<vmem>> -> memref<1x128xi32, #tpu.memory_space<vmem>>
        %dma_wait3A_62 = tpu.memref_squeeze %dma_wait3A_61 : memref<1x128xi32, #tpu.memory_space<vmem>> -> memref<128xi32, #tpu.memory_space<vmem>>
        %dma_wait3A_63 = arith.constant 0 : i32
        %dma_wait3A_64 = arith.constant 0 : i32
        %dma_wait3A_65 = tpu.memref_slice %arg2[%dma_wait3A_63, %dma_wait3A_64] : memref<10240x128xf32, #tpu.memory_space<hbm>> -> memref<10240x128xf32, #tpu.memory_space<hbm>>
        tpu.wait_indirect_dma semaphore(%arg12 : memref<!tpu.dma_semaphore, #tpu.memory_space<semaphore_mem>>) src(%dma_wait3A_65 : memref<10240x128xf32, #tpu.memory_space<hbm>>) dst(%arg9 : memref<128x128xf32, #tpu.memory_space<vmem>>)
        "tpu.region"() ({
          %run_scoped3A = tpu.sem_alloc : memref<!tpu.dma_semaphore, #tpu.memory_space<semaphore_mem>>
          %dma_start3A_78 = arith.constant 0 : i32
          %dma_start3A_79 = tpu.memref_slice %arg8[%mul3A_50, %dma_start3A_78] : memref<32x128xi32, #tpu.memory_space<vmem>> -> memref<1x128xi32, #tpu.memory_space<vmem>>
          %dma_start3A_80 = tpu.memref_squeeze %dma_start3A_79 : memref<1x128xi32, #tpu.memory_space<vmem>> -> memref<128xi32, #tpu.memory_space<vmem>>
          %dma_start3A_81 = arith.constant 0 : i32
          %dma_start3A_82 = arith.constant 0 : i32
          %dma_start3A_83 = tpu.memref_slice %arg11[%dma_start3A_81, %dma_start3A_82] : memref<10240x128xf32, #tpu.memory_space<vmem_shared>> -> memref<10240x128xf32, #tpu.memory_space<vmem_shared>>
          tpu.enqueue_indirect_dma source(%arg9 : memref<128x128xf32, #tpu.memory_space<vmem>>) target(%dma_start3A_83 : memref<10240x128xf32, #tpu.memory_space<vmem_shared>>) offsets(%dma_start3A_80 : memref<128xi32, #tpu.memory_space<vmem>>) semaphore(%run_scoped3A : memref<!tpu.dma_semaphore, #tpu.memory_space<semaphore_mem>>) {add = true}
          %dma_wait3A_84 = arith.constant 0 : i32
          %dma_wait3A_85 = tpu.memref_slice %arg8[%mul3A_50, %dma_wait3A_84] : memref<32x128xi32, #tpu.memory_space<vmem>> -> memref<1x128xi32, #tpu.memory_space<vmem>>
          %dma_wait3A_86 = tpu.memref_squeeze %dma_wait3A_85 : memref<1x128xi32, #tpu.memory_space<vmem>> -> memref<128xi32, #tpu.memory_space<vmem>>
          %dma_wait3A_87 = arith.constant 0 : i32
          %dma_wait3A_88 = arith.constant 0 : i32
          %dma_wait3A_89 = tpu.memref_slice %arg11[%dma_wait3A_87, %dma_wait3A_88] : memref<10240x128xf32, #tpu.memory_space<vmem_shared>> -> memref<10240x128xf32, #tpu.memory_space<vmem_shared>>
          tpu.wait_indirect_dma semaphore(%run_scoped3A : memref<!tpu.dma_semaphore, #tpu.memory_space<semaphore_mem>>) src(%arg9 : memref<128x128xf32, #tpu.memory_space<vmem>>) dst(%dma_wait3A_89 : memref<10240x128xf32, #tpu.memory_space<vmem_shared>>)
          tpu.yield
        }) : () -> ()
        %add3A_66 = arith.constant 1 : i32
        %add3A_67 = arith.addi %add3A_54, %add3A_66 : i32
        %lt3A = arith.constant 32 : i32
        %lt3A_68 = arith.cmpi slt, %add3A_67, %lt3A : i32
        %convert_element_type3A_69 = arith.extui %lt3A_68 : i1 to i32
        %cond3A_70 = arith.constant 0 : i32
        %cond3A_71 = arith.cmpi ne, %convert_element_type3A_69, %cond3A_70 : i32
        scf.if %cond3A_71 {
          %add3A_78 = arith.constant 1 : i32
          %add3A_79 = arith.addi %add3A_54, %add3A_78 : i32
          %dma_start3A_80 = arith.constant 0 : i32
          %dma_start3A_81 = tpu.memref_slice %arg7[%add3A_79, %dma_start3A_80] : memref<32x128xi32, #tpu.memory_space<vmem>> -> memref<1x128xi32, #tpu.memory_space<vmem>>
          %dma_start3A_82 = tpu.memref_squeeze %dma_start3A_81 : memref<1x128xi32, #tpu.memory_space<vmem>> -> memref<128xi32, #tpu.memory_space<vmem>>
          %dma_start3A_83 = arith.constant 0 : i32
          %dma_start3A_84 = arith.constant 0 : i32
          %dma_start3A_85 = tpu.memref_slice %arg2[%dma_start3A_83, %dma_start3A_84] : memref<10240x128xf32, #tpu.memory_space<hbm>> -> memref<10240x128xf32, #tpu.memory_space<hbm>>
          tpu.enqueue_indirect_dma source(%dma_start3A_85 : memref<10240x128xf32, #tpu.memory_space<hbm>>) target(%arg9 : memref<128x128xf32, #tpu.memory_space<vmem>>) offsets(%dma_start3A_82 : memref<128xi32, #tpu.memory_space<vmem>>) semaphore(%arg12 : memref<!tpu.dma_semaphore, #tpu.memory_space<semaphore_mem>>)
        } else {
        }
        %dma_wait3A_72 = arith.constant 0 : i32
        %dma_wait3A_73 = tpu.memref_slice %arg7[%add3A_54, %dma_wait3A_72] : memref<32x128xi32, #tpu.memory_space<vmem>> -> memref<1x128xi32, #tpu.memory_space<vmem>>
        %dma_wait3A_74 = tpu.memref_squeeze %dma_wait3A_73 : memref<1x128xi32, #tpu.memory_space<vmem>> -> memref<128xi32, #tpu.memory_space<vmem>>
        %dma_wait3A_75 = arith.constant 0 : i32
        %dma_wait3A_76 = arith.constant 0 : i32
        %dma_wait3A_77 = tpu.memref_slice %arg2[%dma_wait3A_75, %dma_wait3A_76] : memref<10240x128xf32, #tpu.memory_space<hbm>> -> memref<10240x128xf32, #tpu.memory_space<hbm>>
        tpu.wait_indirect_dma semaphore(%arg13 : memref<!tpu.dma_semaphore, #tpu.memory_space<semaphore_mem>>) src(%dma_wait3A_77 : memref<10240x128xf32, #tpu.memory_space<hbm>>) dst(%arg10 : memref<128x128xf32, #tpu.memory_space<vmem>>)
        "tpu.region"() ({
          %run_scoped3A = tpu.sem_alloc : memref<!tpu.dma_semaphore, #tpu.memory_space<semaphore_mem>>
          %dma_start3A_78 = arith.constant 0 : i32
          %dma_start3A_79 = tpu.memref_slice %arg8[%add3A_54, %dma_start3A_78] : memref<32x128xi32, #tpu.memory_space<vmem>> -> memref<1x128xi32, #tpu.memory_space<vmem>>
          %dma_start3A_80 = tpu.memref_squeeze %dma_start3A_79 : memref<1x128xi32, #tpu.memory_space<vmem>> -> memref<128xi32, #tpu.memory_space<vmem>>
          %dma_start3A_81 = arith.constant 0 : i32
          %dma_start3A_82 = arith.constant 0 : i32
          %dma_start3A_83 = tpu.memref_slice %arg11[%dma_start3A_81, %dma_start3A_82] : memref<10240x128xf32, #tpu.memory_space<vmem_shared>> -> memref<10240x128xf32, #tpu.memory_space<vmem_shared>>
          tpu.enqueue_indirect_dma source(%arg10 : memref<128x128xf32, #tpu.memory_space<vmem>>) target(%dma_start3A_83 : memref<10240x128xf32, #tpu.memory_space<vmem_shared>>) offsets(%dma_start3A_80 : memref<128xi32, #tpu.memory_space<vmem>>) semaphore(%run_scoped3A : memref<!tpu.dma_semaphore, #tpu.memory_space<semaphore_mem>>) {add = true}
          %dma_wait3A_84 = arith.constant 0 : i32
          %dma_wait3A_85 = tpu.memref_slice %arg8[%add3A_54, %dma_wait3A_84] : memref<32x128xi32, #tpu.memory_space<vmem>> -> memref<1x128xi32, #tpu.memory_space<vmem>>
          %dma_wait3A_86 = tpu.memref_squeeze %dma_wait3A_85 : memref<1x128xi32, #tpu.memory_space<vmem>> -> memref<128xi32, #tpu.memory_space<vmem>>
          %dma_wait3A_87 = arith.constant 0 : i32
          %dma_wait3A_88 = arith.constant 0 : i32
          %dma_wait3A_89 = tpu.memref_slice %arg11[%dma_wait3A_87, %dma_wait3A_88] : memref<10240x128xf32, #tpu.memory_space<vmem_shared>> -> memref<10240x128xf32, #tpu.memory_space<vmem_shared>>
          tpu.wait_indirect_dma semaphore(%run_scoped3A : memref<!tpu.dma_semaphore, #tpu.memory_space<semaphore_mem>>) src(%arg10 : memref<128x128xf32, #tpu.memory_space<vmem>>) dst(%dma_wait3A_89 : memref<10240x128xf32, #tpu.memory_space<vmem_shared>>)
          tpu.yield
        }) : () -> ()
      }
      %scan3A_47 = arith.constant 16 : i32
    } else {
    }
    %barrier3A_28 = arith.constant 0 : index
    tpu.barrier barrier_id(%barrier3A_28)
    %mul3A_29 = arith.constant 640 : i32
    %mul3A_30 = arith.muli %arg1, %mul3A_29 : i32
    %mul3A_31 = arith.constant 640 : i32
    %mul3A_32 = arith.muli %arg1, %mul3A_31 : i32
    "tpu.region"() ({
      %run_scoped3A = tpu.sem_alloc : memref<!tpu.dma_semaphore, #tpu.memory_space<semaphore_mem>>
      %dma_start3A = arith.constant 0 : i32
      %dma_start3A_33 = tpu.memref_slice %arg6[%arg0, %mul3A_32, %dma_start3A] : memref<2x10240x128xf32, #tpu.memory_space<hbm>> -> memref<1x640x128xf32, #tpu.memory_space<hbm>>
      %dma_start3A_34 = tpu.memref_squeeze %dma_start3A_33 : memref<1x640x128xf32, #tpu.memory_space<hbm>> -> memref<640x128xf32, #tpu.memory_space<hbm>>
      %dma_start3A_35 = arith.constant 0 : i32
      %dma_start3A_36 = tpu.memref_slice %arg11[%mul3A_30, %dma_start3A_35] : memref<10240x128xf32, #tpu.memory_space<vmem_shared>> -> memref<640x128xf32, #tpu.memory_space<vmem_shared>>
      tpu.enqueue_dma source(%dma_start3A_36 : memref<640x128xf32, #tpu.memory_space<vmem_shared>>) target(%dma_start3A_34 : memref<640x128xf32, #tpu.memory_space<hbm>>) target_semaphore(%run_scoped3A : memref<!tpu.dma_semaphore, #tpu.memory_space<semaphore_mem>>)
      %dma_wait3A = arith.constant 0 : i32
      %dma_wait3A_37 = tpu.memref_slice %arg6[%arg0, %mul3A_32, %dma_wait3A] : memref<2x10240x128xf32, #tpu.memory_space<hbm>> -> memref<1x640x128xf32, #tpu.memory_space<hbm>>
      %dma_wait3A_38 = tpu.memref_squeeze %dma_wait3A_37 : memref<1x640x128xf32, #tpu.memory_space<hbm>> -> memref<640x128xf32, #tpu.memory_space<hbm>>
      %dma_wait3A_39 = arith.constant 0 : i32
      %dma_wait3A_40 = tpu.memref_slice %arg11[%mul3A_30, %dma_wait3A_39] : memref<10240x128xf32, #tpu.memory_space<vmem_shared>> -> memref<640x128xf32, #tpu.memory_space<vmem_shared>>
      tpu.wait_dma2 semaphore(%run_scoped3A : memref<!tpu.dma_semaphore, #tpu.memory_space<semaphore_mem>>) src(%dma_wait3A_40 : memref<640x128xf32, #tpu.memory_space<vmem_shared>>) dst(%dma_wait3A_38 : memref<640x128xf32, #tpu.memory_space<hbm>>)
      tpu.yield
    }) : () -> ()
    return
  }
}

#map = affine_map<(d0, d1) -> (0, 0)>
#map1 = affine_map<(d0, d1) -> (0, 0, 0)>
module attributes {stable_mosaic.version = 14 : i64} {
  func.func @_agg_kernel(%arg0: i32, %arg1: i32, %arg2: memref<10240x128xf32, #tpu.memory_space<hbm>>, %arg3: memref<2560x128xi32, #tpu.memory_space<hbm>>, %arg4: memref<2560x128xi32, #tpu.memory_space<hbm>>, %arg5: memref<640x128xf32, #tpu.memory_space<hbm>>, %arg6: memref<2x10240x128xf32, #tpu.memory_space<hbm>>, %arg7: memref<32x128xi32, #tpu.memory_space<vmem>>, %arg8: memref<32x128xi32, #tpu.memory_space<vmem>>, %arg9: memref<128x128xf32, #tpu.memory_space<vmem>>, %arg10: memref<128x128xf32, #tpu.memory_space<vmem>>, %arg11: memref<10240x128xf32, #tpu.memory_space<vmem_shared>>, %arg12: memref<!tpu.dma_semaphore, #tpu.memory_space<semaphore_mem>>, %arg13: memref<!tpu.dma_semaphore, #tpu.memory_space<semaphore_mem>>) attributes {dimension_semantics = [#tpu.dimension_semantics<core_parallel>, #tpu.dimension_semantics<subcore_parallel>], iteration_bounds = array<i64: 2, 16>, scalar_prefetch = 0 : i64, scratch_operands = 7 : i64, tpu.core_type = #tpu.core_type<sc_vector_subcore>, window_params = [{transform_indices = #map}, {transform_indices = #map}, {transform_indices = #map}, {transform_indices = #map}, {transform_indices = #map1}]} {
    %eq3A = arith.constant 0 : i32
    %eq3A_0 = arith.cmpi eq, %arg0, %eq3A : i32
    %mul3A = arith.constant 128 : i32
    %mul3A_1 = arith.muli %arg1, %mul3A : i32
    %mul3A_2 = arith.constant 32 : i32
    %mul3A_3 = arith.muli %arg1, %mul3A_2 : i32
    %add3A = arith.constant 2048 : i32
    %add3A_4 = arith.addi %add3A, %mul3A_3 : i32
    %select_n3A = arith.select %eq3A_0, %mul3A_1, %add3A_4 : i32
    %eq3A_5 = arith.constant 0 : i32
    %eq3A_6 = arith.cmpi eq, %arg0, %eq3A_5 : i32
    %jit3A = arith.constant 4 : i32
    %jit3A_7 = arith.constant 1 : i32
    %select_n3A_8 = arith.select %eq3A_6, %jit3A, %jit3A_7 : i32
    %mul3A_9 = arith.constant 640 : i32
    %mul3A_10 = arith.muli %arg1, %mul3A_9 : i32
    "tpu.region"() ({
      %run_scoped3A = tpu.sem_alloc : memref<!tpu.dma_semaphore, #tpu.memory_space<semaphore_mem>>
      %dma_start3A = arith.constant 0 : i32
      %dma_start3A_33 = tpu.memref_slice %arg11[%mul3A_10, %dma_start3A] : memref<10240x128xf32, #tpu.memory_space<vmem_shared>> -> memref<640x128xf32, #tpu.memory_space<vmem_shared>>
      tpu.enqueue_dma source(%arg5 : memref<640x128xf32, #tpu.memory_space<hbm>>) target(%dma_start3A_33 : memref<640x128xf32, #tpu.memory_space<vmem_shared>>) target_semaphore(%run_scoped3A : memref<!tpu.dma_semaphore, #tpu.memory_space<semaphore_mem>>)
      %dma_wait3A = arith.constant 0 : i32
      %dma_wait3A_34 = tpu.memref_slice %arg11[%mul3A_10, %dma_wait3A] : memref<10240x128xf32, #tpu.memory_space<vmem_shared>> -> memref<640x128xf32, #tpu.memory_space<vmem_shared>>
      tpu.wait_dma2 semaphore(%run_scoped3A : memref<!tpu.dma_semaphore, #tpu.memory_space<semaphore_mem>>) src(%arg5 : memref<640x128xf32, #tpu.memory_space<hbm>>) dst(%dma_wait3A_34 : memref<640x128xf32, #tpu.memory_space<vmem_shared>>)
      tpu.yield
    }) : () -> ()
    %barrier3A = arith.constant 0 : index
    tpu.barrier barrier_id(%barrier3A)
    %gt3A = arith.constant 0 : i32
    %gt3A_11 = arith.cmpi sgt, %select_n3A_8, %gt3A : i32
    %convert_element_type3A = arith.extui %gt3A_11 : i1 to i32
    %cond3A = arith.constant 0 : i32
    %cond3A_12 = arith.cmpi ne, %convert_element_type3A, %cond3A : i32
    scf.if %cond3A_12 {
      %add3A_33 = arith.constant 0 : i32
      %add3A_34 = arith.addi %select_n3A, %add3A_33 : i32
      "tpu.region"() ({
        %run_scoped3A = tpu.sem_alloc : memref<!tpu.dma_semaphore, #tpu.memory_space<semaphore_mem>>
        %dma_start3A_48 = arith.constant 0 : i32
        %dma_start3A_49 = tpu.memref_slice %arg3[%add3A_34, %dma_start3A_48] : memref<2560x128xi32, #tpu.memory_space<hbm>> -> memref<32x128xi32, #tpu.memory_space<hbm>>
        %dma_start3A_50 = arith.constant 0 : i32
        %dma_start3A_51 = tpu.memref_slice %arg3[%add3A_34, %dma_start3A_50] : memref<2560x128xi32, #tpu.memory_space<hbm>> -> memref<32x128xi32, #tpu.memory_space<hbm>>
        tpu.enqueue_dma source(%dma_start3A_51 : memref<32x128xi32, #tpu.memory_space<hbm>>) target(%arg7 : memref<32x128xi32, #tpu.memory_space<vmem>>) target_semaphore(%run_scoped3A : memref<!tpu.dma_semaphore, #tpu.memory_space<semaphore_mem>>)
        %dma_wait3A = arith.constant 0 : i32
        %dma_wait3A_52 = tpu.memref_slice %arg3[%add3A_34, %dma_wait3A] : memref<2560x128xi32, #tpu.memory_space<hbm>> -> memref<32x128xi32, #tpu.memory_space<hbm>>
        %dma_wait3A_53 = arith.constant 0 : i32
        %dma_wait3A_54 = tpu.memref_slice %arg3[%add3A_34, %dma_wait3A_53] : memref<2560x128xi32, #tpu.memory_space<hbm>> -> memref<32x128xi32, #tpu.memory_space<hbm>>
        tpu.wait_dma2 semaphore(%run_scoped3A : memref<!tpu.dma_semaphore, #tpu.memory_space<semaphore_mem>>) src(%dma_wait3A_54 : memref<32x128xi32, #tpu.memory_space<hbm>>) dst(%arg7 : memref<32x128xi32, #tpu.memory_space<vmem>>)
        tpu.yield
      }) : () -> ()
      %add3A_35 = arith.constant 0 : i32
      %add3A_36 = arith.addi %select_n3A, %add3A_35 : i32
      "tpu.region"() ({
        %run_scoped3A = tpu.sem_alloc : memref<!tpu.dma_semaphore, #tpu.memory_space<semaphore_mem>>
        %dma_start3A_48 = arith.constant 0 : i32
        %dma_start3A_49 = tpu.memref_slice %arg4[%add3A_36, %dma_start3A_48] : memref<2560x128xi32, #tpu.memory_space<hbm>> -> memref<32x128xi32, #tpu.memory_space<hbm>>
        %dma_start3A_50 = arith.constant 0 : i32
        %dma_start3A_51 = tpu.memref_slice %arg4[%add3A_36, %dma_start3A_50] : memref<2560x128xi32, #tpu.memory_space<hbm>> -> memref<32x128xi32, #tpu.memory_space<hbm>>
        tpu.enqueue_dma source(%dma_start3A_51 : memref<32x128xi32, #tpu.memory_space<hbm>>) target(%arg8 : memref<32x128xi32, #tpu.memory_space<vmem>>) target_semaphore(%run_scoped3A : memref<!tpu.dma_semaphore, #tpu.memory_space<semaphore_mem>>)
        %dma_wait3A = arith.constant 0 : i32
        %dma_wait3A_52 = tpu.memref_slice %arg4[%add3A_36, %dma_wait3A] : memref<2560x128xi32, #tpu.memory_space<hbm>> -> memref<32x128xi32, #tpu.memory_space<hbm>>
        %dma_wait3A_53 = arith.constant 0 : i32
        %dma_wait3A_54 = tpu.memref_slice %arg4[%add3A_36, %dma_wait3A_53] : memref<2560x128xi32, #tpu.memory_space<hbm>> -> memref<32x128xi32, #tpu.memory_space<hbm>>
        tpu.wait_dma2 semaphore(%run_scoped3A : memref<!tpu.dma_semaphore, #tpu.memory_space<semaphore_mem>>) src(%dma_wait3A_54 : memref<32x128xi32, #tpu.memory_space<hbm>>) dst(%arg8 : memref<32x128xi32, #tpu.memory_space<vmem>>)
        tpu.yield
      }) : () -> ()
      %dma_start3A = arith.constant 0 : i32
      %dma_start3A_37 = arith.constant 0 : i32
      %dma_start3A_38 = tpu.memref_slice %arg7[%dma_start3A, %dma_start3A_37] : memref<32x128xi32, #tpu.memory_space<vmem>> -> memref<1x128xi32, #tpu.memory_space<vmem>>
      %dma_start3A_39 = tpu.memref_squeeze %dma_start3A_38 : memref<1x128xi32, #tpu.memory_space<vmem>> -> memref<128xi32, #tpu.memory_space<vmem>>
      %dma_start3A_40 = arith.constant 0 : i32
      %dma_start3A_41 = arith.constant 0 : i32
      %dma_start3A_42 = tpu.memref_slice %arg2[%dma_start3A_40, %dma_start3A_41] : memref<10240x128xf32, #tpu.memory_space<hbm>> -> memref<10240x128xf32, #tpu.memory_space<hbm>>
      tpu.enqueue_indirect_dma source(%dma_start3A_42 : memref<10240x128xf32, #tpu.memory_space<hbm>>) target(%arg9 : memref<128x128xf32, #tpu.memory_space<vmem>>) offsets(%dma_start3A_39 : memref<128xi32, #tpu.memory_space<vmem>>) semaphore(%arg12 : memref<!tpu.dma_semaphore, #tpu.memory_space<semaphore_mem>>)
      %scan3A = arith.constant 0 : i32
      %scan3A_43 = arith.constant 0 : i32
      %scan3A_44 = arith.constant 16 : i32
      %scan3A_45 = arith.addi %scan3A_43, %scan3A_44 : i32
      %scan3A_46 = arith.constant 1 : i32
      scf.for %scan3A_48 = %scan3A_43 to %scan3A_45 step %scan3A_46  : i32 {
        %mul3A_49 = arith.constant 2 : i32
        %mul3A_50 = arith.muli %mul3A_49, %scan3A_48 : i32
        %mul3A_51 = arith.constant 2 : i32
        %mul3A_52 = arith.muli %mul3A_51, %scan3A_48 : i32
        %add3A_53 = arith.constant 1 : i32
        %add3A_54 = arith.addi %mul3A_52, %add3A_53 : i32
        %dma_start3A_55 = arith.constant 0 : i32
        %dma_start3A_56 = tpu.memref_slice %arg7[%add3A_54, %dma_start3A_55] : memref<32x128xi32, #tpu.memory_space<vmem>> -> memref<1x128xi32, #tpu.memory_space<vmem>>
        %dma_start3A_57 = tpu.memref_squeeze %dma_start3A_56 : memref<1x128xi32, #tpu.memory_space<vmem>> -> memref<128xi32, #tpu.memory_space<vmem>>
        %dma_start3A_58 = arith.constant 0 : i32
        %dma_start3A_59 = arith.constant 0 : i32
        %dma_start3A_60 = tpu.memref_slice %arg2[%dma_start3A_58, %dma_start3A_59] : memref<10240x128xf32, #tpu.memory_space<hbm>> -> memref<10240x128xf32, #tpu.memory_space<hbm>>
        tpu.enqueue_indirect_dma source(%dma_start3A_60 : memref<10240x128xf32, #tpu.memory_space<hbm>>) target(%arg10 : memref<128x128xf32, #tpu.memory_space<vmem>>) offsets(%dma_start3A_57 : memref<128xi32, #tpu.memory_space<vmem>>) semaphore(%arg13 : memref<!tpu.dma_semaphore, #tpu.memory_space<semaphore_mem>>)
        %dma_wait3A = arith.constant 0 : i32
        %dma_wait3A_61 = tpu.memref_slice %arg7[%mul3A_50, %dma_wait3A] : memref<32x128xi32, #tpu.memory_space<vmem>> -> memref<1x128xi32, #tpu.memory_space<vmem>>
        %dma_wait3A_62 = tpu.memref_squeeze %dma_wait3A_61 : memref<1x128xi32, #tpu.memory_space<vmem>> -> memref<128xi32, #tpu.memory_space<vmem>>
        %dma_wait3A_63 = arith.constant 0 : i32
        %dma_wait3A_64 = arith.constant 0 : i32
        %dma_wait3A_65 = tpu.memref_slice %arg2[%dma_wait3A_63, %dma_wait3A_64] : memref<10240x128xf32, #tpu.memory_space<hbm>> -> memref<10240x128xf32, #tpu.memory_space<hbm>>
        tpu.wait_indirect_dma semaphore(%arg12 : memref<!tpu.dma_semaphore, #tpu.memory_space<semaphore_mem>>) src(%dma_wait3A_65 : memref<10240x128xf32, #tpu.memory_space<hbm>>) dst(%arg9 : memref<128x128xf32, #tpu.memory_space<vmem>>)
        "tpu.region"() ({
          %run_scoped3A = tpu.sem_alloc : memref<!tpu.dma_semaphore, #tpu.memory_space<semaphore_mem>>
          %dma_start3A_78 = arith.constant 0 : i32
          %dma_start3A_79 = tpu.memref_slice %arg8[%mul3A_50, %dma_start3A_78] : memref<32x128xi32, #tpu.memory_space<vmem>> -> memref<1x128xi32, #tpu.memory_space<vmem>>
          %dma_start3A_80 = tpu.memref_squeeze %dma_start3A_79 : memref<1x128xi32, #tpu.memory_space<vmem>> -> memref<128xi32, #tpu.memory_space<vmem>>
          %dma_start3A_81 = arith.constant 0 : i32
          %dma_start3A_82 = arith.constant 0 : i32
          %dma_start3A_83 = tpu.memref_slice %arg11[%dma_start3A_81, %dma_start3A_82] : memref<10240x128xf32, #tpu.memory_space<vmem_shared>> -> memref<10240x128xf32, #tpu.memory_space<vmem_shared>>
          tpu.enqueue_indirect_dma source(%arg9 : memref<128x128xf32, #tpu.memory_space<vmem>>) target(%dma_start3A_83 : memref<10240x128xf32, #tpu.memory_space<vmem_shared>>) offsets(%dma_start3A_80 : memref<128xi32, #tpu.memory_space<vmem>>) semaphore(%run_scoped3A : memref<!tpu.dma_semaphore, #tpu.memory_space<semaphore_mem>>) {add = true}
          %dma_wait3A_84 = arith.constant 0 : i32
          %dma_wait3A_85 = tpu.memref_slice %arg8[%mul3A_50, %dma_wait3A_84] : memref<32x128xi32, #tpu.memory_space<vmem>> -> memref<1x128xi32, #tpu.memory_space<vmem>>
          %dma_wait3A_86 = tpu.memref_squeeze %dma_wait3A_85 : memref<1x128xi32, #tpu.memory_space<vmem>> -> memref<128xi32, #tpu.memory_space<vmem>>
          %dma_wait3A_87 = arith.constant 0 : i32
          %dma_wait3A_88 = arith.constant 0 : i32
          %dma_wait3A_89 = tpu.memref_slice %arg11[%dma_wait3A_87, %dma_wait3A_88] : memref<10240x128xf32, #tpu.memory_space<vmem_shared>> -> memref<10240x128xf32, #tpu.memory_space<vmem_shared>>
          tpu.wait_indirect_dma semaphore(%run_scoped3A : memref<!tpu.dma_semaphore, #tpu.memory_space<semaphore_mem>>) src(%arg9 : memref<128x128xf32, #tpu.memory_space<vmem>>) dst(%dma_wait3A_89 : memref<10240x128xf32, #tpu.memory_space<vmem_shared>>)
          tpu.yield
        }) : () -> ()
        %add3A_66 = arith.constant 1 : i32
        %add3A_67 = arith.addi %add3A_54, %add3A_66 : i32
        %lt3A = arith.constant 32 : i32
        %lt3A_68 = arith.cmpi slt, %add3A_67, %lt3A : i32
        %convert_element_type3A_69 = arith.extui %lt3A_68 : i1 to i32
        %cond3A_70 = arith.constant 0 : i32
        %cond3A_71 = arith.cmpi ne, %convert_element_type3A_69, %cond3A_70 : i32
        scf.if %cond3A_71 {
          %add3A_78 = arith.constant 1 : i32
          %add3A_79 = arith.addi %add3A_54, %add3A_78 : i32
          %dma_start3A_80 = arith.constant 0 : i32
          %dma_start3A_81 = tpu.memref_slice %arg7[%add3A_79, %dma_start3A_80] : memref<32x128xi32, #tpu.memory_space<vmem>> -> memref<1x128xi32, #tpu.memory_space<vmem>>
          %dma_start3A_82 = tpu.memref_squeeze %dma_start3A_81 : memref<1x128xi32, #tpu.memory_space<vmem>> -> memref<128xi32, #tpu.memory_space<vmem>>
          %dma_start3A_83 = arith.constant 0 : i32
          %dma_start3A_84 = arith.constant 0 : i32
          %dma_start3A_85 = tpu.memref_slice %arg2[%dma_start3A_83, %dma_start3A_84] : memref<10240x128xf32, #tpu.memory_space<hbm>> -> memref<10240x128xf32, #tpu.memory_space<hbm>>
          tpu.enqueue_indirect_dma source(%dma_start3A_85 : memref<10240x128xf32, #tpu.memory_space<hbm>>) target(%arg9 : memref<128x128xf32, #tpu.memory_space<vmem>>) offsets(%dma_start3A_82 : memref<128xi32, #tpu.memory_space<vmem>>) semaphore(%arg12 : memref<!tpu.dma_semaphore, #tpu.memory_space<semaphore_mem>>)
        } else {
        }
        %dma_wait3A_72 = arith.constant 0 : i32
        %dma_wait3A_73 = tpu.memref_slice %arg7[%add3A_54, %dma_wait3A_72] : memref<32x128xi32, #tpu.memory_space<vmem>> -> memref<1x128xi32, #tpu.memory_space<vmem>>
        %dma_wait3A_74 = tpu.memref_squeeze %dma_wait3A_73 : memref<1x128xi32, #tpu.memory_space<vmem>> -> memref<128xi32, #tpu.memory_space<vmem>>
        %dma_wait3A_75 = arith.constant 0 : i32
        %dma_wait3A_76 = arith.constant 0 : i32
        %dma_wait3A_77 = tpu.memref_slice %arg2[%dma_wait3A_75, %dma_wait3A_76] : memref<10240x128xf32, #tpu.memory_space<hbm>> -> memref<10240x128xf32, #tpu.memory_space<hbm>>
        tpu.wait_indirect_dma semaphore(%arg13 : memref<!tpu.dma_semaphore, #tpu.memory_space<semaphore_mem>>) src(%dma_wait3A_77 : memref<10240x128xf32, #tpu.memory_space<hbm>>) dst(%arg10 : memref<128x128xf32, #tpu.memory_space<vmem>>)
        "tpu.region"() ({
          %run_scoped3A = tpu.sem_alloc : memref<!tpu.dma_semaphore, #tpu.memory_space<semaphore_mem>>
          %dma_start3A_78 = arith.constant 0 : i32
          %dma_start3A_79 = tpu.memref_slice %arg8[%add3A_54, %dma_start3A_78] : memref<32x128xi32, #tpu.memory_space<vmem>> -> memref<1x128xi32, #tpu.memory_space<vmem>>
          %dma_start3A_80 = tpu.memref_squeeze %dma_start3A_79 : memref<1x128xi32, #tpu.memory_space<vmem>> -> memref<128xi32, #tpu.memory_space<vmem>>
          %dma_start3A_81 = arith.constant 0 : i32
          %dma_start3A_82 = arith.constant 0 : i32
          %dma_start3A_83 = tpu.memref_slice %arg11[%dma_start3A_81, %dma_start3A_82] : memref<10240x128xf32, #tpu.memory_space<vmem_shared>> -> memref<10240x128xf32, #tpu.memory_space<vmem_shared>>
          tpu.enqueue_indirect_dma source(%arg10 : memref<128x128xf32, #tpu.memory_space<vmem>>) target(%dma_start3A_83 : memref<10240x128xf32, #tpu.memory_space<vmem_shared>>) offsets(%dma_start3A_80 : memref<128xi32, #tpu.memory_space<vmem>>) semaphore(%run_scoped3A : memref<!tpu.dma_semaphore, #tpu.memory_space<semaphore_mem>>) {add = true}
          %dma_wait3A_84 = arith.constant 0 : i32
          %dma_wait3A_85 = tpu.memref_slice %arg8[%add3A_54, %dma_wait3A_84] : memref<32x128xi32, #tpu.memory_space<vmem>> -> memref<1x128xi32, #tpu.memory_space<vmem>>
          %dma_wait3A_86 = tpu.memref_squeeze %dma_wait3A_85 : memref<1x128xi32, #tpu.memory_space<vmem>> -> memref<128xi32, #tpu.memory_space<vmem>>
          %dma_wait3A_87 = arith.constant 0 : i32
          %dma_wait3A_88 = arith.constant 0 : i32
          %dma_wait3A_89 = tpu.memref_slice %arg11[%dma_wait3A_87, %dma_wait3A_88] : memref<10240x128xf32, #tpu.memory_space<vmem_shared>> -> memref<10240x128xf32, #tpu.memory_space<vmem_shared>>
          tpu.wait_indirect_dma semaphore(%run_scoped3A : memref<!tpu.dma_semaphore, #tpu.memory_space<semaphore_mem>>) src(%arg10 : memref<128x128xf32, #tpu.memory_space<vmem>>) dst(%dma_wait3A_89 : memref<10240x128xf32, #tpu.memory_space<vmem_shared>>)
          tpu.yield
        }) : () -> ()
      }
      %scan3A_47 = arith.constant 16 : i32
    } else {
    }
    %gt3A_13 = arith.constant 1 : i32
    %gt3A_14 = arith.cmpi sgt, %select_n3A_8, %gt3A_13 : i32
    %convert_element_type3A_15 = arith.extui %gt3A_14 : i1 to i32
    %cond3A_16 = arith.constant 0 : i32
    %cond3A_17 = arith.cmpi ne, %convert_element_type3A_15, %cond3A_16 : i32
    scf.if %cond3A_17 {
      %add3A_33 = arith.constant 32 : i32
      %add3A_34 = arith.addi %select_n3A, %add3A_33 : i32
      "tpu.region"() ({
        %run_scoped3A = tpu.sem_alloc : memref<!tpu.dma_semaphore, #tpu.memory_space<semaphore_mem>>
        %dma_start3A_48 = arith.constant 0 : i32
        %dma_start3A_49 = tpu.memref_slice %arg3[%add3A_34, %dma_start3A_48] : memref<2560x128xi32, #tpu.memory_space<hbm>> -> memref<32x128xi32, #tpu.memory_space<hbm>>
        %dma_start3A_50 = arith.constant 0 : i32
        %dma_start3A_51 = tpu.memref_slice %arg3[%add3A_34, %dma_start3A_50] : memref<2560x128xi32, #tpu.memory_space<hbm>> -> memref<32x128xi32, #tpu.memory_space<hbm>>
        tpu.enqueue_dma source(%dma_start3A_51 : memref<32x128xi32, #tpu.memory_space<hbm>>) target(%arg7 : memref<32x128xi32, #tpu.memory_space<vmem>>) target_semaphore(%run_scoped3A : memref<!tpu.dma_semaphore, #tpu.memory_space<semaphore_mem>>)
        %dma_wait3A = arith.constant 0 : i32
        %dma_wait3A_52 = tpu.memref_slice %arg3[%add3A_34, %dma_wait3A] : memref<2560x128xi32, #tpu.memory_space<hbm>> -> memref<32x128xi32, #tpu.memory_space<hbm>>
        %dma_wait3A_53 = arith.constant 0 : i32
        %dma_wait3A_54 = tpu.memref_slice %arg3[%add3A_34, %dma_wait3A_53] : memref<2560x128xi32, #tpu.memory_space<hbm>> -> memref<32x128xi32, #tpu.memory_space<hbm>>
        tpu.wait_dma2 semaphore(%run_scoped3A : memref<!tpu.dma_semaphore, #tpu.memory_space<semaphore_mem>>) src(%dma_wait3A_54 : memref<32x128xi32, #tpu.memory_space<hbm>>) dst(%arg7 : memref<32x128xi32, #tpu.memory_space<vmem>>)
        tpu.yield
      }) : () -> ()
      %add3A_35 = arith.constant 32 : i32
      %add3A_36 = arith.addi %select_n3A, %add3A_35 : i32
      "tpu.region"() ({
        %run_scoped3A = tpu.sem_alloc : memref<!tpu.dma_semaphore, #tpu.memory_space<semaphore_mem>>
        %dma_start3A_48 = arith.constant 0 : i32
        %dma_start3A_49 = tpu.memref_slice %arg4[%add3A_36, %dma_start3A_48] : memref<2560x128xi32, #tpu.memory_space<hbm>> -> memref<32x128xi32, #tpu.memory_space<hbm>>
        %dma_start3A_50 = arith.constant 0 : i32
        %dma_start3A_51 = tpu.memref_slice %arg4[%add3A_36, %dma_start3A_50] : memref<2560x128xi32, #tpu.memory_space<hbm>> -> memref<32x128xi32, #tpu.memory_space<hbm>>
        tpu.enqueue_dma source(%dma_start3A_51 : memref<32x128xi32, #tpu.memory_space<hbm>>) target(%arg8 : memref<32x128xi32, #tpu.memory_space<vmem>>) target_semaphore(%run_scoped3A : memref<!tpu.dma_semaphore, #tpu.memory_space<semaphore_mem>>)
        %dma_wait3A = arith.constant 0 : i32
        %dma_wait3A_52 = tpu.memref_slice %arg4[%add3A_36, %dma_wait3A] : memref<2560x128xi32, #tpu.memory_space<hbm>> -> memref<32x128xi32, #tpu.memory_space<hbm>>
        %dma_wait3A_53 = arith.constant 0 : i32
        %dma_wait3A_54 = tpu.memref_slice %arg4[%add3A_36, %dma_wait3A_53] : memref<2560x128xi32, #tpu.memory_space<hbm>> -> memref<32x128xi32, #tpu.memory_space<hbm>>
        tpu.wait_dma2 semaphore(%run_scoped3A : memref<!tpu.dma_semaphore, #tpu.memory_space<semaphore_mem>>) src(%dma_wait3A_54 : memref<32x128xi32, #tpu.memory_space<hbm>>) dst(%arg8 : memref<32x128xi32, #tpu.memory_space<vmem>>)
        tpu.yield
      }) : () -> ()
      %dma_start3A = arith.constant 0 : i32
      %dma_start3A_37 = arith.constant 0 : i32
      %dma_start3A_38 = tpu.memref_slice %arg7[%dma_start3A, %dma_start3A_37] : memref<32x128xi32, #tpu.memory_space<vmem>> -> memref<1x128xi32, #tpu.memory_space<vmem>>
      %dma_start3A_39 = tpu.memref_squeeze %dma_start3A_38 : memref<1x128xi32, #tpu.memory_space<vmem>> -> memref<128xi32, #tpu.memory_space<vmem>>
      %dma_start3A_40 = arith.constant 0 : i32
      %dma_start3A_41 = arith.constant 0 : i32
      %dma_start3A_42 = tpu.memref_slice %arg2[%dma_start3A_40, %dma_start3A_41] : memref<10240x128xf32, #tpu.memory_space<hbm>> -> memref<10240x128xf32, #tpu.memory_space<hbm>>
      tpu.enqueue_indirect_dma source(%dma_start3A_42 : memref<10240x128xf32, #tpu.memory_space<hbm>>) target(%arg9 : memref<128x128xf32, #tpu.memory_space<vmem>>) offsets(%dma_start3A_39 : memref<128xi32, #tpu.memory_space<vmem>>) semaphore(%arg12 : memref<!tpu.dma_semaphore, #tpu.memory_space<semaphore_mem>>)
      %scan3A = arith.constant 0 : i32
      %scan3A_43 = arith.constant 0 : i32
      %scan3A_44 = arith.constant 16 : i32
      %scan3A_45 = arith.addi %scan3A_43, %scan3A_44 : i32
      %scan3A_46 = arith.constant 1 : i32
      scf.for %scan3A_48 = %scan3A_43 to %scan3A_45 step %scan3A_46  : i32 {
        %mul3A_49 = arith.constant 2 : i32
        %mul3A_50 = arith.muli %mul3A_49, %scan3A_48 : i32
        %mul3A_51 = arith.constant 2 : i32
        %mul3A_52 = arith.muli %mul3A_51, %scan3A_48 : i32
        %add3A_53 = arith.constant 1 : i32
        %add3A_54 = arith.addi %mul3A_52, %add3A_53 : i32
        %dma_start3A_55 = arith.constant 0 : i32
        %dma_start3A_56 = tpu.memref_slice %arg7[%add3A_54, %dma_start3A_55] : memref<32x128xi32, #tpu.memory_space<vmem>> -> memref<1x128xi32, #tpu.memory_space<vmem>>
        %dma_start3A_57 = tpu.memref_squeeze %dma_start3A_56 : memref<1x128xi32, #tpu.memory_space<vmem>> -> memref<128xi32, #tpu.memory_space<vmem>>
        %dma_start3A_58 = arith.constant 0 : i32
        %dma_start3A_59 = arith.constant 0 : i32
        %dma_start3A_60 = tpu.memref_slice %arg2[%dma_start3A_58, %dma_start3A_59] : memref<10240x128xf32, #tpu.memory_space<hbm>> -> memref<10240x128xf32, #tpu.memory_space<hbm>>
        tpu.enqueue_indirect_dma source(%dma_start3A_60 : memref<10240x128xf32, #tpu.memory_space<hbm>>) target(%arg10 : memref<128x128xf32, #tpu.memory_space<vmem>>) offsets(%dma_start3A_57 : memref<128xi32, #tpu.memory_space<vmem>>) semaphore(%arg13 : memref<!tpu.dma_semaphore, #tpu.memory_space<semaphore_mem>>)
        %dma_wait3A = arith.constant 0 : i32
        %dma_wait3A_61 = tpu.memref_slice %arg7[%mul3A_50, %dma_wait3A] : memref<32x128xi32, #tpu.memory_space<vmem>> -> memref<1x128xi32, #tpu.memory_space<vmem>>
        %dma_wait3A_62 = tpu.memref_squeeze %dma_wait3A_61 : memref<1x128xi32, #tpu.memory_space<vmem>> -> memref<128xi32, #tpu.memory_space<vmem>>
        %dma_wait3A_63 = arith.constant 0 : i32
        %dma_wait3A_64 = arith.constant 0 : i32
        %dma_wait3A_65 = tpu.memref_slice %arg2[%dma_wait3A_63, %dma_wait3A_64] : memref<10240x128xf32, #tpu.memory_space<hbm>> -> memref<10240x128xf32, #tpu.memory_space<hbm>>
        tpu.wait_indirect_dma semaphore(%arg12 : memref<!tpu.dma_semaphore, #tpu.memory_space<semaphore_mem>>) src(%dma_wait3A_65 : memref<10240x128xf32, #tpu.memory_space<hbm>>) dst(%arg9 : memref<128x128xf32, #tpu.memory_space<vmem>>)
        "tpu.region"() ({
          %run_scoped3A = tpu.sem_alloc : memref<!tpu.dma_semaphore, #tpu.memory_space<semaphore_mem>>
          %dma_start3A_78 = arith.constant 0 : i32
          %dma_start3A_79 = tpu.memref_slice %arg8[%mul3A_50, %dma_start3A_78] : memref<32x128xi32, #tpu.memory_space<vmem>> -> memref<1x128xi32, #tpu.memory_space<vmem>>
          %dma_start3A_80 = tpu.memref_squeeze %dma_start3A_79 : memref<1x128xi32, #tpu.memory_space<vmem>> -> memref<128xi32, #tpu.memory_space<vmem>>
          %dma_start3A_81 = arith.constant 0 : i32
          %dma_start3A_82 = arith.constant 0 : i32
          %dma_start3A_83 = tpu.memref_slice %arg11[%dma_start3A_81, %dma_start3A_82] : memref<10240x128xf32, #tpu.memory_space<vmem_shared>> -> memref<10240x128xf32, #tpu.memory_space<vmem_shared>>
          tpu.enqueue_indirect_dma source(%arg9 : memref<128x128xf32, #tpu.memory_space<vmem>>) target(%dma_start3A_83 : memref<10240x128xf32, #tpu.memory_space<vmem_shared>>) offsets(%dma_start3A_80 : memref<128xi32, #tpu.memory_space<vmem>>) semaphore(%run_scoped3A : memref<!tpu.dma_semaphore, #tpu.memory_space<semaphore_mem>>) {add = true}
          %dma_wait3A_84 = arith.constant 0 : i32
          %dma_wait3A_85 = tpu.memref_slice %arg8[%mul3A_50, %dma_wait3A_84] : memref<32x128xi32, #tpu.memory_space<vmem>> -> memref<1x128xi32, #tpu.memory_space<vmem>>
          %dma_wait3A_86 = tpu.memref_squeeze %dma_wait3A_85 : memref<1x128xi32, #tpu.memory_space<vmem>> -> memref<128xi32, #tpu.memory_space<vmem>>
          %dma_wait3A_87 = arith.constant 0 : i32
          %dma_wait3A_88 = arith.constant 0 : i32
          %dma_wait3A_89 = tpu.memref_slice %arg11[%dma_wait3A_87, %dma_wait3A_88] : memref<10240x128xf32, #tpu.memory_space<vmem_shared>> -> memref<10240x128xf32, #tpu.memory_space<vmem_shared>>
          tpu.wait_indirect_dma semaphore(%run_scoped3A : memref<!tpu.dma_semaphore, #tpu.memory_space<semaphore_mem>>) src(%arg9 : memref<128x128xf32, #tpu.memory_space<vmem>>) dst(%dma_wait3A_89 : memref<10240x128xf32, #tpu.memory_space<vmem_shared>>)
          tpu.yield
        }) : () -> ()
        %add3A_66 = arith.constant 1 : i32
        %add3A_67 = arith.addi %add3A_54, %add3A_66 : i32
        %lt3A = arith.constant 32 : i32
        %lt3A_68 = arith.cmpi slt, %add3A_67, %lt3A : i32
        %convert_element_type3A_69 = arith.extui %lt3A_68 : i1 to i32
        %cond3A_70 = arith.constant 0 : i32
        %cond3A_71 = arith.cmpi ne, %convert_element_type3A_69, %cond3A_70 : i32
        scf.if %cond3A_71 {
          %add3A_78 = arith.constant 1 : i32
          %add3A_79 = arith.addi %add3A_54, %add3A_78 : i32
          %dma_start3A_80 = arith.constant 0 : i32
          %dma_start3A_81 = tpu.memref_slice %arg7[%add3A_79, %dma_start3A_80] : memref<32x128xi32, #tpu.memory_space<vmem>> -> memref<1x128xi32, #tpu.memory_space<vmem>>
          %dma_start3A_82 = tpu.memref_squeeze %dma_start3A_81 : memref<1x128xi32, #tpu.memory_space<vmem>> -> memref<128xi32, #tpu.memory_space<vmem>>
          %dma_start3A_83 = arith.constant 0 : i32
          %dma_start3A_84 = arith.constant 0 : i32
          %dma_start3A_85 = tpu.memref_slice %arg2[%dma_start3A_83, %dma_start3A_84] : memref<10240x128xf32, #tpu.memory_space<hbm>> -> memref<10240x128xf32, #tpu.memory_space<hbm>>
          tpu.enqueue_indirect_dma source(%dma_start3A_85 : memref<10240x128xf32, #tpu.memory_space<hbm>>) target(%arg9 : memref<128x128xf32, #tpu.memory_space<vmem>>) offsets(%dma_start3A_82 : memref<128xi32, #tpu.memory_space<vmem>>) semaphore(%arg12 : memref<!tpu.dma_semaphore, #tpu.memory_space<semaphore_mem>>)
        } else {
        }
        %dma_wait3A_72 = arith.constant 0 : i32
        %dma_wait3A_73 = tpu.memref_slice %arg7[%add3A_54, %dma_wait3A_72] : memref<32x128xi32, #tpu.memory_space<vmem>> -> memref<1x128xi32, #tpu.memory_space<vmem>>
        %dma_wait3A_74 = tpu.memref_squeeze %dma_wait3A_73 : memref<1x128xi32, #tpu.memory_space<vmem>> -> memref<128xi32, #tpu.memory_space<vmem>>
        %dma_wait3A_75 = arith.constant 0 : i32
        %dma_wait3A_76 = arith.constant 0 : i32
        %dma_wait3A_77 = tpu.memref_slice %arg2[%dma_wait3A_75, %dma_wait3A_76] : memref<10240x128xf32, #tpu.memory_space<hbm>> -> memref<10240x128xf32, #tpu.memory_space<hbm>>
        tpu.wait_indirect_dma semaphore(%arg13 : memref<!tpu.dma_semaphore, #tpu.memory_space<semaphore_mem>>) src(%dma_wait3A_77 : memref<10240x128xf32, #tpu.memory_space<hbm>>) dst(%arg10 : memref<128x128xf32, #tpu.memory_space<vmem>>)
        "tpu.region"() ({
          %run_scoped3A = tpu.sem_alloc : memref<!tpu.dma_semaphore, #tpu.memory_space<semaphore_mem>>
          %dma_start3A_78 = arith.constant 0 : i32
          %dma_start3A_79 = tpu.memref_slice %arg8[%add3A_54, %dma_start3A_78] : memref<32x128xi32, #tpu.memory_space<vmem>> -> memref<1x128xi32, #tpu.memory_space<vmem>>
          %dma_start3A_80 = tpu.memref_squeeze %dma_start3A_79 : memref<1x128xi32, #tpu.memory_space<vmem>> -> memref<128xi32, #tpu.memory_space<vmem>>
          %dma_start3A_81 = arith.constant 0 : i32
          %dma_start3A_82 = arith.constant 0 : i32
          %dma_start3A_83 = tpu.memref_slice %arg11[%dma_start3A_81, %dma_start3A_82] : memref<10240x128xf32, #tpu.memory_space<vmem_shared>> -> memref<10240x128xf32, #tpu.memory_space<vmem_shared>>
          tpu.enqueue_indirect_dma source(%arg10 : memref<128x128xf32, #tpu.memory_space<vmem>>) target(%dma_start3A_83 : memref<10240x128xf32, #tpu.memory_space<vmem_shared>>) offsets(%dma_start3A_80 : memref<128xi32, #tpu.memory_space<vmem>>) semaphore(%run_scoped3A : memref<!tpu.dma_semaphore, #tpu.memory_space<semaphore_mem>>) {add = true}
          %dma_wait3A_84 = arith.constant 0 : i32
          %dma_wait3A_85 = tpu.memref_slice %arg8[%add3A_54, %dma_wait3A_84] : memref<32x128xi32, #tpu.memory_space<vmem>> -> memref<1x128xi32, #tpu.memory_space<vmem>>
          %dma_wait3A_86 = tpu.memref_squeeze %dma_wait3A_85 : memref<1x128xi32, #tpu.memory_space<vmem>> -> memref<128xi32, #tpu.memory_space<vmem>>
          %dma_wait3A_87 = arith.constant 0 : i32
          %dma_wait3A_88 = arith.constant 0 : i32
          %dma_wait3A_89 = tpu.memref_slice %arg11[%dma_wait3A_87, %dma_wait3A_88] : memref<10240x128xf32, #tpu.memory_space<vmem_shared>> -> memref<10240x128xf32, #tpu.memory_space<vmem_shared>>
          tpu.wait_indirect_dma semaphore(%run_scoped3A : memref<!tpu.dma_semaphore, #tpu.memory_space<semaphore_mem>>) src(%arg10 : memref<128x128xf32, #tpu.memory_space<vmem>>) dst(%dma_wait3A_89 : memref<10240x128xf32, #tpu.memory_space<vmem_shared>>)
          tpu.yield
        }) : () -> ()
      }
      %scan3A_47 = arith.constant 16 : i32
    } else {
    }
    %gt3A_18 = arith.constant 2 : i32
    %gt3A_19 = arith.cmpi sgt, %select_n3A_8, %gt3A_18 : i32
    %convert_element_type3A_20 = arith.extui %gt3A_19 : i1 to i32
    %cond3A_21 = arith.constant 0 : i32
    %cond3A_22 = arith.cmpi ne, %convert_element_type3A_20, %cond3A_21 : i32
    scf.if %cond3A_22 {
      %add3A_33 = arith.constant 64 : i32
      %add3A_34 = arith.addi %select_n3A, %add3A_33 : i32
      "tpu.region"() ({
        %run_scoped3A = tpu.sem_alloc : memref<!tpu.dma_semaphore, #tpu.memory_space<semaphore_mem>>
        %dma_start3A_48 = arith.constant 0 : i32
        %dma_start3A_49 = tpu.memref_slice %arg3[%add3A_34, %dma_start3A_48] : memref<2560x128xi32, #tpu.memory_space<hbm>> -> memref<32x128xi32, #tpu.memory_space<hbm>>
        %dma_start3A_50 = arith.constant 0 : i32
        %dma_start3A_51 = tpu.memref_slice %arg3[%add3A_34, %dma_start3A_50] : memref<2560x128xi32, #tpu.memory_space<hbm>> -> memref<32x128xi32, #tpu.memory_space<hbm>>
        tpu.enqueue_dma source(%dma_start3A_51 : memref<32x128xi32, #tpu.memory_space<hbm>>) target(%arg7 : memref<32x128xi32, #tpu.memory_space<vmem>>) target_semaphore(%run_scoped3A : memref<!tpu.dma_semaphore, #tpu.memory_space<semaphore_mem>>)
        %dma_wait3A = arith.constant 0 : i32
        %dma_wait3A_52 = tpu.memref_slice %arg3[%add3A_34, %dma_wait3A] : memref<2560x128xi32, #tpu.memory_space<hbm>> -> memref<32x128xi32, #tpu.memory_space<hbm>>
        %dma_wait3A_53 = arith.constant 0 : i32
        %dma_wait3A_54 = tpu.memref_slice %arg3[%add3A_34, %dma_wait3A_53] : memref<2560x128xi32, #tpu.memory_space<hbm>> -> memref<32x128xi32, #tpu.memory_space<hbm>>
        tpu.wait_dma2 semaphore(%run_scoped3A : memref<!tpu.dma_semaphore, #tpu.memory_space<semaphore_mem>>) src(%dma_wait3A_54 : memref<32x128xi32, #tpu.memory_space<hbm>>) dst(%arg7 : memref<32x128xi32, #tpu.memory_space<vmem>>)
        tpu.yield
      }) : () -> ()
      %add3A_35 = arith.constant 64 : i32
      %add3A_36 = arith.addi %select_n3A, %add3A_35 : i32
      "tpu.region"() ({
        %run_scoped3A = tpu.sem_alloc : memref<!tpu.dma_semaphore, #tpu.memory_space<semaphore_mem>>
        %dma_start3A_48 = arith.constant 0 : i32
        %dma_start3A_49 = tpu.memref_slice %arg4[%add3A_36, %dma_start3A_48] : memref<2560x128xi32, #tpu.memory_space<hbm>> -> memref<32x128xi32, #tpu.memory_space<hbm>>
        %dma_start3A_50 = arith.constant 0 : i32
        %dma_start3A_51 = tpu.memref_slice %arg4[%add3A_36, %dma_start3A_50] : memref<2560x128xi32, #tpu.memory_space<hbm>> -> memref<32x128xi32, #tpu.memory_space<hbm>>
        tpu.enqueue_dma source(%dma_start3A_51 : memref<32x128xi32, #tpu.memory_space<hbm>>) target(%arg8 : memref<32x128xi32, #tpu.memory_space<vmem>>) target_semaphore(%run_scoped3A : memref<!tpu.dma_semaphore, #tpu.memory_space<semaphore_mem>>)
        %dma_wait3A = arith.constant 0 : i32
        %dma_wait3A_52 = tpu.memref_slice %arg4[%add3A_36, %dma_wait3A] : memref<2560x128xi32, #tpu.memory_space<hbm>> -> memref<32x128xi32, #tpu.memory_space<hbm>>
        %dma_wait3A_53 = arith.constant 0 : i32
        %dma_wait3A_54 = tpu.memref_slice %arg4[%add3A_36, %dma_wait3A_53] : memref<2560x128xi32, #tpu.memory_space<hbm>> -> memref<32x128xi32, #tpu.memory_space<hbm>>
        tpu.wait_dma2 semaphore(%run_scoped3A : memref<!tpu.dma_semaphore, #tpu.memory_space<semaphore_mem>>) src(%dma_wait3A_54 : memref<32x128xi32, #tpu.memory_space<hbm>>) dst(%arg8 : memref<32x128xi32, #tpu.memory_space<vmem>>)
        tpu.yield
      }) : () -> ()
      %dma_start3A = arith.constant 0 : i32
      %dma_start3A_37 = arith.constant 0 : i32
      %dma_start3A_38 = tpu.memref_slice %arg7[%dma_start3A, %dma_start3A_37] : memref<32x128xi32, #tpu.memory_space<vmem>> -> memref<1x128xi32, #tpu.memory_space<vmem>>
      %dma_start3A_39 = tpu.memref_squeeze %dma_start3A_38 : memref<1x128xi32, #tpu.memory_space<vmem>> -> memref<128xi32, #tpu.memory_space<vmem>>
      %dma_start3A_40 = arith.constant 0 : i32
      %dma_start3A_41 = arith.constant 0 : i32
      %dma_start3A_42 = tpu.memref_slice %arg2[%dma_start3A_40, %dma_start3A_41] : memref<10240x128xf32, #tpu.memory_space<hbm>> -> memref<10240x128xf32, #tpu.memory_space<hbm>>
      tpu.enqueue_indirect_dma source(%dma_start3A_42 : memref<10240x128xf32, #tpu.memory_space<hbm>>) target(%arg9 : memref<128x128xf32, #tpu.memory_space<vmem>>) offsets(%dma_start3A_39 : memref<128xi32, #tpu.memory_space<vmem>>) semaphore(%arg12 : memref<!tpu.dma_semaphore, #tpu.memory_space<semaphore_mem>>)
      %scan3A = arith.constant 0 : i32
      %scan3A_43 = arith.constant 0 : i32
      %scan3A_44 = arith.constant 16 : i32
      %scan3A_45 = arith.addi %scan3A_43, %scan3A_44 : i32
      %scan3A_46 = arith.constant 1 : i32
      scf.for %scan3A_48 = %scan3A_43 to %scan3A_45 step %scan3A_46  : i32 {
        %mul3A_49 = arith.constant 2 : i32
        %mul3A_50 = arith.muli %mul3A_49, %scan3A_48 : i32
        %mul3A_51 = arith.constant 2 : i32
        %mul3A_52 = arith.muli %mul3A_51, %scan3A_48 : i32
        %add3A_53 = arith.constant 1 : i32
        %add3A_54 = arith.addi %mul3A_52, %add3A_53 : i32
        %dma_start3A_55 = arith.constant 0 : i32
        %dma_start3A_56 = tpu.memref_slice %arg7[%add3A_54, %dma_start3A_55] : memref<32x128xi32, #tpu.memory_space<vmem>> -> memref<1x128xi32, #tpu.memory_space<vmem>>
        %dma_start3A_57 = tpu.memref_squeeze %dma_start3A_56 : memref<1x128xi32, #tpu.memory_space<vmem>> -> memref<128xi32, #tpu.memory_space<vmem>>
        %dma_start3A_58 = arith.constant 0 : i32
        %dma_start3A_59 = arith.constant 0 : i32
        %dma_start3A_60 = tpu.memref_slice %arg2[%dma_start3A_58, %dma_start3A_59] : memref<10240x128xf32, #tpu.memory_space<hbm>> -> memref<10240x128xf32, #tpu.memory_space<hbm>>
        tpu.enqueue_indirect_dma source(%dma_start3A_60 : memref<10240x128xf32, #tpu.memory_space<hbm>>) target(%arg10 : memref<128x128xf32, #tpu.memory_space<vmem>>) offsets(%dma_start3A_57 : memref<128xi32, #tpu.memory_space<vmem>>) semaphore(%arg13 : memref<!tpu.dma_semaphore, #tpu.memory_space<semaphore_mem>>)
        %dma_wait3A = arith.constant 0 : i32
        %dma_wait3A_61 = tpu.memref_slice %arg7[%mul3A_50, %dma_wait3A] : memref<32x128xi32, #tpu.memory_space<vmem>> -> memref<1x128xi32, #tpu.memory_space<vmem>>
        %dma_wait3A_62 = tpu.memref_squeeze %dma_wait3A_61 : memref<1x128xi32, #tpu.memory_space<vmem>> -> memref<128xi32, #tpu.memory_space<vmem>>
        %dma_wait3A_63 = arith.constant 0 : i32
        %dma_wait3A_64 = arith.constant 0 : i32
        %dma_wait3A_65 = tpu.memref_slice %arg2[%dma_wait3A_63, %dma_wait3A_64] : memref<10240x128xf32, #tpu.memory_space<hbm>> -> memref<10240x128xf32, #tpu.memory_space<hbm>>
        tpu.wait_indirect_dma semaphore(%arg12 : memref<!tpu.dma_semaphore, #tpu.memory_space<semaphore_mem>>) src(%dma_wait3A_65 : memref<10240x128xf32, #tpu.memory_space<hbm>>) dst(%arg9 : memref<128x128xf32, #tpu.memory_space<vmem>>)
        "tpu.region"() ({
          %run_scoped3A = tpu.sem_alloc : memref<!tpu.dma_semaphore, #tpu.memory_space<semaphore_mem>>
          %dma_start3A_78 = arith.constant 0 : i32
          %dma_start3A_79 = tpu.memref_slice %arg8[%mul3A_50, %dma_start3A_78] : memref<32x128xi32, #tpu.memory_space<vmem>> -> memref<1x128xi32, #tpu.memory_space<vmem>>
          %dma_start3A_80 = tpu.memref_squeeze %dma_start3A_79 : memref<1x128xi32, #tpu.memory_space<vmem>> -> memref<128xi32, #tpu.memory_space<vmem>>
          %dma_start3A_81 = arith.constant 0 : i32
          %dma_start3A_82 = arith.constant 0 : i32
          %dma_start3A_83 = tpu.memref_slice %arg11[%dma_start3A_81, %dma_start3A_82] : memref<10240x128xf32, #tpu.memory_space<vmem_shared>> -> memref<10240x128xf32, #tpu.memory_space<vmem_shared>>
          tpu.enqueue_indirect_dma source(%arg9 : memref<128x128xf32, #tpu.memory_space<vmem>>) target(%dma_start3A_83 : memref<10240x128xf32, #tpu.memory_space<vmem_shared>>) offsets(%dma_start3A_80 : memref<128xi32, #tpu.memory_space<vmem>>) semaphore(%run_scoped3A : memref<!tpu.dma_semaphore, #tpu.memory_space<semaphore_mem>>) {add = true}
          %dma_wait3A_84 = arith.constant 0 : i32
          %dma_wait3A_85 = tpu.memref_slice %arg8[%mul3A_50, %dma_wait3A_84] : memref<32x128xi32, #tpu.memory_space<vmem>> -> memref<1x128xi32, #tpu.memory_space<vmem>>
          %dma_wait3A_86 = tpu.memref_squeeze %dma_wait3A_85 : memref<1x128xi32, #tpu.memory_space<vmem>> -> memref<128xi32, #tpu.memory_space<vmem>>
          %dma_wait3A_87 = arith.constant 0 : i32
          %dma_wait3A_88 = arith.constant 0 : i32
          %dma_wait3A_89 = tpu.memref_slice %arg11[%dma_wait3A_87, %dma_wait3A_88] : memref<10240x128xf32, #tpu.memory_space<vmem_shared>> -> memref<10240x128xf32, #tpu.memory_space<vmem_shared>>
          tpu.wait_indirect_dma semaphore(%run_scoped3A : memref<!tpu.dma_semaphore, #tpu.memory_space<semaphore_mem>>) src(%arg9 : memref<128x128xf32, #tpu.memory_space<vmem>>) dst(%dma_wait3A_89 : memref<10240x128xf32, #tpu.memory_space<vmem_shared>>)
          tpu.yield
        }) : () -> ()
        %add3A_66 = arith.constant 1 : i32
        %add3A_67 = arith.addi %add3A_54, %add3A_66 : i32
        %lt3A = arith.constant 32 : i32
        %lt3A_68 = arith.cmpi slt, %add3A_67, %lt3A : i32
        %convert_element_type3A_69 = arith.extui %lt3A_68 : i1 to i32
        %cond3A_70 = arith.constant 0 : i32
        %cond3A_71 = arith.cmpi ne, %convert_element_type3A_69, %cond3A_70 : i32
        scf.if %cond3A_71 {
          %add3A_78 = arith.constant 1 : i32
          %add3A_79 = arith.addi %add3A_54, %add3A_78 : i32
          %dma_start3A_80 = arith.constant 0 : i32
          %dma_start3A_81 = tpu.memref_slice %arg7[%add3A_79, %dma_start3A_80] : memref<32x128xi32, #tpu.memory_space<vmem>> -> memref<1x128xi32, #tpu.memory_space<vmem>>
          %dma_start3A_82 = tpu.memref_squeeze %dma_start3A_81 : memref<1x128xi32, #tpu.memory_space<vmem>> -> memref<128xi32, #tpu.memory_space<vmem>>
          %dma_start3A_83 = arith.constant 0 : i32
          %dma_start3A_84 = arith.constant 0 : i32
          %dma_start3A_85 = tpu.memref_slice %arg2[%dma_start3A_83, %dma_start3A_84] : memref<10240x128xf32, #tpu.memory_space<hbm>> -> memref<10240x128xf32, #tpu.memory_space<hbm>>
          tpu.enqueue_indirect_dma source(%dma_start3A_85 : memref<10240x128xf32, #tpu.memory_space<hbm>>) target(%arg9 : memref<128x128xf32, #tpu.memory_space<vmem>>) offsets(%dma_start3A_82 : memref<128xi32, #tpu.memory_space<vmem>>) semaphore(%arg12 : memref<!tpu.dma_semaphore, #tpu.memory_space<semaphore_mem>>)
        } else {
        }
        %dma_wait3A_72 = arith.constant 0 : i32
        %dma_wait3A_73 = tpu.memref_slice %arg7[%add3A_54, %dma_wait3A_72] : memref<32x128xi32, #tpu.memory_space<vmem>> -> memref<1x128xi32, #tpu.memory_space<vmem>>
        %dma_wait3A_74 = tpu.memref_squeeze %dma_wait3A_73 : memref<1x128xi32, #tpu.memory_space<vmem>> -> memref<128xi32, #tpu.memory_space<vmem>>
        %dma_wait3A_75 = arith.constant 0 : i32
        %dma_wait3A_76 = arith.constant 0 : i32
        %dma_wait3A_77 = tpu.memref_slice %arg2[%dma_wait3A_75, %dma_wait3A_76] : memref<10240x128xf32, #tpu.memory_space<hbm>> -> memref<10240x128xf32, #tpu.memory_space<hbm>>
        tpu.wait_indirect_dma semaphore(%arg13 : memref<!tpu.dma_semaphore, #tpu.memory_space<semaphore_mem>>) src(%dma_wait3A_77 : memref<10240x128xf32, #tpu.memory_space<hbm>>) dst(%arg10 : memref<128x128xf32, #tpu.memory_space<vmem>>)
        "tpu.region"() ({
          %run_scoped3A = tpu.sem_alloc : memref<!tpu.dma_semaphore, #tpu.memory_space<semaphore_mem>>
          %dma_start3A_78 = arith.constant 0 : i32
          %dma_start3A_79 = tpu.memref_slice %arg8[%add3A_54, %dma_start3A_78] : memref<32x128xi32, #tpu.memory_space<vmem>> -> memref<1x128xi32, #tpu.memory_space<vmem>>
          %dma_start3A_80 = tpu.memref_squeeze %dma_start3A_79 : memref<1x128xi32, #tpu.memory_space<vmem>> -> memref<128xi32, #tpu.memory_space<vmem>>
          %dma_start3A_81 = arith.constant 0 : i32
          %dma_start3A_82 = arith.constant 0 : i32
          %dma_start3A_83 = tpu.memref_slice %arg11[%dma_start3A_81, %dma_start3A_82] : memref<10240x128xf32, #tpu.memory_space<vmem_shared>> -> memref<10240x128xf32, #tpu.memory_space<vmem_shared>>
          tpu.enqueue_indirect_dma source(%arg10 : memref<128x128xf32, #tpu.memory_space<vmem>>) target(%dma_start3A_83 : memref<10240x128xf32, #tpu.memory_space<vmem_shared>>) offsets(%dma_start3A_80 : memref<128xi32, #tpu.memory_space<vmem>>) semaphore(%run_scoped3A : memref<!tpu.dma_semaphore, #tpu.memory_space<semaphore_mem>>) {add = true}
          %dma_wait3A_84 = arith.constant 0 : i32
          %dma_wait3A_85 = tpu.memref_slice %arg8[%add3A_54, %dma_wait3A_84] : memref<32x128xi32, #tpu.memory_space<vmem>> -> memref<1x128xi32, #tpu.memory_space<vmem>>
          %dma_wait3A_86 = tpu.memref_squeeze %dma_wait3A_85 : memref<1x128xi32, #tpu.memory_space<vmem>> -> memref<128xi32, #tpu.memory_space<vmem>>
          %dma_wait3A_87 = arith.constant 0 : i32
          %dma_wait3A_88 = arith.constant 0 : i32
          %dma_wait3A_89 = tpu.memref_slice %arg11[%dma_wait3A_87, %dma_wait3A_88] : memref<10240x128xf32, #tpu.memory_space<vmem_shared>> -> memref<10240x128xf32, #tpu.memory_space<vmem_shared>>
          tpu.wait_indirect_dma semaphore(%run_scoped3A : memref<!tpu.dma_semaphore, #tpu.memory_space<semaphore_mem>>) src(%arg10 : memref<128x128xf32, #tpu.memory_space<vmem>>) dst(%dma_wait3A_89 : memref<10240x128xf32, #tpu.memory_space<vmem_shared>>)
          tpu.yield
        }) : () -> ()
      }
      %scan3A_47 = arith.constant 16 : i32
    } else {
    }
    %gt3A_23 = arith.constant 3 : i32
    %gt3A_24 = arith.cmpi sgt, %select_n3A_8, %gt3A_23 : i32
    %convert_element_type3A_25 = arith.extui %gt3A_24 : i1 to i32
    %cond3A_26 = arith.constant 0 : i32
    %cond3A_27 = arith.cmpi ne, %convert_element_type3A_25, %cond3A_26 : i32
    scf.if %cond3A_27 {
      %add3A_33 = arith.constant 96 : i32
      %add3A_34 = arith.addi %select_n3A, %add3A_33 : i32
      "tpu.region"() ({
        %run_scoped3A = tpu.sem_alloc : memref<!tpu.dma_semaphore, #tpu.memory_space<semaphore_mem>>
        %dma_start3A_48 = arith.constant 0 : i32
        %dma_start3A_49 = tpu.memref_slice %arg3[%add3A_34, %dma_start3A_48] : memref<2560x128xi32, #tpu.memory_space<hbm>> -> memref<32x128xi32, #tpu.memory_space<hbm>>
        %dma_start3A_50 = arith.constant 0 : i32
        %dma_start3A_51 = tpu.memref_slice %arg3[%add3A_34, %dma_start3A_50] : memref<2560x128xi32, #tpu.memory_space<hbm>> -> memref<32x128xi32, #tpu.memory_space<hbm>>
        tpu.enqueue_dma source(%dma_start3A_51 : memref<32x128xi32, #tpu.memory_space<hbm>>) target(%arg7 : memref<32x128xi32, #tpu.memory_space<vmem>>) target_semaphore(%run_scoped3A : memref<!tpu.dma_semaphore, #tpu.memory_space<semaphore_mem>>)
        %dma_wait3A = arith.constant 0 : i32
        %dma_wait3A_52 = tpu.memref_slice %arg3[%add3A_34, %dma_wait3A] : memref<2560x128xi32, #tpu.memory_space<hbm>> -> memref<32x128xi32, #tpu.memory_space<hbm>>
        %dma_wait3A_53 = arith.constant 0 : i32
        %dma_wait3A_54 = tpu.memref_slice %arg3[%add3A_34, %dma_wait3A_53] : memref<2560x128xi32, #tpu.memory_space<hbm>> -> memref<32x128xi32, #tpu.memory_space<hbm>>
        tpu.wait_dma2 semaphore(%run_scoped3A : memref<!tpu.dma_semaphore, #tpu.memory_space<semaphore_mem>>) src(%dma_wait3A_54 : memref<32x128xi32, #tpu.memory_space<hbm>>) dst(%arg7 : memref<32x128xi32, #tpu.memory_space<vmem>>)
        tpu.yield
      }) : () -> ()
      %add3A_35 = arith.constant 96 : i32
      %add3A_36 = arith.addi %select_n3A, %add3A_35 : i32
      "tpu.region"() ({
        %run_scoped3A = tpu.sem_alloc : memref<!tpu.dma_semaphore, #tpu.memory_space<semaphore_mem>>
        %dma_start3A_48 = arith.constant 0 : i32
        %dma_start3A_49 = tpu.memref_slice %arg4[%add3A_36, %dma_start3A_48] : memref<2560x128xi32, #tpu.memory_space<hbm>> -> memref<32x128xi32, #tpu.memory_space<hbm>>
        %dma_start3A_50 = arith.constant 0 : i32
        %dma_start3A_51 = tpu.memref_slice %arg4[%add3A_36, %dma_start3A_50] : memref<2560x128xi32, #tpu.memory_space<hbm>> -> memref<32x128xi32, #tpu.memory_space<hbm>>
        tpu.enqueue_dma source(%dma_start3A_51 : memref<32x128xi32, #tpu.memory_space<hbm>>) target(%arg8 : memref<32x128xi32, #tpu.memory_space<vmem>>) target_semaphore(%run_scoped3A : memref<!tpu.dma_semaphore, #tpu.memory_space<semaphore_mem>>)
        %dma_wait3A = arith.constant 0 : i32
        %dma_wait3A_52 = tpu.memref_slice %arg4[%add3A_36, %dma_wait3A] : memref<2560x128xi32, #tpu.memory_space<hbm>> -> memref<32x128xi32, #tpu.memory_space<hbm>>
        %dma_wait3A_53 = arith.constant 0 : i32
        %dma_wait3A_54 = tpu.memref_slice %arg4[%add3A_36, %dma_wait3A_53] : memref<2560x128xi32, #tpu.memory_space<hbm>> -> memref<32x128xi32, #tpu.memory_space<hbm>>
        tpu.wait_dma2 semaphore(%run_scoped3A : memref<!tpu.dma_semaphore, #tpu.memory_space<semaphore_mem>>) src(%dma_wait3A_54 : memref<32x128xi32, #tpu.memory_space<hbm>>) dst(%arg8 : memref<32x128xi32, #tpu.memory_space<vmem>>)
        tpu.yield
      }) : () -> ()
      %dma_start3A = arith.constant 0 : i32
      %dma_start3A_37 = arith.constant 0 : i32
      %dma_start3A_38 = tpu.memref_slice %arg7[%dma_start3A, %dma_start3A_37] : memref<32x128xi32, #tpu.memory_space<vmem>> -> memref<1x128xi32, #tpu.memory_space<vmem>>
      %dma_start3A_39 = tpu.memref_squeeze %dma_start3A_38 : memref<1x128xi32, #tpu.memory_space<vmem>> -> memref<128xi32, #tpu.memory_space<vmem>>
      %dma_start3A_40 = arith.constant 0 : i32
      %dma_start3A_41 = arith.constant 0 : i32
      %dma_start3A_42 = tpu.memref_slice %arg2[%dma_start3A_40, %dma_start3A_41] : memref<10240x128xf32, #tpu.memory_space<hbm>> -> memref<10240x128xf32, #tpu.memory_space<hbm>>
      tpu.enqueue_indirect_dma source(%dma_start3A_42 : memref<10240x128xf32, #tpu.memory_space<hbm>>) target(%arg9 : memref<128x128xf32, #tpu.memory_space<vmem>>) offsets(%dma_start3A_39 : memref<128xi32, #tpu.memory_space<vmem>>) semaphore(%arg12 : memref<!tpu.dma_semaphore, #tpu.memory_space<semaphore_mem>>)
      %scan3A = arith.constant 0 : i32
      %scan3A_43 = arith.constant 0 : i32
      %scan3A_44 = arith.constant 16 : i32
      %scan3A_45 = arith.addi %scan3A_43, %scan3A_44 : i32
      %scan3A_46 = arith.constant 1 : i32
      scf.for %scan3A_48 = %scan3A_43 to %scan3A_45 step %scan3A_46  : i32 {
        %mul3A_49 = arith.constant 2 : i32
        %mul3A_50 = arith.muli %mul3A_49, %scan3A_48 : i32
        %mul3A_51 = arith.constant 2 : i32
        %mul3A_52 = arith.muli %mul3A_51, %scan3A_48 : i32
        %add3A_53 = arith.constant 1 : i32
        %add3A_54 = arith.addi %mul3A_52, %add3A_53 : i32
        %dma_start3A_55 = arith.constant 0 : i32
        %dma_start3A_56 = tpu.memref_slice %arg7[%add3A_54, %dma_start3A_55] : memref<32x128xi32, #tpu.memory_space<vmem>> -> memref<1x128xi32, #tpu.memory_space<vmem>>
        %dma_start3A_57 = tpu.memref_squeeze %dma_start3A_56 : memref<1x128xi32, #tpu.memory_space<vmem>> -> memref<128xi32, #tpu.memory_space<vmem>>
        %dma_start3A_58 = arith.constant 0 : i32
        %dma_start3A_59 = arith.constant 0 : i32
        %dma_start3A_60 = tpu.memref_slice %arg2[%dma_start3A_58, %dma_start3A_59] : memref<10240x128xf32, #tpu.memory_space<hbm>> -> memref<10240x128xf32, #tpu.memory_space<hbm>>
        tpu.enqueue_indirect_dma source(%dma_start3A_60 : memref<10240x128xf32, #tpu.memory_space<hbm>>) target(%arg10 : memref<128x128xf32, #tpu.memory_space<vmem>>) offsets(%dma_start3A_57 : memref<128xi32, #tpu.memory_space<vmem>>) semaphore(%arg13 : memref<!tpu.dma_semaphore, #tpu.memory_space<semaphore_mem>>)
        %dma_wait3A = arith.constant 0 : i32
        %dma_wait3A_61 = tpu.memref_slice %arg7[%mul3A_50, %dma_wait3A] : memref<32x128xi32, #tpu.memory_space<vmem>> -> memref<1x128xi32, #tpu.memory_space<vmem>>
        %dma_wait3A_62 = tpu.memref_squeeze %dma_wait3A_61 : memref<1x128xi32, #tpu.memory_space<vmem>> -> memref<128xi32, #tpu.memory_space<vmem>>
        %dma_wait3A_63 = arith.constant 0 : i32
        %dma_wait3A_64 = arith.constant 0 : i32
        %dma_wait3A_65 = tpu.memref_slice %arg2[%dma_wait3A_63, %dma_wait3A_64] : memref<10240x128xf32, #tpu.memory_space<hbm>> -> memref<10240x128xf32, #tpu.memory_space<hbm>>
        tpu.wait_indirect_dma semaphore(%arg12 : memref<!tpu.dma_semaphore, #tpu.memory_space<semaphore_mem>>) src(%dma_wait3A_65 : memref<10240x128xf32, #tpu.memory_space<hbm>>) dst(%arg9 : memref<128x128xf32, #tpu.memory_space<vmem>>)
        "tpu.region"() ({
          %run_scoped3A = tpu.sem_alloc : memref<!tpu.dma_semaphore, #tpu.memory_space<semaphore_mem>>
          %dma_start3A_78 = arith.constant 0 : i32
          %dma_start3A_79 = tpu.memref_slice %arg8[%mul3A_50, %dma_start3A_78] : memref<32x128xi32, #tpu.memory_space<vmem>> -> memref<1x128xi32, #tpu.memory_space<vmem>>
          %dma_start3A_80 = tpu.memref_squeeze %dma_start3A_79 : memref<1x128xi32, #tpu.memory_space<vmem>> -> memref<128xi32, #tpu.memory_space<vmem>>
          %dma_start3A_81 = arith.constant 0 : i32
          %dma_start3A_82 = arith.constant 0 : i32
          %dma_start3A_83 = tpu.memref_slice %arg11[%dma_start3A_81, %dma_start3A_82] : memref<10240x128xf32, #tpu.memory_space<vmem_shared>> -> memref<10240x128xf32, #tpu.memory_space<vmem_shared>>
          tpu.enqueue_indirect_dma source(%arg9 : memref<128x128xf32, #tpu.memory_space<vmem>>) target(%dma_start3A_83 : memref<10240x128xf32, #tpu.memory_space<vmem_shared>>) offsets(%dma_start3A_80 : memref<128xi32, #tpu.memory_space<vmem>>) semaphore(%run_scoped3A : memref<!tpu.dma_semaphore, #tpu.memory_space<semaphore_mem>>) {add = true}
          %dma_wait3A_84 = arith.constant 0 : i32
          %dma_wait3A_85 = tpu.memref_slice %arg8[%mul3A_50, %dma_wait3A_84] : memref<32x128xi32, #tpu.memory_space<vmem>> -> memref<1x128xi32, #tpu.memory_space<vmem>>
          %dma_wait3A_86 = tpu.memref_squeeze %dma_wait3A_85 : memref<1x128xi32, #tpu.memory_space<vmem>> -> memref<128xi32, #tpu.memory_space<vmem>>
          %dma_wait3A_87 = arith.constant 0 : i32
          %dma_wait3A_88 = arith.constant 0 : i32
          %dma_wait3A_89 = tpu.memref_slice %arg11[%dma_wait3A_87, %dma_wait3A_88] : memref<10240x128xf32, #tpu.memory_space<vmem_shared>> -> memref<10240x128xf32, #tpu.memory_space<vmem_shared>>
          tpu.wait_indirect_dma semaphore(%run_scoped3A : memref<!tpu.dma_semaphore, #tpu.memory_space<semaphore_mem>>) src(%arg9 : memref<128x128xf32, #tpu.memory_space<vmem>>) dst(%dma_wait3A_89 : memref<10240x128xf32, #tpu.memory_space<vmem_shared>>)
          tpu.yield
        }) : () -> ()
        %add3A_66 = arith.constant 1 : i32
        %add3A_67 = arith.addi %add3A_54, %add3A_66 : i32
        %lt3A = arith.constant 32 : i32
        %lt3A_68 = arith.cmpi slt, %add3A_67, %lt3A : i32
        %convert_element_type3A_69 = arith.extui %lt3A_68 : i1 to i32
        %cond3A_70 = arith.constant 0 : i32
        %cond3A_71 = arith.cmpi ne, %convert_element_type3A_69, %cond3A_70 : i32
        scf.if %cond3A_71 {
          %add3A_78 = arith.constant 1 : i32
          %add3A_79 = arith.addi %add3A_54, %add3A_78 : i32
          %dma_start3A_80 = arith.constant 0 : i32
          %dma_start3A_81 = tpu.memref_slice %arg7[%add3A_79, %dma_start3A_80] : memref<32x128xi32, #tpu.memory_space<vmem>> -> memref<1x128xi32, #tpu.memory_space<vmem>>
          %dma_start3A_82 = tpu.memref_squeeze %dma_start3A_81 : memref<1x128xi32, #tpu.memory_space<vmem>> -> memref<128xi32, #tpu.memory_space<vmem>>
          %dma_start3A_83 = arith.constant 0 : i32
          %dma_start3A_84 = arith.constant 0 : i32
          %dma_start3A_85 = tpu.memref_slice %arg2[%dma_start3A_83, %dma_start3A_84] : memref<10240x128xf32, #tpu.memory_space<hbm>> -> memref<10240x128xf32, #tpu.memory_space<hbm>>
          tpu.enqueue_indirect_dma source(%dma_start3A_85 : memref<10240x128xf32, #tpu.memory_space<hbm>>) target(%arg9 : memref<128x128xf32, #tpu.memory_space<vmem>>) offsets(%dma_start3A_82 : memref<128xi32, #tpu.memory_space<vmem>>) semaphore(%arg12 : memref<!tpu.dma_semaphore, #tpu.memory_space<semaphore_mem>>)
        } else {
        }
        %dma_wait3A_72 = arith.constant 0 : i32
        %dma_wait3A_73 = tpu.memref_slice %arg7[%add3A_54, %dma_wait3A_72] : memref<32x128xi32, #tpu.memory_space<vmem>> -> memref<1x128xi32, #tpu.memory_space<vmem>>
        %dma_wait3A_74 = tpu.memref_squeeze %dma_wait3A_73 : memref<1x128xi32, #tpu.memory_space<vmem>> -> memref<128xi32, #tpu.memory_space<vmem>>
        %dma_wait3A_75 = arith.constant 0 : i32
        %dma_wait3A_76 = arith.constant 0 : i32
        %dma_wait3A_77 = tpu.memref_slice %arg2[%dma_wait3A_75, %dma_wait3A_76] : memref<10240x128xf32, #tpu.memory_space<hbm>> -> memref<10240x128xf32, #tpu.memory_space<hbm>>
        tpu.wait_indirect_dma semaphore(%arg13 : memref<!tpu.dma_semaphore, #tpu.memory_space<semaphore_mem>>) src(%dma_wait3A_77 : memref<10240x128xf32, #tpu.memory_space<hbm>>) dst(%arg10 : memref<128x128xf32, #tpu.memory_space<vmem>>)
        "tpu.region"() ({
          %run_scoped3A = tpu.sem_alloc : memref<!tpu.dma_semaphore, #tpu.memory_space<semaphore_mem>>
          %dma_start3A_78 = arith.constant 0 : i32
          %dma_start3A_79 = tpu.memref_slice %arg8[%add3A_54, %dma_start3A_78] : memref<32x128xi32, #tpu.memory_space<vmem>> -> memref<1x128xi32, #tpu.memory_space<vmem>>
          %dma_start3A_80 = tpu.memref_squeeze %dma_start3A_79 : memref<1x128xi32, #tpu.memory_space<vmem>> -> memref<128xi32, #tpu.memory_space<vmem>>
          %dma_start3A_81 = arith.constant 0 : i32
          %dma_start3A_82 = arith.constant 0 : i32
          %dma_start3A_83 = tpu.memref_slice %arg11[%dma_start3A_81, %dma_start3A_82] : memref<10240x128xf32, #tpu.memory_space<vmem_shared>> -> memref<10240x128xf32, #tpu.memory_space<vmem_shared>>
          tpu.enqueue_indirect_dma source(%arg10 : memref<128x128xf32, #tpu.memory_space<vmem>>) target(%dma_start3A_83 : memref<10240x128xf32, #tpu.memory_space<vmem_shared>>) offsets(%dma_start3A_80 : memref<128xi32, #tpu.memory_space<vmem>>) semaphore(%run_scoped3A : memref<!tpu.dma_semaphore, #tpu.memory_space<semaphore_mem>>) {add = true}
          %dma_wait3A_84 = arith.constant 0 : i32
          %dma_wait3A_85 = tpu.memref_slice %arg8[%add3A_54, %dma_wait3A_84] : memref<32x128xi32, #tpu.memory_space<vmem>> -> memref<1x128xi32, #tpu.memory_space<vmem>>
          %dma_wait3A_86 = tpu.memref_squeeze %dma_wait3A_85 : memref<1x128xi32, #tpu.memory_space<vmem>> -> memref<128xi32, #tpu.memory_space<vmem>>
          %dma_wait3A_87 = arith.constant 0 : i32
          %dma_wait3A_88 = arith.constant 0 : i32
          %dma_wait3A_89 = tpu.memref_slice %arg11[%dma_wait3A_87, %dma_wait3A_88] : memref<10240x128xf32, #tpu.memory_space<vmem_shared>> -> memref<10240x128xf32, #tpu.memory_space<vmem_shared>>
          tpu.wait_indirect_dma semaphore(%run_scoped3A : memref<!tpu.dma_semaphore, #tpu.memory_space<semaphore_mem>>) src(%arg10 : memref<128x128xf32, #tpu.memory_space<vmem>>) dst(%dma_wait3A_89 : memref<10240x128xf32, #tpu.memory_space<vmem_shared>>)
          tpu.yield
        }) : () -> ()
      }
      %scan3A_47 = arith.constant 16 : i32
    } else {
    }
    %barrier3A_28 = arith.constant 0 : index
    tpu.barrier barrier_id(%barrier3A_28)
    %mul3A_29 = arith.constant 640 : i32
    %mul3A_30 = arith.muli %arg1, %mul3A_29 : i32
    %mul3A_31 = arith.constant 640 : i32
    %mul3A_32 = arith.muli %arg1, %mul3A_31 : i32
    "tpu.region"() ({
      %run_scoped3A = tpu.sem_alloc : memref<!tpu.dma_semaphore, #tpu.memory_space<semaphore_mem>>
      %dma_start3A = arith.constant 0 : i32
      %dma_start3A_33 = tpu.memref_slice %arg6[%arg0, %mul3A_32, %dma_start3A] : memref<2x10240x128xf32, #tpu.memory_space<hbm>> -> memref<1x640x128xf32, #tpu.memory_space<hbm>>
      %dma_start3A_34 = tpu.memref_squeeze %dma_start3A_33 : memref<1x640x128xf32, #tpu.memory_space<hbm>> -> memref<640x128xf32, #tpu.memory_space<hbm>>
      %dma_start3A_35 = arith.constant 0 : i32
      %dma_start3A_36 = tpu.memref_slice %arg11[%mul3A_30, %dma_start3A_35] : memref<10240x128xf32, #tpu.memory_space<vmem_shared>> -> memref<640x128xf32, #tpu.memory_space<vmem_shared>>
      tpu.enqueue_dma source(%dma_start3A_36 : memref<640x128xf32, #tpu.memory_space<vmem_shared>>) target(%dma_start3A_34 : memref<640x128xf32, #tpu.memory_space<hbm>>) target_semaphore(%run_scoped3A : memref<!tpu.dma_semaphore, #tpu.memory_space<semaphore_mem>>)
      %dma_wait3A = arith.constant 0 : i32
      %dma_wait3A_37 = tpu.memref_slice %arg6[%arg0, %mul3A_32, %dma_wait3A] : memref<2x10240x128xf32, #tpu.memory_space<hbm>> -> memref<1x640x128xf32, #tpu.memory_space<hbm>>
      %dma_wait3A_38 = tpu.memref_squeeze %dma_wait3A_37 : memref<1x640x128xf32, #tpu.memory_space<hbm>> -> memref<640x128xf32, #tpu.memory_space<hbm>>
      %dma_wait3A_39 = arith.constant 0 : i32
      %dma_wait3A_40 = tpu.memref_slice %arg11[%mul3A_30, %dma_wait3A_39] : memref<10240x128xf32, #tpu.memory_space<vmem_shared>> -> memref<640x128xf32, #tpu.memory_space<vmem_shared>>
      tpu.wait_dma2 semaphore(%run_scoped3A : memref<!tpu.dma_semaphore, #tpu.memory_space<semaphore_mem>>) src(%dma_wait3A_40 : memref<640x128xf32, #tpu.memory_space<vmem_shared>>) dst(%dma_wait3A_38 : memref<640x128xf32, #tpu.memory_space<hbm>>)
      tpu.yield
    }) : () -> ()
    return
  }
}

module attributes {stable_mosaic.version = 14 : i64} {
  func.func @_prep_body(%arg0: memref<2x16x10240xf32, #tpu.memory_space<vmem>>, %arg1: memref<10000x128xf32, #tpu.memory_space<vmem>>, %arg2: memref<10240x128xf32, #tpu.memory_space<vmem>>, %arg3: memref<10240x128xf32, #tpu.memory_space<vmem>>) attributes {dimension_semantics = [], scalar_prefetch = 0 : i64, scratch_operands = 0 : i64, tpu.core_type = #tpu.core_type<tc>} {
    %get3A = arith.constant 0 : index
    %get3A_0 = arith.constant 0 : index
    %get3A_1 = arith.constant 0 : index
    %get3A_2 = vector.load %arg0[%get3A, %get3A_0, %get3A_1] : memref<2x16x10240xf32, #tpu.memory_space<vmem>>, vector<2x16x10240xf32>
    %reshape3A = vector.shape_cast %get3A_2 : vector<2x16x10240xf32> to vector<32x10240xf32>
    %reduce_sum3A = arith.constant dense<0.000000e+00> : vector<10240xf32>
    %reduce_sum3A_3 = vector.multi_reduction <add>, %reshape3A, %reduce_sum3A [0] : vector<32x10240xf32> to vector<10240xf32>
    %add3A = arith.constant 1.000000e+00 : f32
    %add3A_4 = vector.broadcast %add3A : f32 to vector<10240xf32>
    %add3A_5 = arith.addf %reduce_sum3A_3, %add3A_4 : vector<10240xf32>
    %rsqrt3A = math.rsqrt %add3A_5 : vector<10240xf32>
    %broadcast_in_dim3A = vector.shape_cast %rsqrt3A : vector<10240xf32> to vector<10240x1xf32>
    %broadcast_in_dim3A_6 = vector.shape_cast %broadcast_in_dim3A : vector<10240x1xf32> to vector<10240x1xf32>
    %broadcast_in_dim3A_7 = vector.broadcast %broadcast_in_dim3A_6 : vector<10240x1xf32> to vector<10240x128xf32>
    %swap3A = arith.constant 0 : index
    %swap3A_8 = arith.constant 0 : index
    %swap3A_9 = vector.load %arg3[%swap3A, %swap3A_8] : memref<10240x128xf32, #tpu.memory_space<vmem>>, vector<10240x128xf32>
    tpu.vector_store %arg3[%swap3A, %swap3A_8], %broadcast_in_dim3A_7 {strides = array<i32>} : memref<10240x128xf32, #tpu.memory_space<vmem>>, vector<10240x128xf32>,
    %get3A_10 = arith.constant 0 : index
    %get3A_11 = arith.constant 0 : index
    %get3A_12 = vector.load %arg1[%get3A_10, %get3A_11] : memref<10000x128xf32, #tpu.memory_space<vmem>>, vector<10000x128xf32>
    %slice3A = vector.extract_strided_slice %broadcast_in_dim3A_7 {offsets = [0, 0], sizes = [10000, 128], strides = [1, 1]} : vector<10240x128xf32> to vector<10000x128xf32>
    %mul3A = arith.mulf %get3A_12, %slice3A : vector<10000x128xf32>
    %swap3A_13 = arith.constant 0 : index
    %swap3A_14 = arith.constant 0 : index
    %swap3A_15 = vector.load %arg2[%swap3A_13, %swap3A_14] : memref<10240x128xf32, #tpu.memory_space<vmem>>, vector<10000x128xf32>
    tpu.vector_store %arg2[%swap3A_13, %swap3A_14], %mul3A {strides = array<i32>} : memref<10240x128xf32, #tpu.memory_space<vmem>>, vector<10000x128xf32>,
    %broadcast_in_dim3A_16 = arith.constant 0.000000e+00 : f32
    %broadcast_in_dim3A_17 = vector.broadcast %broadcast_in_dim3A_16 : f32 to vector<240x128xf32>
    %swap3A_18 = arith.constant 10000 : index
    %swap3A_19 = arith.constant 0 : index
    %swap3A_20 = vector.load %arg2[%swap3A_18, %swap3A_19] : memref<10240x128xf32, #tpu.memory_space<vmem>>, vector<240x128xf32>
    tpu.vector_store %arg2[%swap3A_18, %swap3A_19], %broadcast_in_dim3A_17 {strides = array<i32>} : memref<10240x128xf32, #tpu.memory_space<vmem>>, vector<240x128xf32>,
    return
  }
}

module attributes {stable_mosaic.version = 14 : i64} {
  func.func @_mid_body(%arg0: i32, %arg1: memref<2x512x128xf32, #tpu.memory_space<vmem>>, %arg2: memref<512x128xf32, #tpu.memory_space<vmem>>, %arg3: memref<512x128xf32, #tpu.memory_space<vmem>>, %arg4: memref<128x256xf32, #tpu.memory_space<vmem>>, %arg5: memref<1x256xf32, #tpu.memory_space<vmem>>, %arg6: memref<256x128xf32, #tpu.memory_space<vmem>>, %arg7: memref<512x128xf32, #tpu.memory_space<vmem>>) attributes {dimension_semantics = [#tpu.dimension_semantics<arbitrary>], iteration_bounds = array<i64: 20>, scalar_prefetch = 0 : i64, scratch_operands = 0 : i64, tpu.core_type = #tpu.core_type<tc>, window_params = [{transform_indices = @transform_0, window_bounds = array<i64: 2, 512, 128>}, {transform_indices = @transform_1, window_bounds = array<i64: 512, 128>}, {transform_indices = @transform_2, window_bounds = array<i64: 512, 128>}, {pipeline_mode = #tpu.pipeline_mode<synchronous>, transform_indices = @transform_3, window_bounds = array<i64: 128, 256>}, {pipeline_mode = #tpu.pipeline_mode<synchronous>, transform_indices = @transform_4, window_bounds = array<i64: 1, 256>}, {pipeline_mode = #tpu.pipeline_mode<synchronous>, transform_indices = @transform_5, window_bounds = array<i64: 256, 128>}, {transform_indices = @transform_6, window_bounds = array<i64: 512, 128>}]} {
    %get3A = arith.constant 0 : index
    %get3A_0 = arith.constant 0 : index
    %get3A_1 = vector.load %arg3[%get3A, %get3A_0] : memref<512x128xf32, #tpu.memory_space<vmem>>, vector<512x128xf32>
    %get3A_2 = arith.constant 0 : index
    %get3A_3 = arith.constant 0 : index
    %get3A_4 = arith.constant 0 : index
    %get3A_5 = vector.load %arg1[%get3A_2, %get3A_3, %get3A_4] : memref<2x512x128xf32, #tpu.memory_space<vmem>>, vector<1x512x128xf32>
    %get3A_6 = vector.shape_cast %get3A_5 : vector<1x512x128xf32> to vector<512x128xf32>
    %get3A_7 = arith.constant 1 : index
    %get3A_8 = arith.constant 0 : index
    %get3A_9 = arith.constant 0 : index
    %get3A_10 = vector.load %arg1[%get3A_7, %get3A_8, %get3A_9] : memref<2x512x128xf32, #tpu.memory_space<vmem>>, vector<1x512x128xf32>
    %get3A_11 = vector.shape_cast %get3A_10 : vector<1x512x128xf32> to vector<512x128xf32>
    %add3A = arith.addf %get3A_6, %get3A_11 : vector<512x128xf32>
    %get3A_12 = arith.constant 0 : index
    %get3A_13 = arith.constant 0 : index
    %get3A_14 = vector.load %arg2[%get3A_12, %get3A_13] : memref<512x128xf32, #tpu.memory_space<vmem>>, vector<512x128xf32>
    %add3A_15 = arith.addf %add3A, %get3A_14 : vector<512x128xf32>
    %mul3A = arith.mulf %get3A_1, %add3A_15 : vector<512x128xf32>
    %get3A_16 = arith.constant 0 : index
    %get3A_17 = arith.constant 0 : index
    %get3A_18 = vector.load %arg4[%get3A_16, %get3A_17] : memref<128x256xf32, #tpu.memory_space<vmem>>, vector<128x256xf32>
    %dot_general3A = arith.constant dense<0.000000e+00> : vector<512x256xf32>
    %dot_general3A_19 = tpu.matmul %mul3A, %get3A_18, %dot_general3A {dimension_numbers = #tpu.dot_dimension_numbers<[1], [0], [0], [1], [0, 0, 1, 1], [], []>, precision = #tpu.contract_precision<fp32>, transpose_lhs_hint = false} : vector<512x128xf32>, vector<128x256xf32>, vector<512x256xf32> -> vector<512x256xf32>
    %get3A_20 = arith.constant 0 : index
    %get3A_21 = arith.constant 0 : index
    %get3A_22 = vector.load %arg5[%get3A_20, %get3A_21] : memref<1x256xf32, #tpu.memory_space<vmem>>, vector<1x256xf32>
    %add3A_23 = vector.broadcast %get3A_22 : vector<1x256xf32> to vector<512x256xf32>
    %add3A_24 = arith.addf %dot_general3A_19, %add3A_23 : vector<512x256xf32>
    %max3A = arith.constant 0.000000e+00 : f32
    %max3A_25 = vector.broadcast %max3A : f32 to vector<512x256xf32>
    %max3A_26 = arith.maximumf %add3A_24, %max3A_25 : vector<512x256xf32>
    %slice3A = vector.extract_strided_slice %get3A_1 {offsets = [0, 0], sizes = [512, 1], strides = [1, 1]} : vector<512x128xf32> to vector<512x1xf32>
    %mul3A_27 = vector.broadcast %slice3A : vector<512x1xf32> to vector<512x256xf32>
    %mul3A_28 = arith.mulf %mul3A_27, %max3A_26 : vector<512x256xf32>
    %get3A_29 = arith.constant 0 : index
    %get3A_30 = arith.constant 0 : index
    %get3A_31 = vector.load %arg6[%get3A_29, %get3A_30] : memref<256x128xf32, #tpu.memory_space<vmem>>, vector<256x128xf32>
    %dot_general3A_32 = arith.constant dense<0.000000e+00> : vector<512x128xf32>
    %dot_general3A_33 = tpu.matmul %mul3A_28, %get3A_31, %dot_general3A_32 {dimension_numbers = #tpu.dot_dimension_numbers<[1], [0], [0], [1], [0, 0, 1, 1], [], []>, precision = #tpu.contract_precision<fp32>, transpose_lhs_hint = false} : vector<512x256xf32>, vector<256x128xf32>, vector<512x128xf32> -> vector<512x128xf32>
    %iota3A = tpu.iota {dimensions = array<i32: 0>} : vector<512x128xi32>
    %mul3A_34 = arith.constant 512 : i32
    %mul3A_35 = arith.muli %arg0, %mul3A_34 : i32
    %add3A_36 = vector.broadcast %mul3A_35 : i32 to vector<512x128xi32>
    %add3A_37 = arith.addi %iota3A, %add3A_36 : vector<512x128xi32>
    %lt3A = arith.constant 10000 : i32
    %lt3A_38 = vector.broadcast %lt3A : i32 to vector<512x128xi32>
    %lt3A_39 = arith.cmpi slt, %add3A_37, %lt3A_38 : vector<512x128xi32>
    %jit3A = arith.constant 0.000000e+00 : f32
    %broadcast_in_dim3A = vector.broadcast %jit3A : f32 to vector<512x128xf32>
    %select_n3A = arith.select %lt3A_39, %dot_general3A_33, %broadcast_in_dim3A : vector<512x128xi1>, vector<512x128xf32>
    %swap3A = arith.constant 0 : index
    %swap3A_40 = arith.constant 0 : index
    %swap3A_41 = vector.load %arg7[%swap3A, %swap3A_40] : memref<512x128xf32, #tpu.memory_space<vmem>>, vector<512x128xf32>
    tpu.vector_store %arg7[%swap3A, %swap3A_40], %select_n3A {strides = array<i32>} : memref<512x128xf32, #tpu.memory_space<vmem>>, vector<512x128xf32>,
    return
  }
  func.func @transform_0(%arg0: i32) -> (i32, i32, i32) {
    %c0_i32 = arith.constant 0 : i32
    %c0_i32_0 = arith.constant 0 : i32
    %c0_i32_1 = arith.constant 0 : i32
    return %c0_i32, %arg0, %c0_i32_0 : i32, i32, i32
  }
  func.func @transform_1(%arg0: i32) -> (i32, i32) {
    %c0_i32 = arith.constant 0 : i32
    %c0_i32_0 = arith.constant 0 : i32
    return %arg0, %c0_i32 : i32, i32
  }
  func.func @transform_2(%arg0: i32) -> (i32, i32) {
    %c0_i32 = arith.constant 0 : i32
    %c0_i32_0 = arith.constant 0 : i32
    return %arg0, %c0_i32 : i32, i32
  }
  func.func @transform_3(%arg0: i32) -> (i32, i32) {
    %c0_i32 = arith.constant 0 : i32
    %c0_i32_0 = arith.constant 0 : i32
    %c0_i32_1 = arith.constant 0 : i32
    return %c0_i32, %c0_i32_0 : i32, i32
  }
  func.func @transform_4(%arg0: i32) -> (i32, i32) {
    %c0_i32 = arith.constant 0 : i32
    %c0_i32_0 = arith.constant 0 : i32
    %c0_i32_1 = arith.constant 0 : i32
    return %c0_i32, %c0_i32_0 : i32, i32
  }
  func.func @transform_5(%arg0: i32) -> (i32, i32) {
    %c0_i32 = arith.constant 0 : i32
    %c0_i32_0 = arith.constant 0 : i32
    %c0_i32_1 = arith.constant 0 : i32
    return %c0_i32, %c0_i32_0 : i32, i32
  }
  func.func @transform_6(%arg0: i32) -> (i32, i32) {
    %c0_i32 = arith.constant 0 : i32
    %c0_i32_0 = arith.constant 0 : i32
    return %arg0, %c0_i32 : i32, i32
  }
}

module attributes {stable_mosaic.version = 14 : i64} {
  func.func @_fin_body(%arg0: i32, %arg1: memref<2x512x128xf32, #tpu.memory_space<vmem>>, %arg2: memref<512x128xf32, #tpu.memory_space<vmem>>, %arg3: memref<512x128xf32, #tpu.memory_space<vmem>>, %arg4: memref<1x128xf32, #tpu.memory_space<vmem>>, %arg5: memref<512x128xf32, #tpu.memory_space<vmem>>) attributes {dimension_semantics = [#tpu.dimension_semantics<arbitrary>], iteration_bounds = array<i64: 20>, scalar_prefetch = 0 : i64, scratch_operands = 0 : i64, tpu.core_type = #tpu.core_type<tc>, window_params = [{transform_indices = @transform_0, window_bounds = array<i64: 2, 512, 128>}, {transform_indices = @transform_1, window_bounds = array<i64: 512, 128>}, {transform_indices = @transform_2, window_bounds = array<i64: 512, 128>}, {pipeline_mode = #tpu.pipeline_mode<synchronous>, transform_indices = @transform_3, window_bounds = array<i64: 1, 128>}, {transform_indices = @transform_4, window_bounds = array<i64: 512, 128>}]} {
    %get3A = arith.constant 0 : index
    %get3A_0 = arith.constant 0 : index
    %get3A_1 = vector.load %arg3[%get3A, %get3A_0] : memref<512x128xf32, #tpu.memory_space<vmem>>, vector<512x128xf32>
    %get3A_2 = arith.constant 0 : index
    %get3A_3 = arith.constant 0 : index
    %get3A_4 = arith.constant 0 : index
    %get3A_5 = vector.load %arg1[%get3A_2, %get3A_3, %get3A_4] : memref<2x512x128xf32, #tpu.memory_space<vmem>>, vector<1x512x128xf32>
    %get3A_6 = vector.shape_cast %get3A_5 : vector<1x512x128xf32> to vector<512x128xf32>
    %get3A_7 = arith.constant 1 : index
    %get3A_8 = arith.constant 0 : index
    %get3A_9 = arith.constant 0 : index
    %get3A_10 = vector.load %arg1[%get3A_7, %get3A_8, %get3A_9] : memref<2x512x128xf32, #tpu.memory_space<vmem>>, vector<1x512x128xf32>
    %get3A_11 = vector.shape_cast %get3A_10 : vector<1x512x128xf32> to vector<512x128xf32>
    %add3A = arith.addf %get3A_6, %get3A_11 : vector<512x128xf32>
    %get3A_12 = arith.constant 0 : index
    %get3A_13 = arith.constant 0 : index
    %get3A_14 = vector.load %arg2[%get3A_12, %get3A_13] : memref<512x128xf32, #tpu.memory_space<vmem>>, vector<512x128xf32>
    %add3A_15 = arith.addf %add3A, %get3A_14 : vector<512x128xf32>
    %mul3A = arith.mulf %get3A_1, %add3A_15 : vector<512x128xf32>
    %get3A_16 = arith.constant 0 : index
    %get3A_17 = arith.constant 0 : index
    %get3A_18 = vector.load %arg4[%get3A_16, %get3A_17] : memref<1x128xf32, #tpu.memory_space<vmem>>, vector<1x128xf32>
    %add3A_19 = vector.broadcast %get3A_18 : vector<1x128xf32> to vector<512x128xf32>
    %add3A_20 = arith.addf %mul3A, %add3A_19 : vector<512x128xf32>
    %max3A = arith.constant 0.000000e+00 : f32
    %max3A_21 = vector.broadcast %max3A : f32 to vector<512x128xf32>
    %max3A_22 = arith.maximumf %add3A_20, %max3A_21 : vector<512x128xf32>
    %swap3A = arith.constant 0 : index
    %swap3A_23 = arith.constant 0 : index
    %swap3A_24 = vector.load %arg5[%swap3A, %swap3A_23] : memref<512x128xf32, #tpu.memory_space<vmem>>, vector<512x128xf32>
    tpu.vector_store %arg5[%swap3A, %swap3A_23], %max3A_22 {strides = array<i32>} : memref<512x128xf32, #tpu.memory_space<vmem>>, vector<512x128xf32>,
    return
  }
  func.func @transform_0(%arg0: i32) -> (i32, i32, i32) {
    %c0_i32 = arith.constant 0 : i32
    %c0_i32_0 = arith.constant 0 : i32
    %c0_i32_1 = arith.constant 0 : i32
    return %c0_i32, %arg0, %c0_i32_0 : i32, i32, i32
  }
  func.func @transform_1(%arg0: i32) -> (i32, i32) {
    %c0_i32 = arith.constant 0 : i32
    %c0_i32_0 = arith.constant 0 : i32
    return %arg0, %c0_i32 : i32, i32
  }
  func.func @transform_2(%arg0: i32) -> (i32, i32) {
    %c0_i32 = arith.constant 0 : i32
    %c0_i32_0 = arith.constant 0 : i32
    return %arg0, %c0_i32 : i32, i32
  }
  func.func @transform_3(%arg0: i32) -> (i32, i32) {
    %c0_i32 = arith.constant 0 : i32
    %c0_i32_0 = arith.constant 0 : i32
    %c0_i32_1 = arith.constant 0 : i32
    return %c0_i32, %c0_i32_0 : i32, i32
  }
  func.func @transform_4(%arg0: i32) -> (i32, i32) {
    %c0_i32 = arith.constant 0 : i32
    %c0_i32_0 = arith.constant 0 : i32
    return %arg0, %c0_i32 : i32, i32
  }
}

</mosaic_0001>

<sc_bundles>
// kernel: kernel.11.cloned.1.call-start
scs
__scs_entry_jumppad:
0x0: {  	(pc) =	sbr.rel $0x88, $3  }
0x1: {  	(tag) =	ssettag $0x0;
	lr =	simm.s32 $0x1  }
0x2: {  	[smem:$0x3F9B] =	sst lr;
	_ =	strace $0xD0000000  }
0x3: {  	_ = 	snop  }
0x4: {  	_ = 	snop  }
0x5: {  	_ = 	snop  }
0x6: {  	_ = 	snop  }
0x7: {  	_ = 	snop  }
__scs_overlays_trampoline_lowered:
0x8: {  	[smem:$0x3FAA] =	sst s0  }
0x9: {  	[smem:$0x3FAB] =	sst s1  }
0xa: {  	[smem:$0x3FAC] =	sst s2  }
0xb: {  	[smem:$0x3FAD] =	sst s3  }
0xc: {  	[smem:$0x3FAE] =	sst s4  }
0xd: {  	[smem:$0x3FAF] =	sst s5  }
0xe: {  	[smem:$0x3FB0] =	sst s6  }
0xf: {  	[smem:$0x3FB1] =	sst s7  }
0x10: {  	[smem:$0x3FB2] =	sst s8  }
0x11: {  	[smem:$0x3FB3] =	sst s9;
	s0 =	simm.s32 @!p0 $0x0  }
0x12: {  	s1 =	sld [smem:$0x3F99];
	s0 =	simm.s32 @p0 $0x1  }
0x13: {  	[smem:$0x3FB4] =	sst s0;
	s0 =	simm.s32 @!p1 $0x0  }
0x14: {  	s2 =	sld [smem:$0x3F98];
	s0 =	simm.s32 @p1 $0x1  }
0x15: {  	[smem:$0x3FB5] =	sst s0;
	s0 =	simm.s32 @!p2 $0x0  }
0x16: {  	s3 =	sld [smem:$0x3FDB];
	s0 =	simm.s32 @p2 $0x1  }
0x17: {  	s4 =	simm.s32 $0x1BF5;
	[smem:$0x3FB7] =	sst s0  }
0x18: {  	s0 =	sld [smem:$0x3F9A];
	_ =	swait.ge [sflag:s4], $0x0  }
0x19: {  	s7 =	sld [smem:$0x3F9B]  }
0x1a: {  	s8 =	sadd.s32 $0xFFFFE003, lr  }
0x1b: {  	s9 =	sadd.s32 $0xFFFFFEF7, lr;
	s5 =	simm.s32 $0xFFFFFFFF;
	p2 =	slt.u32 s8, $0xFFFFF086  }
0x1c: {  	p1 =	slt.u32 s9, $0xF7A;
	s5 =	simm.s32 @!p2 $0x0  }
0x1d: {  	s5 =	simm.s32 @p1 $0x1;
	p0 =	seq.s32 s7, s2  }
0x1e: {  	s7 =	smul.u32 @!p0 $0xF7A, s2;
	p2 =	seq.s32 @!p0 s5, $0x0  }
0x1f: {  	s9 =	smul.u32 $0xF7A, s1;
	s8 =	simm.s32 @!p0 $0x1BF5;
	p2 =	por !p2, p0  }
0x20: {  	[sflag:s8] =	ssyncset.s32 @!p0 $0xFFFFF086;
	s6 =	sadd.s32 @!p0 s3, s7;
	s7 =	simm.s32 @!p0 $0x108  }
0x21: {  	s3 =	sadd.s32 s3, s9;
	s6 =	sadd.s32 @!p0 $0x88, s6;
	s7 =	simm.s32 @p2 $0x1082  }
0x22: {  	[simem:s7], [sflag:s8] =	dma.local @!p0 [hbm:s6], $0xF7A  }
0x23: {  	s9 =	sor.u32 $0xD0000000, s2;
	s6 =	simm.s32 $0x108;
	_ =	swait.ge @!p0 [sflag:s8], $0x0  }
0x24: {  	s3 =	sadd.s32 $0x88, s3;
	s6 =	simm.s32 @!p1 $0x1082;
	[sflag:s4] =	ssyncset.s32 $0xFFFFF086  }
0x25: {  	[simem:s6], [sflag:s4] =	dma.local [hbm:s3], $0xF7A  }
0x26: {  	[smem:$0x3F9B] =	sst s1;
	(tag) =	ssettag s2;
	_ =	strace s9  }
0x27: {  	s1 =	sld [smem:$0x3FAB]  }
0x28: {  	s2 =	sld [smem:$0x3FAC]  }
0x29: {  	s4 =	sld [smem:$0x3FAE]  }
0x2a: {  	p0 =	seq.s32 s5, $0x0;
	s5 =	sld [smem:$0x3FAF]  }
0x2b: {  	s6 =	sld [smem:$0x3FB0]  }
0x2c: {  	s7 =	sld [smem:$0x3FB1]  }
0x2d: {  	s3 =	simm.s32 $0x108;
	s8 =	sld [smem:$0x3FB2]  }
0x2e: {  	s3 =	simm.s32 @!p0 $0x1082;
	s9 =	sld [smem:$0x3FB3]  }
0x2f: {  	lr =	sadd.s32 s0, s3;
	s0 =	sld [smem:$0x3FAA]  }
0x30: {  	s3 =	sld [smem:$0x3FAD]  }
0x31: {  	[smem:$0x3FB6] =	sst s10  }
0x32: {  	s10 =	sld [smem:$0x3FB4];
	_ =	sdelay $0x3  }
0x33: {  	p0 =	seq.s32 s10, $0x1;
	s10 =	sld [smem:$0x3FB6];
	_ =	sdelay $0x3  }
0x34: {  	[smem:$0x3FB6] =	sst s10  }
0x35: {  	s10 =	sld [smem:$0x3FB5];
	_ =	sdelay $0x3  }
0x36: {  	p1 =	seq.s32 s10, $0x1;
	s10 =	sld [smem:$0x3FB6];
	_ =	sdelay $0x3  }
0x37: {  	[smem:$0x3FB6] =	sst s10  }
0x38: {  	s10 =	sld [smem:$0x3FB7]  }
0x39: {  	_ = 	snop;
	(pc) =	sbr.ind lr, $3  }
0x3a: {  	_ = 	snop  }
0x3b: {  	_ = 	snop  }
0x3c: {  	p2 =	seq.s32 s10, $0x1;
	s10 =	sld [smem:$0x3FB6]  }
0x3d: {  	_ =	shalt  }
0x3e: {  	_ =	shalt  }
0x3f: {  	_ =	shalt  }
0x40: {  	_ =	shalt  }
0x41: {  	_ =	shalt  }
0x42: {  	_ =	shalt  }
0x43: {  	_ =	shalt  }
0x44: {  	_ =	shalt  }
0x45: {  	_ =	shalt  }
0x46: {  	_ =	shalt  }
0x47: {  	_ =	shalt  }
0x48: {  	_ =	shalt  }
0x49: {  	_ =	shalt  }
0x4a: {  	_ =	shalt  }
0x4b: {  	_ =	shalt  }
0x4c: {  	_ =	shalt  }
0x4d: {  	_ =	shalt  }
0x4e: {  	_ =	shalt  }
0x4f: {  	_ =	shalt  }
0x50: {  	_ =	shalt  }
0x51: {  	_ =	shalt  }
0x52: {  	_ =	shalt  }
0x53: {  	_ =	shalt  }
0x54: {  	_ =	shalt  }
0x55: {  	_ =	shalt  }
0x56: {  	_ =	shalt  }
0x57: {  	_ =	shalt  }
0x58: {  	_ =	shalt  }
0x59: {  	_ =	shalt  }
0x5a: {  	_ =	shalt  }
0x5b: {  	_ =	shalt  }
0x5c: {  	_ =	shalt  }
0x5d: {  	_ =	shalt  }
0x5e: {  	_ =	shalt  }
0x5f: {  	_ =	shalt  }
0x60: {  	_ =	shalt  }
0x61: {  	_ =	shalt  }
0x62: {  	_ =	shalt  }
0x63: {  	_ =	shalt  }
0x64: {  	_ =	shalt  }
0x65: {  	_ =	shalt  }
0x66: {  	_ =	shalt  }
0x67: {  	_ =	shalt  }
0x68: {  	_ =	shalt  }
0x69: {  	_ =	shalt  }
0x6a: {  	_ =	shalt  }
0x6b: {  	_ =	shalt  }
0x6c: {  	_ =	shalt  }
0x6d: {  	_ =	shalt  }
0x6e: {  	_ =	shalt  }
0x6f: {  	_ =	shalt  }
0x70: {  	_ =	shalt  }
0x71: {  	_ =	shalt  }
0x72: {  	_ =	shalt  }
0x73: {  	_ =	shalt  }
0x74: {  	_ =	shalt  }
0x75: {  	_ =	shalt  }
0x76: {  	_ =	shalt  }
0x77: {  	_ =	shalt  }
0x78: {  	_ =	shalt  }
0x79: {  	_ =	shalt  }
0x7a: {  	_ =	shalt  }
0x7b: {  	_ =	shalt  }
0x7c: {  	_ =	shalt  }
0x7d: {  	_ =	shalt  }
0x7e: {  	_ =	shalt  }
0x7f: {  	_ =	shalt  }
0x80: {  	_ =	shalt  }
0x81: {  	_ =	shalt  }
0x82: {  	_ =	shalt  }
0x83: {  	_ =	shalt  }
0x84: {  	_ =	shalt  }
0x85: {  	_ =	shalt  }
0x86: {  	_ =	shalt  }
0x87: {  	_ =	shalt  }
.Lfunc_end0:
.L_simem_size_0:
called_computation.1_lowered:
.L_overlay_start_0:
0x88: {  	s2 =	sld [smem:$0x3FD9]  }
0x89: {  	s3 =	sld [smem:$0x3FFE];
	_ =	sdelay $0x1  }
0x8a: {  	s1 =	srdreg.scid  }
0x8b: {  	s0 =	sand.u32 $0x1, s1  }
0x8c: {  	s17 =	sshll.u32 s0, $0xA;
	s2 =	sadd.s32 s3, s2  }
0x8d: {  	s2 =	sadd.s32 s2, s17  }
0x8e: {  	[smem:$0x3FC2] =	sst s2  }
0x8f: {  	_ = 	snop  }
0x90: {  	s2 =	sld [smem:$0x3FD0];
	(tm) =	ssettm $0x1  }
0x91: {  	s18 =	sld [smem:$0x3FFB];
	_ =	sdelay $0x3  }
0x92: {  	_ =	strace s18  }
0x93: {  	s3 =	sld [smem:$0x3FFC];
	_ =	sdelay $0x3  }
0x94: {  	_ =	strace s3  }
0x95: {  	s3 =	sld [smem:$0x3FFD];
	_ =	sdelay $0x3  }
0x96: {  	_ =	strace s3  }
0x97: {  	_ =	strace $0x8FFFFFFF  }
0x98: {  	s19 =	sld [smem:$0x3FDB];
	_ =	sdelay $0x1  }
0x99: {  	s4 =	simm.s32 $_scs_section_size  }
0x9a: {  	s5 =	simm.s32 $_size__tile_overlayer_lowered;
	s6 =	simm.s32 $_tile_overlayer_lowered  }
0x9b: {  	s22 =	simm.s32 $0x1BFF;
	s21 =	sshll.u32 s6, $0x1;
	s3 =	sadd.s32 s4, s19  }
0x9c: {  	s7 =	simm.s32 $0x0;
	s20 =	sshll.u32 s5, $0x1;
	s5 =	sadd.s32 s21, s3  }
0x9d: {  	[timem:s7], [sflag:s22] =	dma.local [hbm:s5], s20  }
0x9e: {  	_ =	swait.ge [sflag:s22], s20  }
0x9f: {  	s4 =	ssub.s32 $0x0, s20;
	[sflag:s22] =	ssyncset.done $0x0  }
0xa0: {  	[sflag:s22] =	ssyncadd.s32 s4;
	_ =	sdelay $0x1  }
0xa1: {  	s23 =	simm.s32 $0x1B8B  }
0xa2: {  	_ =	swait.ge [sflag:s23], $0x1  }
0xa3: {  	[sflag:s23] =	ssyncset.done $0x0  }
0xa4: {  	s25 =	simm.s32 $0x1B8E;
	s24 =	sld [smem:$0x3FFE];
	[sflag:s23] =	ssyncadd.s32 $0xFFFFFFFF  }
0xa5: {  	s26 =	simm.s32 $execute0_lowered;
	[smem:$0x3FD2] =	sst s25  }
0xa6: {  	s5 =	sshll.u32 s26, $0x1;
	_ =	strace $0x80000049;
	[dreg:$0x1] =	wrdreg $0xFFFFFFFF  }
0xa7: {  	s28 =	simm.s32 $_size_execute0_lowered;
	s3 =	sadd.s32 s3, s5;
	[dreg:$0x0] =	wrdreg $0x0  }
0xa8: {  	s5 =	sshll.u32 s28, $0x1;
	[dreg:$0x2] =	wrdreg s3  }
0xa9: {  	[dreg:$0x3] =	wrdreg s5  }
0xaa: {  	[dreg:$0x4] =	wrdreg $0xC0  }
0xab: {  	_ =	task [dreg:s7], $0x5FFFF  }
0xac: {  	[dreg:$0x1] =	wrdreg $0xFFFFFFFF  }
0xad: {  	[dreg:$0x0] =	wrdreg $0x60  }
0xae: {  	[dreg:$0x2] =	wrdreg s24  }
0xaf: {  	[dreg:$0x3] =	wrdreg s2  }
0xb0: {  	[dreg:$0x4] =	wrdreg $0xA0000  }
0xb1: {  	[dreg:$0x5] =	wrdreg $0x9  }
0xb2: {  	_ =	task.clear_ibuf [dreg:s7], $0x6FFFF;
	_ =	strace $0x90000049  }
0xb3: {  	s29 =	simm.s32 $0x9;
	_ =	strace $0x8000004B  }
0xb4: {  	_ =	swait.ge [sflag:s29], $0x1  }
0xb5: {  	[sflag:s29] =	ssyncadd.s32 $0xFFFFFFFF  }
0xb6: {  	_ =	strace $0x9000004B  }
0xb7: {  	_ =	sfence  }
0xb8: {  	s30 =	sld [smem:$0x0];
	_ =	sdelay $0x2  }
0xb9: {  	s31 =	sshll.u32 s1, $0xD;
	s1 =	sshrl.u32 s1, $0x2  }
0xba: {  	s3 =	sand.u32 $0x4000, s31;
	s1 =	sadd.s32 s1, s30  }
0xbb: {  	s0 =	sor.u32 s3, s0;
	s1 =	sshll.u32 s1, $0x11  }
0xbc: {  	s0 =	sor.u32 s1, s0  }
0xbd: {  	s0 =	sadd.s32 $0x8F2B, s0  }
0xbe: {  	[sflag:s0] =	ssyncadd.remote.s32 $0x1  }
0xbf: {  	_ =	sfence.sel $0xFFFF  }
0xc0: {  	[dreg:$0x0] =	wrdreg $0xFFFFFFFF;
	(pc) =	sbr.abs _section_cstart, $3  }
0xc1: {  	[dreg:$0x1] =	wrdreg $0xFFFFFFFF  }
0xc2: {  	_ =	task.clear_ibuf [dreg:s7], $0x2FFFF;
	_ =	strace $0x9FFFFFFF  }
0xc3: {  	(tm) =	ssettm $0x7FFFFFFF  }
tec
execute0_lowered:
.L_overlay_start_1:
0x0: {  	(tag) =	ssettag $0x1  }
0x1: {  	s6 =	rddreg [dreg:$0x0]  }
0x2: {  	s13 =	rddreg [dreg:$0x1]  }
0x3: {  	s1 =	rddreg [dreg:$0x2];
	s2 =	srdreg.scid  }
0x4: {  	s3 =	simm.s32 $0x0;
	s0 =	stileid.u32;
	s20 =	simm.s32 $0x80  }
0x5: {  	s21 =	simm.s32 $0x2000;
	s28 =	simm.s32 $0x1F80;
	s29 =	simm.s32 $0x0  }
0x6: {  	s25 =	sand.u32 $0x1, s2;
	[smem:$0x7FF] =	sst s3;
	s7 =	smul.u32 $0x14000, s0  }
0x7: {  	s4 =	sadd.s32 $0xC800, s6;
	s14 =	sadd.s32 $0x2800, s6;
	s23 =	smul.u32 $0x50000, s0  }
0x8: {  	s24 =	sshll.u32 s0, $0x9;
	s12 =	sshll.u32 s0, $0xB;
	s30 =	sshll.u32 s0, $0x6  }
0x9: {  	s5 =	smul.u32 $0x140000, s25;
	_ =	strace $0x8000004A;
	s8 =	ssub.s32 $0x2, s25  }
0xa: {  	p0 =	seq.s32 s25, $0x0;
	s10 =	sor.u32 $0x200, s12;
	s18 =	sor.u32 $0x400, s12  }
0xb: {  	s19 =	sor.u32 $0x600, s12;
	s22 =	sshrl.u32 s8, $0x1;
	s26 =	sshrl.u32 s23, $0x2  }
0xc: {  	s31 =	sadd.s32 s13, s10;
	s10 =	sadd.s32 s14, s10;
	s11 =	sadd.s32 s13, s18  }
0xd: {  	s23 =	simm.s32 $0x1;
	s7 =	sadd.s32 s7, s5;
	s5 =	sadd.s32 $0x34800, s6  }
0xe: {  	s16 =	ssub.s32 s8, s22;
	s8 =	sor.u32 $0x8000, s24;
	s17 =	sadd.s32 s26, s1  }
0xf: {  	[dreg:$0x4] =	wrdreg s31;
	s22 =	simm.s32 $0x6000;
	s24 =	simm.s32 $0x2  }
0x10: {  	s26 =	simm.s32 $0x1F00;
	s7 =	sshrl.u32 s7, $0x3;
	s8 =	smov.u32 @p0 s12  }
.Ltmp0:
0x11: {  	s12 =	sadd.s32 s14, s18;
	s16 =	smax.u32 s16, $0x1;
	(pc) =	sbr.rel .LBB2_1-.Ltmp0, $4  }
0x12: {  	s17 =	sshrl.u32 s17, $0x3;
	s18 =	simm.s32 $0x3;
	p0 =	sne.s32 s25, $0x0  }
0x13: {  	s25 =	simm.s32 $0xF80;
	s15 =	sadd.s32 s7, s6;
	s6 =	sor.u32 $0x1C03, s30  }
0x14: {  	s7 =	sadd.s32 s13, s8;
	s8 =	sadd.s32 s14, s8;
	s13 =	sadd.s32 s13, s19  }
0x15: {  	s14 =	sadd.s32 s14, s19;
	s19 =	simm.s32 $0x1000;
	s15 =	sadd.s32 $0x37000, s15  }
.LBB2_10:
0x16: {  	s0 =	sadd.s32 $0x80, s30;
	[sflag:s18] =	ssyncadd.s32 $0xFFFFC000  }
0x17: {  	[tilespmem:s22], [sflag:$0x2] =	stream.indirect.gather [hbm4b:s4+s20], $0x80, s0, s20, $0xb8;
	[tilespmem:$0x1E000] =	vst v63  }
0x18: {  	_ =	swait.ge [sflag:s23], $0x4000  }
0x19: {  	[sflag:s23] =	ssyncset.done $0x0  }
0x1a: {  	s2 =	sadd.s32 $0x1000, s30;
	[sflag:s23] =	ssyncadd.s32 $0xFFFFC000  }
0x1b: {  	[spmem:s1] =	stream.indirect.scatter.add.f32 [tilespmem:s21], [sflag:$0x3], $0x80, s2, s20, $0xb8;
	[tilespmem:$0x1E000] =	vst v63  }
0x1c: {  	_ =	swait.ge [sflag:s18], $0x4000  }
0x1d: {  	[sflag:s18] =	ssyncset.done $0x0  }
0x1e: {  	s9 =	sadd.s32 $0x100, s30;
	[sflag:s18] =	ssyncadd.s32 $0xFFFFC000  }
0x1f: {  	[tilespmem:s21], [sflag:$0x1] =	stream.indirect.gather [hbm4b:s4+s20], $0x80, s9, s20, $0xb8;
	[tilespmem:$0x1E000] =	vst v63  }
0x20: {  	_ =	swait.ge [sflag:s24], $0x4000  }
0x21: {  	[sflag:s24] =	ssyncset.done $0x0  }
0x22: {  	s31 =	sadd.s32 $0x1080, s30;
	[sflag:s24] =	ssyncadd.s32 $0xFFFFC000  }
0x23: {  	[spmem:s1] =	stream.indirect.scatter.add.f32 [tilespmem:s22], [sflag:$0x3], $0x80, s31, s20, $0xb8;
	[tilespmem:$0x1E000] =	vst v63  }
0x24: {  	_ =	swait.ge [sflag:s18], $0x4000  }
0x25: {  	[sflag:s18] =	ssyncset.done $0x0  }
0x26: {  	[sflag:s18] =	ssyncadd.s32 $0xFFFFC000  }
0x27: {  	[tilespmem:s22], [sflag:$0x2] =	stream.indirect.gather [hbm4b:s4+s20], $0x80, s25, s20, $0xb8;
	[tilespmem:$0x1E000] =	vst v63  }
0x28: {  	_ =	swait.ge [sflag:s23], $0x4000  }
0x29: {  	[sflag:s23] =	ssyncset.done $0x0  }
0x2a: {  	[sflag:s23] =	ssyncadd.s32 $0xFFFFC000  }
0x2b: {  	[spmem:s1] =	stream.indirect.scatter.add.f32 [tilespmem:s21], [sflag:$0x3], $0x80, s26, s20, $0xb8;
	[tilespmem:$0x1E000] =	vst v63  }
0x2c: {  	_ =	swait.ge [sflag:s18], $0x4000  }
0x2d: {  	[sflag:s18] =	ssyncset.done $0x0  }
0x2e: {  	[sflag:s18] =	ssyncadd.s32 $0xFFFFC000  }
0x2f: {  	_ =	swait.ge [sflag:s24], $0x4000  }
0x30: {  	[sflag:s24] =	ssyncset.done $0x0  }
0x31: {  	[sflag:s24] =	ssyncadd.s32 $0xFFFFC000  }
0x32: {  	[spmem:s1] =	stream.indirect.scatter.add.f32 [tilespmem:s22], [sflag:$0x3], $0x80, s28, s20, $0xb8;
	[tilespmem:$0x1E000] =	vst v63  }
0x33: {  	_ =	swait.ge [sflag:s18], $0x4000  }
0x34: {  	[sflag:s18] =	ssyncset.done $0x0  }
0x35: {  	[sflag:s18] =	ssyncadd.s32 $0xFFFFC000  }
.LBB2_11:
0x36: {  	s29 =	sadd.s32 $0x1, s29  }
0x37: {  	p1 =	sne.s32 s29, s16  }
.Ltmp1:
0x38: {  	[bflag:$0x0] =	sbarrier.arrive $0xFFFF;
	(pc) =	sbr.rel @!p1 .LBB2_12-.Ltmp1, $4  }
0x39: {  	[hbm:s15], [sflag:s6] =	dma.local [spmem:s17], $0x2800  }
0x3a: {  	_ =	swait.ge [sflag:s18], $0x2800  }
0x3b: {  	[sflag:s18] =	ssyncset.done $0x0  }
0x3c: {  	[sflag:s18] =	ssyncadd.s32 $0xFFFFD800  }
.LBB2_1:
0x3d: {  	[spmem:s17], [sflag:s6] =	dma.local [hbm:s5], $0x2800  }
0x3e: {  	_ =	swait.ge [sflag:s18], $0x2800  }
0x3f: {  	[sflag:s18] =	ssyncset.done $0x0  }
0x40: {  	[sflag:s18] =	ssyncadd.s32 $0xFFFFD800  }
0x41: {  	[bflag:$0x0] =	sbarrier.arrive $0xFFFF  }
0x42: {  	[tilespmem:s3], [sflag:$0x3] =	stream.linear.gather [hbm4b:s7+s3], $0x1000, $0x38;
	[tilespmem:$0x1E000] =	vst v63  }
0x43: {  	_ =	swait.ge [sflag:s18], $0x1000  }
0x44: {  	[sflag:s18] =	ssyncset.done $0x0  }
0x45: {  	[sflag:s18] =	ssyncadd.s32 $0xFFFFF000  }
0x46: {  	[tilespmem:s19], [sflag:$0x3] =	stream.linear.gather [hbm4b:s8+s3], $0x1000, $0x38;
	[tilespmem:$0x1E000] =	vst v63  }
0x47: {  	_ =	swait.ge [sflag:s18], $0x1000  }
0x48: {  	[sflag:s18] =	ssyncset.done $0x0  }
0x49: {  	[sflag:s18] =	ssyncadd.s32 $0xFFFFF000  }
0x4a: {  	[tilespmem:s21], [sflag:$0x1] =	stream.indirect.gather [hbm4b:s4+s20], $0x80, s3, s20, $0xb8;
	[tilespmem:$0x1E000] =	vst v63  }
0x4b: {  	s30 =	simm.s32 $0x80  }
0x4c: {  	[tilespmem:s22], [sflag:$0x2] =	stream.indirect.gather [hbm4b:s4+s20], $0x80, s30, s20, $0xb8;
	[tilespmem:$0x1E000] =	vst v63  }
0x4d: {  	_ =	swait.ge [sflag:s23], $0x4000  }
0x4e: {  	[sflag:s23] =	ssyncset.done $0x0  }
0x4f: {  	s30 =	simm.s32 $0x1000;
	[sflag:s23] =	ssyncadd.s32 $0xFFFFC000  }
0x50: {  	[spmem:s1] =	stream.indirect.scatter.add.f32 [tilespmem:s21], [sflag:$0x3], $0x80, s30, s20, $0xb8;
	[tilespmem:$0x1E000] =	vst v63  }
0x51: {  	_ =	swait.ge [sflag:s18], $0x4000  }
0x52: {  	[sflag:s18] =	ssyncset.done $0x0  }
0x53: {  	s30 =	simm.s32 $0x100;
	[sflag:s18] =	ssyncadd.s32 $0xFFFFC000  }
0x54: {  	[tilespmem:s21], [sflag:$0x1] =	stream.indirect.gather [hbm4b:s4+s20], $0x80, s30, s20, $0xb8;
	[tilespmem:$0x1E000] =	vst v63  }
0x55: {  	_ =	swait.ge [sflag:s24], $0x4000  }
0x56: {  	[sflag:s24] =	ssyncset.done $0x0  }
0x57: {  	s30 =	simm.s32 $0x1080;
	[sflag:s24] =	ssyncadd.s32 $0xFFFFC000  }
0x58: {  	[spmem:s1] =	stream.indirect.scatter.add.f32 [tilespmem:s22], [sflag:$0x3], $0x80, s30, s20, $0xb8;
	[tilespmem:$0x1E000] =	vst v63  }
0x59: {  	_ =	swait.ge [sflag:s18], $0x4000  }
0x5a: {  	s31 =	simm.s32 $0x800;
	s30 =	simm.s32 $0x100;
	[sflag:s18] =	ssyncset.done $0x0  }
.LBB2_2:
0x5b: {  	s0 =	sadd.s32 $0x80, s30  }
0x5c: {  	[sflag:s18] =	ssyncadd.s32 $0xFFFFC000;
	s2 =	smov.u32 s31;
	s9 =	sadd.s32 $0x400, s31  }
0x5d: {  	[tilespmem:s22], [sflag:$0x2] =	stream.indirect.gather [hbm4b:s4+s20], $0x80, s0, s20, $0xb8;
	[tilespmem:$0x1E000] =	vst v63  }
0x5e: {  	p1 =	sne.s32 s31, $0x3800;
	_ =	swait.ge [sflag:s23], $0x4000  }
0x5f: {  	[sflag:s23] =	ssyncset.done $0x0  }
0x60: {  	s0 =	sadd.s32 $0x1000, s30;
	[sflag:s23] =	ssyncadd.s32 $0xFFFFC000  }
0x61: {  	[spmem:s1] =	stream.indirect.scatter.add.f32 [tilespmem:s21], [sflag:$0x3], $0x80, s0, s20, $0xb8;
	[tilespmem:$0x1E000] =	vst v63  }
0x62: {  	_ =	swait.ge [sflag:s18], $0x4000  }
0x63: {  	[sflag:s18] =	ssyncset.done $0x0  }
0x64: {  	s0 =	sadd.s32 $0x100, s30;
	[sflag:s18] =	ssyncadd.s32 $0xFFFFC000  }
0x65: {  	[tilespmem:s21], [sflag:$0x1] =	stream.indirect.gather [hbm4b:s4+s20], $0x80, s0, s20, $0xb8;
	[tilespmem:$0x1E000] =	vst v63  }
0x66: {  	_ =	swait.ge [sflag:s24], $0x4000  }
.Ltmp2:
0x67: {  	[sflag:s24] =	ssyncset.done $0x0;
	(pc) =	sbr.rel @p1 .LBB2_2-.Ltmp2, $4  }
0x68: {  	s0 =	sadd.s32 $0x1080, s30;
	[sflag:s24] =	ssyncadd.s32 $0xFFFFC000  }
0x69: {  	[spmem:s1] =	stream.indirect.scatter.add.f32 [tilespmem:s22], [sflag:$0x3], $0x80, s0, s20, $0xb8;
	[tilespmem:$0x1E000] =	vst v63  }
0x6a: {  	_ =	swait.ge [sflag:s18], $0x4000  }
0x6b: {  	s31 =	smov.u32 s9;
	s30 =	sshra.s32 s2, $0x2;
	[sflag:s18] =	ssyncset.done $0x0  }
0x6c: {  	s0 =	sadd.s32 $0x80, s30;
	[sflag:s18] =	ssyncadd.s32 $0xFFFFC000  }
0x6d: {  	[tilespmem:s22], [sflag:$0x2] =	stream.indirect.gather [hbm4b:s4+s20], $0x80, s0, s20, $0xb8;
	[tilespmem:$0x1E000] =	vst v63  }
0x6e: {  	_ =	swait.ge [sflag:s23], $0x4000  }
0x6f: {  	[sflag:s23] =	ssyncset.done $0x0  }
0x70: {  	s2 =	sadd.s32 $0x1000, s30;
	[sflag:s23] =	ssyncadd.s32 $0xFFFFC000  }
0x71: {  	[spmem:s1] =	stream.indirect.scatter.add.f32 [tilespmem:s21], [sflag:$0x3], $0x80, s2, s20, $0xb8;
	[tilespmem:$0x1E000] =	vst v63  }
0x72: {  	_ =	swait.ge [sflag:s18], $0x4000  }
0x73: {  	[sflag:s18] =	ssyncset.done $0x0  }
0x74: {  	s9 =	sadd.s32 $0x100, s30;
	[sflag:s18] =	ssyncadd.s32 $0xFFFFC000  }
0x75: {  	[tilespmem:s21], [sflag:$0x1] =	stream.indirect.gather [hbm4b:s4+s20], $0x80, s9, s20, $0xb8;
	[tilespmem:$0x1E000] =	vst v63  }
0x76: {  	_ =	swait.ge [sflag:s24], $0x4000  }
0x77: {  	[sflag:s24] =	ssyncset.done $0x0  }
0x78: {  	s31 =	sadd.s32 $0x1080, s30;
	[sflag:s24] =	ssyncadd.s32 $0xFFFFC000  }
0x79: {  	[spmem:s1] =	stream.indirect.scatter.add.f32 [tilespmem:s22], [sflag:$0x3], $0x80, s31, s20, $0xb8;
	[tilespmem:$0x1E000] =	vst v63  }
0x7a: {  	_ =	swait.ge [sflag:s18], $0x4000  }
0x7b: {  	[sflag:s18] =	ssyncset.done $0x0  }
0x7c: {  	[sflag:s18] =	ssyncadd.s32 $0xFFFFC000  }
0x7d: {  	[tilespmem:s22], [sflag:$0x2] =	stream.indirect.gather [hbm4b:s4+s20], $0x80, s25, s20, $0xb8;
	[tilespmem:$0x1E000] =	vst v63  }
0x7e: {  	_ =	swait.ge [sflag:s23], $0x4000  }
0x7f: {  	[sflag:s23] =	ssyncset.done $0x0  }
0x80: {  	[sflag:s23] =	ssyncadd.s32 $0xFFFFC000  }
0x81: {  	[spmem:s1] =	stream.indirect.scatter.add.f32 [tilespmem:s21], [sflag:$0x3], $0x80, s26, s20, $0xb8;
	[tilespmem:$0x1E000] =	vst v63  }
0x82: {  	_ =	swait.ge [sflag:s18], $0x4000  }
0x83: {  	[sflag:s18] =	ssyncset.done $0x0  }
0x84: {  	[sflag:s18] =	ssyncadd.s32 $0xFFFFC000  }
0x85: {  	_ =	swait.ge [sflag:s24], $0x4000  }
0x86: {  	[sflag:s24] =	ssyncset.done $0x0  }
.Ltmp3:
0x87: {  	[sflag:s24] =	ssyncadd.s32 $0xFFFFC000;
	(pc) =	sbr.rel @p0 .LBB2_11-.Ltmp3, $4  }
0x88: {  	[spmem:s1] =	stream.indirect.scatter.add.f32 [tilespmem:s22], [sflag:$0x3], $0x80, s28, s20, $0xb8;
	[tilespmem:$0x1E000] =	vst v63  }
0x89: {  	_ =	swait.ge [sflag:s18], $0x4000  }
0x8a: {  	[sflag:s18] =	ssyncset.done $0x0  }
0x8b: {  	[sflag:s18] =	ssyncadd.s32 $0xFFFFC000  }
0x8c: {  	s0 =	simm.s32 $0x0;
	s2 =	rddreg [dreg:$0x4]  }
0x8d: {  	[tilespmem:s0], [sflag:$0x3] =	stream.linear.gather [hbm4b:s2+s0], $0x1000, $0x38;
	[tilespmem:$0x1E000] =	vst v63  }
0x8e: {  	_ =	swait.ge [sflag:s18], $0x1000  }
0x8f: {  	[sflag:s18] =	ssyncset.done $0x0  }
0x90: {  	[sflag:s18] =	ssyncadd.s32 $0xFFFFF000  }
0x91: {  	[tilespmem:s19], [sflag:$0x3] =	stream.linear.gather [hbm4b:s10+s0], $0x1000, $0x38;
	[tilespmem:$0x1E000] =	vst v63  }
0x92: {  	_ =	swait.ge [sflag:s18], $0x1000  }
0x93: {  	[sflag:s18] =	ssyncset.done $0x0  }
0x94: {  	[sflag:s18] =	ssyncadd.s32 $0xFFFFF000  }
0x95: {  	[tilespmem:s21], [sflag:$0x1] =	stream.indirect.gather [hbm4b:s4+s20], $0x80, s0, s20, $0xb8;
	[tilespmem:$0x1E000] =	vst v63  }
0x96: {  	s2 =	simm.s32 $0x80  }
0x97: {  	[tilespmem:s22], [sflag:$0x2] =	stream.indirect.gather [hbm4b:s4+s20], $0x80, s2, s20, $0xb8;
	[tilespmem:$0x1E000] =	vst v63  }
0x98: {  	_ =	swait.ge [sflag:s23], $0x4000  }
0x99: {  	[sflag:s23] =	ssyncset.done $0x0  }
0x9a: {  	s9 =	simm.s32 $0x1000;
	[sflag:s23] =	ssyncadd.s32 $0xFFFFC000  }
0x9b: {  	[spmem:s1] =	stream.indirect.scatter.add.f32 [tilespmem:s21], [sflag:$0x3], $0x80, s9, s20, $0xb8;
	[tilespmem:$0x1E000] =	vst v63  }
0x9c: {  	_ =	swait.ge [sflag:s18], $0x4000  }
0x9d: {  	[sflag:s18] =	ssyncset.done $0x0  }
0x9e: {  	s2 =	simm.s32 $0x100;
	[sflag:s18] =	ssyncadd.s32 $0xFFFFC000  }
0x9f: {  	[tilespmem:s21], [sflag:$0x1] =	stream.indirect.gather [hbm4b:s4+s20], $0x80, s2, s20, $0xb8;
	[tilespmem:$0x1E000] =	vst v63  }
0xa0: {  	_ =	swait.ge [sflag:s24], $0x4000  }
0xa1: {  	[sflag:s24] =	ssyncset.done $0x0  }
0xa2: {  	s9 =	simm.s32 $0x1080;
	[sflag:s24] =	ssyncadd.s32 $0xFFFFC000  }
0xa3: {  	[spmem:s1] =	stream.indirect.scatter.add.f32 [tilespmem:s22], [sflag:$0x3], $0x80, s9, s20, $0xb8;
	[tilespmem:$0x1E000] =	vst v63  }
0xa4: {  	_ =	swait.ge [sflag:s18], $0x4000  }
0xa5: {  	s31 =	simm.s32 $0x800;
	s30 =	simm.s32 $0x100;
	[sflag:s18] =	ssyncset.done $0x0  }
.LBB2_5:
0xa6: {  	s0 =	sadd.s32 $0x80, s30  }
0xa7: {  	[sflag:s18] =	ssyncadd.s32 $0xFFFFC000;
	s2 =	smov.u32 s31;
	s9 =	sadd.s32 $0x400, s31  }
0xa8: {  	[tilespmem:s22], [sflag:$0x2] =	stream.indirect.gather [hbm4b:s4+s20], $0x80, s0, s20, $0xb8;
	[tilespmem:$0x1E000] =	vst v63  }
0xa9: {  	p1 =	sne.s32 s31, $0x3800;
	_ =	swait.ge [sflag:s23], $0x4000  }
0xaa: {  	[sflag:s23] =	ssyncset.done $0x0  }
0xab: {  	s0 =	sadd.s32 $0x1000, s30;
	[sflag:s23] =	ssyncadd.s32 $0xFFFFC000  }
0xac: {  	[spmem:s1] =	stream.indirect.scatter.add.f32 [tilespmem:s21], [sflag:$0x3], $0x80, s0, s20, $0xb8;
	[tilespmem:$0x1E000] =	vst v63  }
0xad: {  	_ =	swait.ge [sflag:s18], $0x4000  }
0xae: {  	[sflag:s18] =	ssyncset.done $0x0  }
0xaf: {  	s0 =	sadd.s32 $0x100, s30;
	[sflag:s18] =	ssyncadd.s32 $0xFFFFC000  }
0xb0: {  	[tilespmem:s21], [sflag:$0x1] =	stream.indirect.gather [hbm4b:s4+s20], $0x80, s0, s20, $0xb8;
	[tilespmem:$0x1E000] =	vst v63  }
0xb1: {  	_ =	swait.ge [sflag:s24], $0x4000  }
.Ltmp4:
0xb2: {  	[sflag:s24] =	ssyncset.done $0x0;
	(pc) =	sbr.rel @p1 .LBB2_5-.Ltmp4, $4  }
0xb3: {  	s0 =	sadd.s32 $0x1080, s30;
	[sflag:s24] =	ssyncadd.s32 $0xFFFFC000  }
0xb4: {  	[spmem:s1] =	stream.indirect.scatter.add.f32 [tilespmem:s22], [sflag:$0x3], $0x80, s0, s20, $0xb8;
	[tilespmem:$0x1E000] =	vst v63  }
0xb5: {  	_ =	swait.ge [sflag:s18], $0x4000  }
0xb6: {  	s31 =	smov.u32 s9;
	s30 =	sshra.s32 s2, $0x2;
	[sflag:s18] =	ssyncset.done $0x0  }
0xb7: {  	s0 =	sadd.s32 $0x80, s30;
	[sflag:s18] =	ssyncadd.s32 $0xFFFFC000  }
0xb8: {  	[tilespmem:s22], [sflag:$0x2] =	stream.indirect.gather [hbm4b:s4+s20], $0x80, s0, s20, $0xb8;
	[tilespmem:$0x1E000] =	vst v63  }
0xb9: {  	_ =	swait.ge [sflag:s23], $0x4000  }
0xba: {  	[sflag:s23] =	ssyncset.done $0x0  }
0xbb: {  	s2 =	sadd.s32 $0x1000, s30;
	[sflag:s23] =	ssyncadd.s32 $0xFFFFC000  }
0xbc: {  	[spmem:s1] =	stream.indirect.scatter.add.f32 [tilespmem:s21], [sflag:$0x3], $0x80, s2, s20, $0xb8;
	[tilespmem:$0x1E000] =	vst v63  }
0xbd: {  	_ =	swait.ge [sflag:s18], $0x4000  }
0xbe: {  	[sflag:s18] =	ssyncset.done $0x0  }
0xbf: {  	s9 =	sadd.s32 $0x100, s30;
	[sflag:s18] =	ssyncadd.s32 $0xFFFFC000  }
0xc0: {  	[tilespmem:s21], [sflag:$0x1] =	stream.indirect.gather [hbm4b:s4+s20], $0x80, s9, s20, $0xb8;
	[tilespmem:$0x1E000] =	vst v63  }
0xc1: {  	_ =	swait.ge [sflag:s24], $0x4000  }
0xc2: {  	[sflag:s24] =	ssyncset.done $0x0  }
0xc3: {  	s2 =	sadd.s32 $0x1080, s30;
	[sflag:s24] =	ssyncadd.s32 $0xFFFFC000  }
0xc4: {  	[spmem:s1] =	stream.indirect.scatter.add.f32 [tilespmem:s22], [sflag:$0x3], $0x80, s2, s20, $0xb8;
	[tilespmem:$0x1E000] =	vst v63  }
0xc5: {  	_ =	swait.ge [sflag:s18], $0x4000  }
0xc6: {  	[sflag:s18] =	ssyncset.done $0x0  }
0xc7: {  	[sflag:s18] =	ssyncadd.s32 $0xFFFFC000  }
0xc8: {  	[tilespmem:s22], [sflag:$0x2] =	stream.indirect.gather [hbm4b:s4+s20], $0x80, s25, s20, $0xb8;
	[tilespmem:$0x1E000] =	vst v63  }
0xc9: {  	_ =	swait.ge [sflag:s23], $0x4000  }
0xca: {  	[sflag:s23] =	ssyncset.done $0x0  }
0xcb: {  	[sflag:s23] =	ssyncadd.s32 $0xFFFFC000  }
0xcc: {  	[spmem:s1] =	stream.indirect.scatter.add.f32 [tilespmem:s21], [sflag:$0x3], $0x80, s26, s20, $0xb8;
	[tilespmem:$0x1E000] =	vst v63  }
0xcd: {  	_ =	swait.ge [sflag:s18], $0x4000  }
0xce: {  	[sflag:s18] =	ssyncset.done $0x0  }
0xcf: {  	[sflag:s18] =	ssyncadd.s32 $0xFFFFC000  }
0xd0: {  	_ =	swait.ge [sflag:s24], $0x4000  }
0xd1: {  	[sflag:s24] =	ssyncset.done $0x0  }
0xd2: {  	[sflag:s24] =	ssyncadd.s32 $0xFFFFC000  }
0xd3: {  	[spmem:s1] =	stream.indirect.scatter.add.f32 [tilespmem:s22], [sflag:$0x3], $0x80, s28, s20, $0xb8;
	[tilespmem:$0x1E000] =	vst v63  }
0xd4: {  	_ =	swait.ge [sflag:s18], $0x4000  }
0xd5: {  	[sflag:s18] =	ssyncset.done $0x0  }
0xd6: {  	s9 =	simm.s32 $0x0;
	[sflag:s18] =	ssyncadd.s32 $0xFFFFC000  }
0xd7: {  	[tilespmem:s9], [sflag:$0x3] =	stream.linear.gather [hbm4b:s11+s9], $0x1000, $0x38;
	[tilespmem:$0x1E000] =	vst v63  }
0xd8: {  	_ =	swait.ge [sflag:s18], $0x1000  }
0xd9: {  	[sflag:s18] =	ssyncset.done $0x0  }
0xda: {  	[sflag:s18] =	ssyncadd.s32 $0xFFFFF000  }
0xdb: {  	[tilespmem:s19], [sflag:$0x3] =	stream.linear.gather [hbm4b:s12+s9], $0x1000, $0x38;
	[tilespmem:$0x1E000] =	vst v63  }
0xdc: {  	_ =	swait.ge [sflag:s18], $0x1000  }
0xdd: {  	[sflag:s18] =	ssyncset.done $0x0  }
0xde: {  	[sflag:s18] =	ssyncadd.s32 $0xFFFFF000  }
0xdf: {  	[tilespmem:s21], [sflag:$0x1] =	stream.indirect.gather [hbm4b:s4+s20], $0x80, s9, s20, $0xb8;
	[tilespmem:$0x1E000] =	vst v63  }
0xe0: {  	s2 =	simm.s32 $0x80  }
0xe1: {  	[tilespmem:s22], [sflag:$0x2] =	stream.indirect.gather [hbm4b:s4+s20], $0x80, s2, s20, $0xb8;
	[tilespmem:$0x1E000] =	vst v63  }
0xe2: {  	_ =	swait.ge [sflag:s23], $0x4000  }
0xe3: {  	[sflag:s23] =	ssyncset.done $0x0  }
0xe4: {  	s9 =	simm.s32 $0x1000;
	[sflag:s23] =	ssyncadd.s32 $0xFFFFC000  }
0xe5: {  	[spmem:s1] =	stream.indirect.scatter.add.f32 [tilespmem:s21], [sflag:$0x3], $0x80, s9, s20, $0xb8;
	[tilespmem:$0x1E000] =	vst v63  }
0xe6: {  	_ =	swait.ge [sflag:s18], $0x4000  }
0xe7: {  	[sflag:s18] =	ssyncset.done $0x0  }
0xe8: {  	s2 =	simm.s32 $0x100;
	[sflag:s18] =	ssyncadd.s32 $0xFFFFC000  }
0xe9: {  	[tilespmem:s21], [sflag:$0x1] =	stream.indirect.gather [hbm4b:s4+s20], $0x80, s2, s20, $0xb8;
	[tilespmem:$0x1E000] =	vst v63  }
0xea: {  	_ =	swait.ge [sflag:s24], $0x4000  }
0xeb: {  	[sflag:s24] =	ssyncset.done $0x0  }
0xec: {  	s9 =	simm.s32 $0x1080;
	[sflag:s24] =	ssyncadd.s32 $0xFFFFC000  }
0xed: {  	[spmem:s1] =	stream.indirect.scatter.add.f32 [tilespmem:s22], [sflag:$0x3], $0x80, s9, s20, $0xb8;
	[tilespmem:$0x1E000] =	vst v63  }
0xee: {  	_ =	swait.ge [sflag:s18], $0x4000  }
0xef: {  	s31 =	simm.s32 $0x800;
	s30 =	simm.s32 $0x100;
	[sflag:s18] =	ssyncset.done $0x0  }
.LBB2_7:
0xf0: {  	s0 =	sadd.s32 $0x80, s30  }
0xf1: {  	[sflag:s18] =	ssyncadd.s32 $0xFFFFC000;
	s2 =	smov.u32 s31;
	s9 =	sadd.s32 $0x400, s31  }
0xf2: {  	[tilespmem:s22], [sflag:$0x2] =	stream.indirect.gather [hbm4b:s4+s20], $0x80, s0, s20, $0xb8;
	[tilespmem:$0x1E000] =	vst v63  }
0xf3: {  	p1 =	sne.s32 s31, $0x3800;
	_ =	swait.ge [sflag:s23], $0x4000  }
0xf4: {  	[sflag:s23] =	ssyncset.done $0x0  }
0xf5: {  	s0 =	sadd.s32 $0x1000, s30;
	[sflag:s23] =	ssyncadd.s32 $0xFFFFC000  }
0xf6: {  	[spmem:s1] =	stream.indirect.scatter.add.f32 [tilespmem:s21], [sflag:$0x3], $0x80, s0, s20, $0xb8;
	[tilespmem:$0x1E000] =	vst v63  }
0xf7: {  	_ =	swait.ge [sflag:s18], $0x4000  }
0xf8: {  	[sflag:s18] =	ssyncset.done $0x0  }
0xf9: {  	s0 =	sadd.s32 $0x100, s30;
	[sflag:s18] =	ssyncadd.s32 $0xFFFFC000  }
0xfa: {  	[tilespmem:s21], [sflag:$0x1] =	stream.indirect.gather [hbm4b:s4+s20], $0x80, s0, s20, $0xb8;
	[tilespmem:$0x1E000] =	vst v63  }
0xfb: {  	_ =	swait.ge [sflag:s24], $0x4000  }
.Ltmp5:
0xfc: {  	[sflag:s24] =	ssyncset.done $0x0;
	(pc) =	sbr.rel @p1 .LBB2_7-.Ltmp5, $4  }
0xfd: {  	s0 =	sadd.s32 $0x1080, s30;
	[sflag:s24] =	ssyncadd.s32 $0xFFFFC000  }
0xfe: {  	[spmem:s1] =	stream.indirect.scatter.add.f32 [tilespmem:s22], [sflag:$0x3], $0x80, s0, s20, $0xb8;
	[tilespmem:$0x1E000] =	vst v63  }
0xff: {  	_ =	swait.ge [sflag:s18], $0x4000  }
0x100: {  	s31 =	smov.u32 s9;
	s30 =	sshra.s32 s2, $0x2;
	[sflag:s18] =	ssyncset.done $0x0  }
0x101: {  	s0 =	sadd.s32 $0x80, s30;
	[sflag:s18] =	ssyncadd.s32 $0xFFFFC000  }
0x102: {  	[tilespmem:s22], [sflag:$0x2] =	stream.indirect.gather [hbm4b:s4+s20], $0x80, s0, s20, $0xb8;
	[tilespmem:$0x1E000] =	vst v63  }
0x103: {  	_ =	swait.ge [sflag:s23], $0x4000  }
0x104: {  	[sflag:s23] =	ssyncset.done $0x0  }
0x105: {  	s2 =	sadd.s32 $0x1000, s30;
	[sflag:s23] =	ssyncadd.s32 $0xFFFFC000  }
0x106: {  	[spmem:s1] =	stream.indirect.scatter.add.f32 [tilespmem:s21], [sflag:$0x3], $0x80, s2, s20, $0xb8;
	[tilespmem:$0x1E000] =	vst v63  }
0x107: {  	_ =	swait.ge [sflag:s18], $0x4000  }
0x108: {  	[sflag:s18] =	ssyncset.done $0x0  }
0x109: {  	s9 =	sadd.s32 $0x100, s30;
	[sflag:s18] =	ssyncadd.s32 $0xFFFFC000  }
0x10a: {  	[tilespmem:s21], [sflag:$0x1] =	stream.indirect.gather [hbm4b:s4+s20], $0x80, s9, s20, $0xb8;
	[tilespmem:$0x1E000] =	vst v63  }
0x10b: {  	_ =	swait.ge [sflag:s24], $0x4000  }
0x10c: {  	[sflag:s24] =	ssyncset.done $0x0  }
0x10d: {  	s2 =	sadd.s32 $0x1080, s30;
	[sflag:s24] =	ssyncadd.s32 $0xFFFFC000  }
0x10e: {  	[spmem:s1] =	stream.indirect.scatter.add.f32 [tilespmem:s22], [sflag:$0x3], $0x80, s2, s20, $0xb8;
	[tilespmem:$0x1E000] =	vst v63  }
0x10f: {  	_ =	swait.ge [sflag:s18], $0x4000  }
0x110: {  	[sflag:s18] =	ssyncset.done $0x0  }
0x111: {  	[sflag:s18] =	ssyncadd.s32 $0xFFFFC000  }
0x112: {  	[tilespmem:s22], [sflag:$0x2] =	stream.indirect.gather [hbm4b:s4+s20], $0x80, s25, s20, $0xb8;
	[tilespmem:$0x1E000] =	vst v63  }
0x113: {  	_ =	swait.ge [sflag:s23], $0x4000  }
0x114: {  	[sflag:s23] =	ssyncset.done $0x0  }
0x115: {  	[sflag:s23] =	ssyncadd.s32 $0xFFFFC000  }
0x116: {  	[spmem:s1] =	stream.indirect.scatter.add.f32 [tilespmem:s21], [sflag:$0x3], $0x80, s26, s20, $0xb8;
	[tilespmem:$0x1E000] =	vst v63  }
0x117: {  	_ =	swait.ge [sflag:s18], $0x4000  }
0x118: {  	[sflag:s18] =	ssyncset.done $0x0  }
0x119: {  	[sflag:s18] =	ssyncadd.s32 $0xFFFFC000  }
0x11a: {  	_ =	swait.ge [sflag:s24], $0x4000  }
0x11b: {  	[sflag:s24] =	ssyncset.done $0x0  }
0x11c: {  	[sflag:s24] =	ssyncadd.s32 $0xFFFFC000  }
0x11d: {  	[spmem:s1] =	stream.indirect.scatter.add.f32 [tilespmem:s22], [sflag:$0x3], $0x80, s28, s20, $0xb8;
	[tilespmem:$0x1E000] =	vst v63  }
0x11e: {  	_ =	swait.ge [sflag:s18], $0x4000  }
0x11f: {  	[sflag:s18] =	ssyncset.done $0x0  }
0x120: {  	s9 =	simm.s32 $0x0;
	[sflag:s18] =	ssyncadd.s32 $0xFFFFC000  }
0x121: {  	[tilespmem:s9], [sflag:$0x3] =	stream.linear.gather [hbm4b:s13+s9], $0x1000, $0x38;
	[tilespmem:$0x1E000] =	vst v63  }
0x122: {  	_ =	swait.ge [sflag:s18], $0x1000  }
0x123: {  	[sflag:s18] =	ssyncset.done $0x0  }
0x124: {  	[sflag:s18] =	ssyncadd.s32 $0xFFFFF000  }
0x125: {  	[tilespmem:s19], [sflag:$0x3] =	stream.linear.gather [hbm4b:s14+s9], $0x1000, $0x38;
	[tilespmem:$0x1E000] =	vst v63  }
0x126: {  	_ =	swait.ge [sflag:s18], $0x1000  }
0x127: {  	[sflag:s18] =	ssyncset.done $0x0  }
0x128: {  	[sflag:s18] =	ssyncadd.s32 $0xFFFFF000  }
0x129: {  	[tilespmem:s21], [sflag:$0x1] =	stream.indirect.gather [hbm4b:s4+s20], $0x80, s9, s20, $0xb8;
	[tilespmem:$0x1E000] =	vst v63  }
0x12a: {  	s2 =	simm.s32 $0x80  }
0x12b: {  	[tilespmem:s22], [sflag:$0x2] =	stream.indirect.gather [hbm4b:s4+s20], $0x80, s2, s20, $0xb8;
	[tilespmem:$0x1E000] =	vst v63  }
0x12c: {  	_ =	swait.ge [sflag:s23], $0x4000  }
0x12d: {  	[sflag:s23] =	ssyncset.done $0x0  }
0x12e: {  	s9 =	simm.s32 $0x1000;
	[sflag:s23] =	ssyncadd.s32 $0xFFFFC000  }
0x12f: {  	[spmem:s1] =	stream.indirect.scatter.add.f32 [tilespmem:s21], [sflag:$0x3], $0x80, s9, s20, $0xb8;
	[tilespmem:$0x1E000] =	vst v63  }
0x130: {  	_ =	swait.ge [sflag:s18], $0x4000  }
0x131: {  	[sflag:s18] =	ssyncset.done $0x0  }
0x132: {  	s2 =	simm.s32 $0x100;
	[sflag:s18] =	ssyncadd.s32 $0xFFFFC000  }
0x133: {  	[tilespmem:s21], [sflag:$0x1] =	stream.indirect.gather [hbm4b:s4+s20], $0x80, s2, s20, $0xb8;
	[tilespmem:$0x1E000] =	vst v63  }
0x134: {  	_ =	swait.ge [sflag:s24], $0x4000  }
0x135: {  	[sflag:s24] =	ssyncset.done $0x0  }
0x136: {  	s9 =	simm.s32 $0x1080;
	[sflag:s24] =	ssyncadd.s32 $0xFFFFC000  }
0x137: {  	[spmem:s1] =	stream.indirect.scatter.add.f32 [tilespmem:s22], [sflag:$0x3], $0x80, s9, s20, $0xb8;
	[tilespmem:$0x1E000] =	vst v63  }
0x138: {  	_ =	swait.ge [sflag:s18], $0x4000  }
0x139: {  	s31 =	simm.s32 $0x800;
	s30 =	simm.s32 $0x100;
	[sflag:s18] =	ssyncset.done $0x0  }
.LBB2_9:
0x13a: {  	s0 =	sadd.s32 $0x80, s30  }
0x13b: {  	[sflag:s18] =	ssyncadd.s32 $0xFFFFC000;
	s2 =	smov.u32 s31;
	s9 =	sadd.s32 $0x400, s31  }
0x13c: {  	[tilespmem:s22], [sflag:$0x2] =	stream.indirect.gather [hbm4b:s4+s20], $0x80, s0, s20, $0xb8;
	[tilespmem:$0x1E000] =	vst v63  }
0x13d: {  	p1 =	sne.s32 s31, $0x3800;
	_ =	swait.ge [sflag:s23], $0x4000  }
0x13e: {  	[sflag:s23] =	ssyncset.done $0x0  }
0x13f: {  	s0 =	sadd.s32 $0x1000, s30;
	[sflag:s23] =	ssyncadd.s32 $0xFFFFC000  }
0x140: {  	[spmem:s1] =	stream.indirect.scatter.add.f32 [tilespmem:s21], [sflag:$0x3], $0x80, s0, s20, $0xb8;
	[tilespmem:$0x1E000] =	vst v63  }
0x141: {  	_ =	swait.ge [sflag:s18], $0x4000  }
0x142: {  	[sflag:s18] =	ssyncset.done $0x0  }
0x143: {  	s0 =	sadd.s32 $0x100, s30;
	[sflag:s18] =	ssyncadd.s32 $0xFFFFC000  }
0x144: {  	[tilespmem:s21], [sflag:$0x1] =	stream.indirect.gather [hbm4b:s4+s20], $0x80, s0, s20, $0xb8;
	[tilespmem:$0x1E000] =	vst v63  }
0x145: {  	_ =	swait.ge [sflag:s24], $0x4000  }
.Ltmp6:
0x146: {  	[sflag:s24] =	ssyncset.done $0x0;
	(pc) =	sbr.rel @p1 .LBB2_9-.Ltmp6, $4  }
0x147: {  	s0 =	sadd.s32 $0x1080, s30;
	[sflag:s24] =	ssyncadd.s32 $0xFFFFC000  }
0x148: {  	[spmem:s1] =	stream.indirect.scatter.add.f32 [tilespmem:s22], [sflag:$0x3], $0x80, s0, s20, $0xb8;
	[tilespmem:$0x1E000] =	vst v63  }
0x149: {  	_ =	swait.ge [sflag:s18], $0x4000  }
0x14a: {  	s31 =	smov.u32 s9;
	s30 =	sshra.s32 s2, $0x2;
	[sflag:s18] =	ssyncset.done $0x0  }
.Ltmp7:
0x14b: {  	_ = 	snop;
	(pc) =	sbr.rel .LBB2_10-.Ltmp7, $1  }
0x14c: {  	_ =	sdelay $0x3  }
.LBB2_12:
0x14d: {  	_ =	sfence.sel $0x180000  }
0x14e: {  	[bflag:$0x0] =	sbarrier.arrive $0xFFFF  }
0x14f: {  	_ =	strace $0x9000004A  }
0x150: {  	s0 =	stileid.u32;
	[bflag:$0x2] =	sbarrier.arrive $0xFFFF  }
0x151: {  	p0 =	sne.s32 s0, $0x0;
	s0 =	rddreg [dreg:$0x3]  }
0x152: {  	s0 =	sadd.s32 @!p0 $0x100000, s0  }
0x153: {  	[sflag:s0] =	ssyncadd.tile.s32 @!p0 $0x1;
	_ =	shalt  }
.Lfunc_end2:
_tile_overlayer_lowered:
.L_overlay_start_2:
0x154: {  	(tag) =	ssettag $0x2  }
0x155: {  	s0 =	rddreg [dreg:$0x0];
	s2 =	stileid.u32  }
0x156: {  	s1 =	rddreg [dreg:$0x1];
	p0 =	sne.s32 s2, $0x0  }
0x157: {  	s3 =	rddreg [dreg:$0x2];
	[bflag:$0x3] =	sbarrier.arrive $0xFFFF;
	s2 =	simm.s32 @!p0 $0x1C03  }
0x158: {  	[timem:s3], [sflag:s2] =	dma.local @!p0 [hbm:s0], s1  }
0x159: {  	s0 =	simm.s32 @!p0 $0x3  }
0x15a: {  	_ =	swait.ge @!p0 [sflag:s0], s1  }
0x15b: {  	s1 =	ssub.s32 @!p0 $0x0, s1;
	[sflag:s0] =	ssyncset.done @!p0 $0x0  }
0x15c: {  	[sflag:s0] =	ssyncadd.s32 @!p0 s1  }
0x15d: {  	[bflag:$0x3] =	sbarrier.arrive $0xFFFF  }
0x15e: {  	_ =	shalt  }

// kernel: kernel.14.cloned.1.call-start
scs
__scs_entry_jumppad:
0x0: {  	(pc) =	sbr.rel $0x88, $3  }
0x1: {  	(tag) =	ssettag $0x0;
	lr =	simm.s32 $0x1  }
0x2: {  	[smem:$0x3F9B] =	sst lr;
	_ =	strace $0xD0000000  }
0x3: {  	_ = 	snop  }
0x4: {  	_ = 	snop  }
0x5: {  	_ = 	snop  }
0x6: {  	_ = 	snop  }
0x7: {  	_ = 	snop  }
__scs_overlays_trampoline_lowered:
0x8: {  	[smem:$0x3FAA] =	sst s0  }
0x9: {  	[smem:$0x3FAB] =	sst s1  }
0xa: {  	[smem:$0x3FAC] =	sst s2  }
0xb: {  	[smem:$0x3FAD] =	sst s3  }
0xc: {  	[smem:$0x3FAE] =	sst s4  }
0xd: {  	[smem:$0x3FAF] =	sst s5  }
0xe: {  	[smem:$0x3FB0] =	sst s6  }
0xf: {  	[smem:$0x3FB1] =	sst s7  }
0x10: {  	[smem:$0x3FB2] =	sst s8  }
0x11: {  	[smem:$0x3FB3] =	sst s9;
	s0 =	simm.s32 @!p0 $0x0  }
0x12: {  	s1 =	sld [smem:$0x3F99];
	s0 =	simm.s32 @p0 $0x1  }
0x13: {  	[smem:$0x3FB4] =	sst s0;
	s0 =	simm.s32 @!p1 $0x0  }
0x14: {  	s2 =	sld [smem:$0x3F98];
	s0 =	simm.s32 @p1 $0x1  }
0x15: {  	[smem:$0x3FB5] =	sst s0;
	s0 =	simm.s32 @!p2 $0x0  }
0x16: {  	s3 =	sld [smem:$0x3FDB];
	s0 =	simm.s32 @p2 $0x1  }
0x17: {  	s4 =	simm.s32 $0x1BF5;
	[smem:$0x3FB7] =	sst s0  }
0x18: {  	s0 =	sld [smem:$0x3F9A];
	_ =	swait.ge [sflag:s4], $0x0  }
0x19: {  	s7 =	sld [smem:$0x3F9B]  }
0x1a: {  	s8 =	sadd.s32 $0xFFFFE003, lr  }
0x1b: {  	s9 =	sadd.s32 $0xFFFFFEF7, lr;
	s5 =	simm.s32 $0xFFFFFFFF;
	p2 =	slt.u32 s8, $0xFFFFF086  }
0x1c: {  	p1 =	slt.u32 s9, $0xF7A;
	s5 =	simm.s32 @!p2 $0x0  }
0x1d: {  	s5 =	simm.s32 @p1 $0x1;
	p0 =	seq.s32 s7, s2  }
0x1e: {  	s7 =	smul.u32 @!p0 $0xF7A, s2;
	p2 =	seq.s32 @!p0 s5, $0x0  }
0x1f: {  	s9 =	smul.u32 $0xF7A, s1;
	s8 =	simm.s32 @!p0 $0x1BF5;
	p2 =	por !p2, p0  }
0x20: {  	[sflag:s8] =	ssyncset.s32 @!p0 $0xFFFFF086;
	s6 =	sadd.s32 @!p0 s3, s7;
	s7 =	simm.s32 @!p0 $0x108  }
0x21: {  	s3 =	sadd.s32 s3, s9;
	s6 =	sadd.s32 @!p0 $0x88, s6;
	s7 =	simm.s32 @p2 $0x1082  }
0x22: {  	[simem:s7], [sflag:s8] =	dma.local @!p0 [hbm:s6], $0xF7A  }
0x23: {  	s9 =	sor.u32 $0xD0000000, s2;
	s6 =	simm.s32 $0x108;
	_ =	swait.ge @!p0 [sflag:s8], $0x0  }
0x24: {  	s3 =	sadd.s32 $0x88, s3;
	s6 =	simm.s32 @!p1 $0x1082;
	[sflag:s4] =	ssyncset.s32 $0xFFFFF086  }
0x25: {  	[simem:s6], [sflag:s4] =	dma.local [hbm:s3], $0xF7A  }
0x26: {  	[smem:$0x3F9B] =	sst s1;
	(tag) =	ssettag s2;
	_ =	strace s9  }
0x27: {  	s1 =	sld [smem:$0x3FAB]  }
0x28: {  	s2 =	sld [smem:$0x3FAC]  }
0x29: {  	s4 =	sld [smem:$0x3FAE]  }
0x2a: {  	p0 =	seq.s32 s5, $0x0;
	s5 =	sld [smem:$0x3FAF]  }
0x2b: {  	s6 =	sld [smem:$0x3FB0]  }
0x2c: {  	s7 =	sld [smem:$0x3FB1]  }
0x2d: {  	s3 =	simm.s32 $0x108;
	s8 =	sld [smem:$0x3FB2]  }
0x2e: {  	s3 =	simm.s32 @!p0 $0x1082;
	s9 =	sld [smem:$0x3FB3]  }
0x2f: {  	lr =	sadd.s32 s0, s3;
	s0 =	sld [smem:$0x3FAA]  }
0x30: {  	s3 =	sld [smem:$0x3FAD]  }
0x31: {  	[smem:$0x3FB6] =	sst s10  }
0x32: {  	s10 =	sld [smem:$0x3FB4];
	_ =	sdelay $0x3  }
0x33: {  	p0 =	seq.s32 s10, $0x1;
	s10 =	sld [smem:$0x3FB6];
	_ =	sdelay $0x3  }
0x34: {  	[smem:$0x3FB6] =	sst s10  }
0x35: {  	s10 =	sld [smem:$0x3FB5];
	_ =	sdelay $0x3  }
0x36: {  	p1 =	seq.s32 s10, $0x1;
	s10 =	sld [smem:$0x3FB6];
	_ =	sdelay $0x3  }
0x37: {  	[smem:$0x3FB6] =	sst s10  }
0x38: {  	s10 =	sld [smem:$0x3FB7]  }
0x39: {  	_ = 	snop;
	(pc) =	sbr.ind lr, $3  }
0x3a: {  	_ = 	snop  }
0x3b: {  	_ = 	snop  }
0x3c: {  	p2 =	seq.s32 s10, $0x1;
	s10 =	sld [smem:$0x3FB6]  }
0x3d: {  	_ =	shalt  }
0x3e: {  	_ =	shalt  }
0x3f: {  	_ =	shalt  }
0x40: {  	_ =	shalt  }
0x41: {  	_ =	shalt  }
0x42: {  	_ =	shalt  }
0x43: {  	_ =	shalt  }
0x44: {  	_ =	shalt  }
0x45: {  	_ =	shalt  }
0x46: {  	_ =	shalt  }
0x47: {  	_ =	shalt  }
0x48: {  	_ =	shalt  }
0x49: {  	_ =	shalt  }
0x4a: {  	_ =	shalt  }
0x4b: {  	_ =	shalt  }
0x4c: {  	_ =	shalt  }
0x4d: {  	_ =	shalt  }
0x4e: {  	_ =	shalt  }
0x4f: {  	_ =	shalt  }
0x50: {  	_ =	shalt  }
0x51: {  	_ =	shalt  }
0x52: {  	_ =	shalt  }
0x53: {  	_ =	shalt  }
0x54: {  	_ =	shalt  }
0x55: {  	_ =	shalt  }
0x56: {  	_ =	shalt  }
0x57: {  	_ =	shalt  }
0x58: {  	_ =	shalt  }
0x59: {  	_ =	shalt  }
0x5a: {  	_ =	shalt  }
0x5b: {  	_ =	shalt  }
0x5c: {  	_ =	shalt  }
0x5d: {  	_ =	shalt  }
0x5e: {  	_ =	shalt  }
0x5f: {  	_ =	shalt  }
0x60: {  	_ =	shalt  }
0x61: {  	_ =	shalt  }
0x62: {  	_ =	shalt  }
0x63: {  	_ =	shalt  }
0x64: {  	_ =	shalt  }
0x65: {  	_ =	shalt  }
0x66: {  	_ =	shalt  }
0x67: {  	_ =	shalt  }
0x68: {  	_ =	shalt  }
0x69: {  	_ =	shalt  }
0x6a: {  	_ =	shalt  }
0x6b: {  	_ =	shalt  }
0x6c: {  	_ =	shalt  }
0x6d: {  	_ =	shalt  }
0x6e: {  	_ =	shalt  }
0x6f: {  	_ =	shalt  }
0x70: {  	_ =	shalt  }
0x71: {  	_ =	shalt  }
0x72: {  	_ =	shalt  }
0x73: {  	_ =	shalt  }
0x74: {  	_ =	shalt  }
0x75: {  	_ =	shalt  }
0x76: {  	_ =	shalt  }
0x77: {  	_ =	shalt  }
0x78: {  	_ =	shalt  }
0x79: {  	_ =	shalt  }
0x7a: {  	_ =	shalt  }
0x7b: {  	_ =	shalt  }
0x7c: {  	_ =	shalt  }
0x7d: {  	_ =	shalt  }
0x7e: {  	_ =	shalt  }
0x7f: {  	_ =	shalt  }
0x80: {  	_ =	shalt  }
0x81: {  	_ =	shalt  }
0x82: {  	_ =	shalt  }
0x83: {  	_ =	shalt  }
0x84: {  	_ =	shalt  }
0x85: {  	_ =	shalt  }
0x86: {  	_ =	shalt  }
0x87: {  	_ =	shalt  }
.Lfunc_end0:
.L_simem_size_0:
called_computation.2_lowered:
.L_overlay_start_0:
0x88: {  	s2 =	sld [smem:$0x3FD9]  }
0x89: {  	s3 =	sld [smem:$0x3FFE];
	_ =	sdelay $0x1  }
0x8a: {  	s1 =	srdreg.scid  }
0x8b: {  	s0 =	sand.u32 $0x1, s1  }
0x8c: {  	s17 =	sshll.u32 s0, $0xA;
	s2 =	sadd.s32 s3, s2  }
0x8d: {  	s2 =	sadd.s32 s2, s17  }
0x8e: {  	[smem:$0x3FC2] =	sst s2  }
0x8f: {  	_ = 	snop  }
0x90: {  	s2 =	sld [smem:$0x3FD0];
	(tm) =	ssettm $0x1  }
0x91: {  	s18 =	sld [smem:$0x3FFB];
	_ =	sdelay $0x3  }
0x92: {  	_ =	strace s18  }
0x93: {  	s3 =	sld [smem:$0x3FFC];
	_ =	sdelay $0x3  }
0x94: {  	_ =	strace s3  }
0x95: {  	s3 =	sld [smem:$0x3FFD];
	_ =	sdelay $0x3  }
0x96: {  	_ =	strace s3  }
0x97: {  	_ =	strace $0x8FFFFFFF  }
0x98: {  	s19 =	sld [smem:$0x3FDB];
	_ =	sdelay $0x1  }
0x99: {  	s4 =	simm.s32 $_scs_section_size  }
0x9a: {  	s5 =	simm.s32 $_size__tile_overlayer_lowered;
	s6 =	simm.s32 $_tile_overlayer_lowered  }
0x9b: {  	s22 =	simm.s32 $0x1BFF;
	s21 =	sshll.u32 s6, $0x1;
	s3 =	sadd.s32 s4, s19  }
0x9c: {  	s7 =	simm.s32 $0x0;
	s20 =	sshll.u32 s5, $0x1;
	s5 =	sadd.s32 s21, s3  }
0x9d: {  	[timem:s7], [sflag:s22] =	dma.local [hbm:s5], s20  }
0x9e: {  	_ =	swait.ge [sflag:s22], s20  }
0x9f: {  	s4 =	ssub.s32 $0x0, s20;
	[sflag:s22] =	ssyncset.done $0x0  }
0xa0: {  	[sflag:s22] =	ssyncadd.s32 s4;
	_ =	sdelay $0x1  }
0xa1: {  	s23 =	simm.s32 $0x1B8B  }
0xa2: {  	_ =	swait.ge [sflag:s23], $0x1  }
0xa3: {  	[sflag:s23] =	ssyncset.done $0x0  }
0xa4: {  	s25 =	simm.s32 $0x1B8E;
	s24 =	sld [smem:$0x3FFE];
	[sflag:s23] =	ssyncadd.s32 $0xFFFFFFFF  }
0xa5: {  	s26 =	simm.s32 $execute0_lowered;
	[smem:$0x3FD2] =	sst s25  }
0xa6: {  	s5 =	sshll.u32 s26, $0x1;
	_ =	strace $0x8000004C;
	[dreg:$0x1] =	wrdreg $0xFFFFFFFF  }
0xa7: {  	s28 =	simm.s32 $_size_execute0_lowered;
	s3 =	sadd.s32 s3, s5;
	[dreg:$0x0] =	wrdreg $0x0  }
0xa8: {  	s5 =	sshll.u32 s28, $0x1;
	[dreg:$0x2] =	wrdreg s3  }
0xa9: {  	[dreg:$0x3] =	wrdreg s5  }
0xaa: {  	[dreg:$0x4] =	wrdreg $0xC0  }
0xab: {  	_ =	task [dreg:s7], $0x5FFFF  }
0xac: {  	[dreg:$0x1] =	wrdreg $0xFFFFFFFF  }
0xad: {  	[dreg:$0x0] =	wrdreg $0x60  }
0xae: {  	[dreg:$0x2] =	wrdreg s24  }
0xaf: {  	[dreg:$0x3] =	wrdreg s2  }
0xb0: {  	[dreg:$0x4] =	wrdreg $0xA0000  }
0xb1: {  	[dreg:$0x5] =	wrdreg $0x9  }
0xb2: {  	_ =	task.clear_ibuf [dreg:s7], $0x6FFFF;
	_ =	strace $0x9000004C  }
0xb3: {  	s29 =	simm.s32 $0x9;
	_ =	strace $0x8000004E  }
0xb4: {  	_ =	swait.ge [sflag:s29], $0x1  }
0xb5: {  	[sflag:s29] =	ssyncadd.s32 $0xFFFFFFFF  }
0xb6: {  	_ =	strace $0x9000004E  }
0xb7: {  	_ =	sfence  }
0xb8: {  	s30 =	sld [smem:$0x0];
	_ =	sdelay $0x2  }
0xb9: {  	s31 =	sshll.u32 s1, $0xD;
	s1 =	sshrl.u32 s1, $0x2  }
0xba: {  	s3 =	sand.u32 $0x4000, s31;
	s1 =	sadd.s32 s1, s30  }
0xbb: {  	s0 =	sor.u32 s3, s0;
	s1 =	sshll.u32 s1, $0x11  }
0xbc: {  	s0 =	sor.u32 s1, s0  }
0xbd: {  	s0 =	sadd.s32 $0x8F2B, s0  }
0xbe: {  	[sflag:s0] =	ssyncadd.remote.s32 $0x1  }
0xbf: {  	_ =	sfence.sel $0xFFFF  }
0xc0: {  	[dreg:$0x0] =	wrdreg $0xFFFFFFFF;
	(pc) =	sbr.abs _section_cstart, $3  }
0xc1: {  	[dreg:$0x1] =	wrdreg $0xFFFFFFFF  }
0xc2: {  	_ =	task.clear_ibuf [dreg:s7], $0x2FFFF;
	_ =	strace $0x9FFFFFFF  }
0xc3: {  	(tm) =	ssettm $0x7FFFFFFF  }
tec
execute0_lowered:
.L_overlay_start_1:
0x0: {  	(tag) =	ssettag $0x1  }
0x1: {  	s6 =	rddreg [dreg:$0x0]  }
0x2: {  	s13 =	rddreg [dreg:$0x1]  }
0x3: {  	s1 =	rddreg [dreg:$0x2];
	s2 =	srdreg.scid  }
0x4: {  	s3 =	simm.s32 $0x0;
	s0 =	stileid.u32;
	s20 =	simm.s32 $0x80  }
0x5: {  	s21 =	simm.s32 $0x2000;
	s28 =	simm.s32 $0x1F80;
	s29 =	simm.s32 $0x0  }
0x6: {  	s25 =	sand.u32 $0x1, s2;
	[smem:$0x7FF] =	sst s3;
	s7 =	smul.u32 $0x14000, s0  }
0x7: {  	s4 =	sadd.s32 $0xC800, s6;
	s14 =	sadd.s32 $0x2800, s6;
	s23 =	smul.u32 $0x50000, s0  }
0x8: {  	s24 =	sshll.u32 s0, $0x9;
	s12 =	sshll.u32 s0, $0xB;
	s30 =	sshll.u32 s0, $0x6  }
0x9: {  	s5 =	smul.u32 $0x140000, s25;
	_ =	strace $0x8000004D;
	s8 =	ssub.s32 $0x2, s25  }
0xa: {  	p0 =	seq.s32 s25, $0x0;
	s10 =	sor.u32 $0x200, s12;
	s18 =	sor.u32 $0x400, s12  }
0xb: {  	s19 =	sor.u32 $0x600, s12;
	s22 =	sshrl.u32 s8, $0x1;
	s26 =	sshrl.u32 s23, $0x2  }
0xc: {  	s31 =	sadd.s32 s13, s10;
	s10 =	sadd.s32 s14, s10;
	s11 =	sadd.s32 s13, s18  }
0xd: {  	s23 =	simm.s32 $0x1;
	s7 =	sadd.s32 s7, s5;
	s5 =	sadd.s32 $0x34800, s6  }
0xe: {  	s16 =	ssub.s32 s8, s22;
	s8 =	sor.u32 $0x8000, s24;
	s17 =	sadd.s32 s26, s1  }
0xf: {  	[dreg:$0x4] =	wrdreg s31;
	s22 =	simm.s32 $0x6000;
	s24 =	simm.s32 $0x2  }
0x10: {  	s26 =	simm.s32 $0x1F00;
	s7 =	sshrl.u32 s7, $0x3;
	s8 =	smov.u32 @p0 s12  }
.Ltmp0:
0x11: {  	s12 =	sadd.s32 s14, s18;
	s16 =	smax.u32 s16, $0x1;
	(pc) =	sbr.rel .LBB2_1-.Ltmp0, $4  }
0x12: {  	s17 =	sshrl.u32 s17, $0x3;
	s18 =	simm.s32 $0x3;
	p0 =	sne.s32 s25, $0x0  }
0x13: {  	s25 =	simm.s32 $0xF80;
	s15 =	sadd.s32 s7, s6;
	s6 =	sor.u32 $0x1C03, s30  }
0x14: {  	s7 =	sadd.s32 s13, s8;
	s8 =	sadd.s32 s14, s8;
	s13 =	sadd.s32 s13, s19  }
0x15: {  	s14 =	sadd.s32 s14, s19;
	s19 =	simm.s32 $0x1000;
	s15 =	sadd.s32 $0x37000, s15  }
.LBB2_10:
0x16: {  	s0 =	sadd.s32 $0x80, s30;
	[sflag:s18] =	ssyncadd.s32 $0xFFFFC000  }
0x17: {  	[tilespmem:s22], [sflag:$0x2] =	stream.indirect.gather [hbm4b:s4+s20], $0x80, s0, s20, $0xb8;
	[tilespmem:$0x1E000] =	vst v63  }
0x18: {  	_ =	swait.ge [sflag:s23], $0x4000  }
0x19: {  	[sflag:s23] =	ssyncset.done $0x0  }
0x1a: {  	s2 =	sadd.s32 $0x1000, s30;
	[sflag:s23] =	ssyncadd.s32 $0xFFFFC000  }
0x1b: {  	[spmem:s1] =	stream.indirect.scatter.add.f32 [tilespmem:s21], [sflag:$0x3], $0x80, s2, s20, $0xb8;
	[tilespmem:$0x1E000] =	vst v63  }
0x1c: {  	_ =	swait.ge [sflag:s18], $0x4000  }
0x1d: {  	[sflag:s18] =	ssyncset.done $0x0  }
0x1e: {  	s9 =	sadd.s32 $0x100, s30;
	[sflag:s18] =	ssyncadd.s32 $0xFFFFC000  }
0x1f: {  	[tilespmem:s21], [sflag:$0x1] =	stream.indirect.gather [hbm4b:s4+s20], $0x80, s9, s20, $0xb8;
	[tilespmem:$0x1E000] =	vst v63  }
0x20: {  	_ =	swait.ge [sflag:s24], $0x4000  }
0x21: {  	[sflag:s24] =	ssyncset.done $0x0  }
0x22: {  	s31 =	sadd.s32 $0x1080, s30;
	[sflag:s24] =	ssyncadd.s32 $0xFFFFC000  }
0x23: {  	[spmem:s1] =	stream.indirect.scatter.add.f32 [tilespmem:s22], [sflag:$0x3], $0x80, s31, s20, $0xb8;
	[tilespmem:$0x1E000] =	vst v63  }
0x24: {  	_ =	swait.ge [sflag:s18], $0x4000  }
0x25: {  	[sflag:s18] =	ssyncset.done $0x0  }
0x26: {  	[sflag:s18] =	ssyncadd.s32 $0xFFFFC000  }
0x27: {  	[tilespmem:s22], [sflag:$0x2] =	stream.indirect.gather [hbm4b:s4+s20], $0x80, s25, s20, $0xb8;
	[tilespmem:$0x1E000] =	vst v63  }
0x28: {  	_ =	swait.ge [sflag:s23], $0x4000  }
0x29: {  	[sflag:s23] =	ssyncset.done $0x0  }
0x2a: {  	[sflag:s23] =	ssyncadd.s32 $0xFFFFC000  }
0x2b: {  	[spmem:s1] =	stream.indirect.scatter.add.f32 [tilespmem:s21], [sflag:$0x3], $0x80, s26, s20, $0xb8;
	[tilespmem:$0x1E000] =	vst v63  }
0x2c: {  	_ =	swait.ge [sflag:s18], $0x4000  }
0x2d: {  	[sflag:s18] =	ssyncset.done $0x0  }
0x2e: {  	[sflag:s18] =	ssyncadd.s32 $0xFFFFC000  }
0x2f: {  	_ =	swait.ge [sflag:s24], $0x4000  }
0x30: {  	[sflag:s24] =	ssyncset.done $0x0  }
0x31: {  	[sflag:s24] =	ssyncadd.s32 $0xFFFFC000  }
0x32: {  	[spmem:s1] =	stream.indirect.scatter.add.f32 [tilespmem:s22], [sflag:$0x3], $0x80, s28, s20, $0xb8;
	[tilespmem:$0x1E000] =	vst v63  }
0x33: {  	_ =	swait.ge [sflag:s18], $0x4000  }
0x34: {  	[sflag:s18] =	ssyncset.done $0x0  }
0x35: {  	[sflag:s18] =	ssyncadd.s32 $0xFFFFC000  }
.LBB2_11:
0x36: {  	s29 =	sadd.s32 $0x1, s29  }
0x37: {  	p1 =	sne.s32 s29, s16  }
.Ltmp1:
0x38: {  	[bflag:$0x0] =	sbarrier.arrive $0xFFFF;
	(pc) =	sbr.rel @!p1 .LBB2_12-.Ltmp1, $4  }
0x39: {  	[hbm:s15], [sflag:s6] =	dma.local [spmem:s17], $0x2800  }
0x3a: {  	_ =	swait.ge [sflag:s18], $0x2800  }
0x3b: {  	[sflag:s18] =	ssyncset.done $0x0  }
0x3c: {  	[sflag:s18] =	ssyncadd.s32 $0xFFFFD800  }
.LBB2_1:
0x3d: {  	[spmem:s17], [sflag:s6] =	dma.local [hbm:s5], $0x2800  }
0x3e: {  	_ =	swait.ge [sflag:s18], $0x2800  }
0x3f: {  	[sflag:s18] =	ssyncset.done $0x0  }
0x40: {  	[sflag:s18] =	ssyncadd.s32 $0xFFFFD800  }
0x41: {  	[bflag:$0x0] =	sbarrier.arrive $0xFFFF  }
0x42: {  	[tilespmem:s3], [sflag:$0x3] =	stream.linear.gather [hbm4b:s7+s3], $0x1000, $0x38;
	[tilespmem:$0x1E000] =	vst v63  }
0x43: {  	_ =	swait.ge [sflag:s18], $0x1000  }
0x44: {  	[sflag:s18] =	ssyncset.done $0x0  }
0x45: {  	[sflag:s18] =	ssyncadd.s32 $0xFFFFF000  }
0x46: {  	[tilespmem:s19], [sflag:$0x3] =	stream.linear.gather [hbm4b:s8+s3], $0x1000, $0x38;
	[tilespmem:$0x1E000] =	vst v63  }
0x47: {  	_ =	swait.ge [sflag:s18], $0x1000  }
0x48: {  	[sflag:s18] =	ssyncset.done $0x0  }
0x49: {  	[sflag:s18] =	ssyncadd.s32 $0xFFFFF000  }
0x4a: {  	[tilespmem:s21], [sflag:$0x1] =	stream.indirect.gather [hbm4b:s4+s20], $0x80, s3, s20, $0xb8;
	[tilespmem:$0x1E000] =	vst v63  }
0x4b: {  	s30 =	simm.s32 $0x80  }
0x4c: {  	[tilespmem:s22], [sflag:$0x2] =	stream.indirect.gather [hbm4b:s4+s20], $0x80, s30, s20, $0xb8;
	[tilespmem:$0x1E000] =	vst v63  }
0x4d: {  	_ =	swait.ge [sflag:s23], $0x4000  }
0x4e: {  	[sflag:s23] =	ssyncset.done $0x0  }
0x4f: {  	s30 =	simm.s32 $0x1000;
	[sflag:s23] =	ssyncadd.s32 $0xFFFFC000  }
0x50: {  	[spmem:s1] =	stream.indirect.scatter.add.f32 [tilespmem:s21], [sflag:$0x3], $0x80, s30, s20, $0xb8;
	[tilespmem:$0x1E000] =	vst v63  }
0x51: {  	_ =	swait.ge [sflag:s18], $0x4000  }
0x52: {  	[sflag:s18] =	ssyncset.done $0x0  }
0x53: {  	s30 =	simm.s32 $0x100;
	[sflag:s18] =	ssyncadd.s32 $0xFFFFC000  }
0x54: {  	[tilespmem:s21], [sflag:$0x1] =	stream.indirect.gather [hbm4b:s4+s20], $0x80, s30, s20, $0xb8;
	[tilespmem:$0x1E000] =	vst v63  }
0x55: {  	_ =	swait.ge [sflag:s24], $0x4000  }
0x56: {  	[sflag:s24] =	ssyncset.done $0x0  }
0x57: {  	s30 =	simm.s32 $0x1080;
	[sflag:s24] =	ssyncadd.s32 $0xFFFFC000  }
0x58: {  	[spmem:s1] =	stream.indirect.scatter.add.f32 [tilespmem:s22], [sflag:$0x3], $0x80, s30, s20, $0xb8;
	[tilespmem:$0x1E000] =	vst v63  }
0x59: {  	_ =	swait.ge [sflag:s18], $0x4000  }
0x5a: {  	s31 =	simm.s32 $0x800;
	s30 =	simm.s32 $0x100;
	[sflag:s18] =	ssyncset.done $0x0  }
.LBB2_2:
0x5b: {  	s0 =	sadd.s32 $0x80, s30  }
0x5c: {  	[sflag:s18] =	ssyncadd.s32 $0xFFFFC000;
	s2 =	smov.u32 s31;
	s9 =	sadd.s32 $0x400, s31  }
0x5d: {  	[tilespmem:s22], [sflag:$0x2] =	stream.indirect.gather [hbm4b:s4+s20], $0x80, s0, s20, $0xb8;
	[tilespmem:$0x1E000] =	vst v63  }
0x5e: {  	p1 =	sne.s32 s31, $0x3800;
	_ =	swait.ge [sflag:s23], $0x4000  }
0x5f: {  	[sflag:s23] =	ssyncset.done $0x0  }
0x60: {  	s0 =	sadd.s32 $0x1000, s30;
	[sflag:s23] =	ssyncadd.s32 $0xFFFFC000  }
0x61: {  	[spmem:s1] =	stream.indirect.scatter.add.f32 [tilespmem:s21], [sflag:$0x3], $0x80, s0, s20, $0xb8;
	[tilespmem:$0x1E000] =	vst v63  }
0x62: {  	_ =	swait.ge [sflag:s18], $0x4000  }
0x63: {  	[sflag:s18] =	ssyncset.done $0x0  }
0x64: {  	s0 =	sadd.s32 $0x100, s30;
	[sflag:s18] =	ssyncadd.s32 $0xFFFFC000  }
0x65: {  	[tilespmem:s21], [sflag:$0x1] =	stream.indirect.gather [hbm4b:s4+s20], $0x80, s0, s20, $0xb8;
	[tilespmem:$0x1E000] =	vst v63  }
0x66: {  	_ =	swait.ge [sflag:s24], $0x4000  }
.Ltmp2:
0x67: {  	[sflag:s24] =	ssyncset.done $0x0;
	(pc) =	sbr.rel @p1 .LBB2_2-.Ltmp2, $4  }
0x68: {  	s0 =	sadd.s32 $0x1080, s30;
	[sflag:s24] =	ssyncadd.s32 $0xFFFFC000  }
0x69: {  	[spmem:s1] =	stream.indirect.scatter.add.f32 [tilespmem:s22], [sflag:$0x3], $0x80, s0, s20, $0xb8;
	[tilespmem:$0x1E000] =	vst v63  }
0x6a: {  	_ =	swait.ge [sflag:s18], $0x4000  }
0x6b: {  	s31 =	smov.u32 s9;
	s30 =	sshra.s32 s2, $0x2;
	[sflag:s18] =	ssyncset.done $0x0  }
0x6c: {  	s0 =	sadd.s32 $0x80, s30;
	[sflag:s18] =	ssyncadd.s32 $0xFFFFC000  }
0x6d: {  	[tilespmem:s22], [sflag:$0x2] =	stream.indirect.gather [hbm4b:s4+s20], $0x80, s0, s20, $0xb8;
	[tilespmem:$0x1E000] =	vst v63  }
0x6e: {  	_ =	swait.ge [sflag:s23], $0x4000  }
0x6f: {  	[sflag:s23] =	ssyncset.done $0x0  }
0x70: {  	s2 =	sadd.s32 $0x1000, s30;
	[sflag:s23] =	ssyncadd.s32 $0xFFFFC000  }
0x71: {  	[spmem:s1] =	stream.indirect.scatter.add.f32 [tilespmem:s21], [sflag:$0x3], $0x80, s2, s20, $0xb8;
	[tilespmem:$0x1E000] =	vst v63  }
0x72: {  	_ =	swait.ge [sflag:s18], $0x4000  }
0x73: {  	[sflag:s18] =	ssyncset.done $0x0  }
0x74: {  	s9 =	sadd.s32 $0x100, s30;
	[sflag:s18] =	ssyncadd.s32 $0xFFFFC000  }
0x75: {  	[tilespmem:s21], [sflag:$0x1] =	stream.indirect.gather [hbm4b:s4+s20], $0x80, s9, s20, $0xb8;
	[tilespmem:$0x1E000] =	vst v63  }
0x76: {  	_ =	swait.ge [sflag:s24], $0x4000  }
0x77: {  	[sflag:s24] =	ssyncset.done $0x0  }
0x78: {  	s31 =	sadd.s32 $0x1080, s30;
	[sflag:s24] =	ssyncadd.s32 $0xFFFFC000  }
0x79: {  	[spmem:s1] =	stream.indirect.scatter.add.f32 [tilespmem:s22], [sflag:$0x3], $0x80, s31, s20, $0xb8;
	[tilespmem:$0x1E000] =	vst v63  }
0x7a: {  	_ =	swait.ge [sflag:s18], $0x4000  }
0x7b: {  	[sflag:s18] =	ssyncset.done $0x0  }
0x7c: {  	[sflag:s18] =	ssyncadd.s32 $0xFFFFC000  }
0x7d: {  	[tilespmem:s22], [sflag:$0x2] =	stream.indirect.gather [hbm4b:s4+s20], $0x80, s25, s20, $0xb8;
	[tilespmem:$0x1E000] =	vst v63  }
0x7e: {  	_ =	swait.ge [sflag:s23], $0x4000  }
0x7f: {  	[sflag:s23] =	ssyncset.done $0x0  }
0x80: {  	[sflag:s23] =	ssyncadd.s32 $0xFFFFC000  }
0x81: {  	[spmem:s1] =	stream.indirect.scatter.add.f32 [tilespmem:s21], [sflag:$0x3], $0x80, s26, s20, $0xb8;
	[tilespmem:$0x1E000] =	vst v63  }
0x82: {  	_ =	swait.ge [sflag:s18], $0x4000  }
0x83: {  	[sflag:s18] =	ssyncset.done $0x0  }
0x84: {  	[sflag:s18] =	ssyncadd.s32 $0xFFFFC000  }
0x85: {  	_ =	swait.ge [sflag:s24], $0x4000  }
0x86: {  	[sflag:s24] =	ssyncset.done $0x0  }
.Ltmp3:
0x87: {  	[sflag:s24] =	ssyncadd.s32 $0xFFFFC000;
	(pc) =	sbr.rel @p0 .LBB2_11-.Ltmp3, $4  }
0x88: {  	[spmem:s1] =	stream.indirect.scatter.add.f32 [tilespmem:s22], [sflag:$0x3], $0x80, s28, s20, $0xb8;
	[tilespmem:$0x1E000] =	vst v63  }
0x89: {  	_ =	swait.ge [sflag:s18], $0x4000  }
0x8a: {  	[sflag:s18] =	ssyncset.done $0x0  }
0x8b: {  	[sflag:s18] =	ssyncadd.s32 $0xFFFFC000  }
0x8c: {  	s0 =	simm.s32 $0x0;
	s2 =	rddreg [dreg:$0x4]  }
0x8d: {  	[tilespmem:s0], [sflag:$0x3] =	stream.linear.gather [hbm4b:s2+s0], $0x1000, $0x38;
	[tilespmem:$0x1E000] =	vst v63  }
0x8e: {  	_ =	swait.ge [sflag:s18], $0x1000  }
0x8f: {  	[sflag:s18] =	ssyncset.done $0x0  }
0x90: {  	[sflag:s18] =	ssyncadd.s32 $0xFFFFF000  }
0x91: {  	[tilespmem:s19], [sflag:$0x3] =	stream.linear.gather [hbm4b:s10+s0], $0x1000, $0x38;
	[tilespmem:$0x1E000] =	vst v63  }
0x92: {  	_ =	swait.ge [sflag:s18], $0x1000  }
0x93: {  	[sflag:s18] =	ssyncset.done $0x0  }
0x94: {  	[sflag:s18] =	ssyncadd.s32 $0xFFFFF000  }
0x95: {  	[tilespmem:s21], [sflag:$0x1] =	stream.indirect.gather [hbm4b:s4+s20], $0x80, s0, s20, $0xb8;
	[tilespmem:$0x1E000] =	vst v63  }
0x96: {  	s2 =	simm.s32 $0x80  }
0x97: {  	[tilespmem:s22], [sflag:$0x2] =	stream.indirect.gather [hbm4b:s4+s20], $0x80, s2, s20, $0xb8;
	[tilespmem:$0x1E000] =	vst v63  }
0x98: {  	_ =	swait.ge [sflag:s23], $0x4000  }
0x99: {  	[sflag:s23] =	ssyncset.done $0x0  }
0x9a: {  	s9 =	simm.s32 $0x1000;
	[sflag:s23] =	ssyncadd.s32 $0xFFFFC000  }
0x9b: {  	[spmem:s1] =	stream.indirect.scatter.add.f32 [tilespmem:s21], [sflag:$0x3], $0x80, s9, s20, $0xb8;
	[tilespmem:$0x1E000] =	vst v63  }
0x9c: {  	_ =	swait.ge [sflag:s18], $0x4000  }
0x9d: {  	[sflag:s18] =	ssyncset.done $0x0  }
0x9e: {  	s2 =	simm.s32 $0x100;
	[sflag:s18] =	ssyncadd.s32 $0xFFFFC000  }
0x9f: {  	[tilespmem:s21], [sflag:$0x1] =	stream.indirect.gather [hbm4b:s4+s20], $0x80, s2, s20, $0xb8;
	[tilespmem:$0x1E000] =	vst v63  }
0xa0: {  	_ =	swait.ge [sflag:s24], $0x4000  }
0xa1: {  	[sflag:s24] =	ssyncset.done $0x0  }
0xa2: {  	s9 =	simm.s32 $0x1080;
	[sflag:s24] =	ssyncadd.s32 $0xFFFFC000  }
0xa3: {  	[spmem:s1] =	stream.indirect.scatter.add.f32 [tilespmem:s22], [sflag:$0x3], $0x80, s9, s20, $0xb8;
	[tilespmem:$0x1E000] =	vst v63  }
0xa4: {  	_ =	swait.ge [sflag:s18], $0x4000  }
0xa5: {  	s31 =	simm.s32 $0x800;
	s30 =	simm.s32 $0x100;
	[sflag:s18] =	ssyncset.done $0x0  }
.LBB2_5:
0xa6: {  	s0 =	sadd.s32 $0x80, s30  }
0xa7: {  	[sflag:s18] =	ssyncadd.s32 $0xFFFFC000;
	s2 =	smov.u32 s31;
	s9 =	sadd.s32 $0x400, s31  }
0xa8: {  	[tilespmem:s22], [sflag:$0x2] =	stream.indirect.gather [hbm4b:s4+s20], $0x80, s0, s20, $0xb8;
	[tilespmem:$0x1E000] =	vst v63  }
0xa9: {  	p1 =	sne.s32 s31, $0x3800;
	_ =	swait.ge [sflag:s23], $0x4000  }
0xaa: {  	[sflag:s23] =	ssyncset.done $0x0  }
0xab: {  	s0 =	sadd.s32 $0x1000, s30;
	[sflag:s23] =	ssyncadd.s32 $0xFFFFC000  }
0xac: {  	[spmem:s1] =	stream.indirect.scatter.add.f32 [tilespmem:s21], [sflag:$0x3], $0x80, s0, s20, $0xb8;
	[tilespmem:$0x1E000] =	vst v63  }
0xad: {  	_ =	swait.ge [sflag:s18], $0x4000  }
0xae: {  	[sflag:s18] =	ssyncset.done $0x0  }
0xaf: {  	s0 =	sadd.s32 $0x100, s30;
	[sflag:s18] =	ssyncadd.s32 $0xFFFFC000  }
0xb0: {  	[tilespmem:s21], [sflag:$0x1] =	stream.indirect.gather [hbm4b:s4+s20], $0x80, s0, s20, $0xb8;
	[tilespmem:$0x1E000] =	vst v63  }
0xb1: {  	_ =	swait.ge [sflag:s24], $0x4000  }
.Ltmp4:
0xb2: {  	[sflag:s24] =	ssyncset.done $0x0;
	(pc) =	sbr.rel @p1 .LBB2_5-.Ltmp4, $4  }
0xb3: {  	s0 =	sadd.s32 $0x1080, s30;
	[sflag:s24] =	ssyncadd.s32 $0xFFFFC000  }
0xb4: {  	[spmem:s1] =	stream.indirect.scatter.add.f32 [tilespmem:s22], [sflag:$0x3], $0x80, s0, s20, $0xb8;
	[tilespmem:$0x1E000] =	vst v63  }
0xb5: {  	_ =	swait.ge [sflag:s18], $0x4000  }
0xb6: {  	s31 =	smov.u32 s9;
	s30 =	sshra.s32 s2, $0x2;
	[sflag:s18] =	ssyncset.done $0x0  }
0xb7: {  	s0 =	sadd.s32 $0x80, s30;
	[sflag:s18] =	ssyncadd.s32 $0xFFFFC000  }
0xb8: {  	[tilespmem:s22], [sflag:$0x2] =	stream.indirect.gather [hbm4b:s4+s20], $0x80, s0, s20, $0xb8;
	[tilespmem:$0x1E000] =	vst v63  }
0xb9: {  	_ =	swait.ge [sflag:s23], $0x4000  }
0xba: {  	[sflag:s23] =	ssyncset.done $0x0  }
0xbb: {  	s2 =	sadd.s32 $0x1000, s30;
	[sflag:s23] =	ssyncadd.s32 $0xFFFFC000  }
0xbc: {  	[spmem:s1] =	stream.indirect.scatter.add.f32 [tilespmem:s21], [sflag:$0x3], $0x80, s2, s20, $0xb8;
	[tilespmem:$0x1E000] =	vst v63  }
0xbd: {  	_ =	swait.ge [sflag:s18], $0x4000  }
0xbe: {  	[sflag:s18] =	ssyncset.done $0x0  }
0xbf: {  	s9 =	sadd.s32 $0x100, s30;
	[sflag:s18] =	ssyncadd.s32 $0xFFFFC000  }
0xc0: {  	[tilespmem:s21], [sflag:$0x1] =	stream.indirect.gather [hbm4b:s4+s20], $0x80, s9, s20, $0xb8;
	[tilespmem:$0x1E000] =	vst v63  }
0xc1: {  	_ =	swait.ge [sflag:s24], $0x4000  }
0xc2: {  	[sflag:s24] =	ssyncset.done $0x0  }
0xc3: {  	s2 =	sadd.s32 $0x1080, s30;
	[sflag:s24] =	ssyncadd.s32 $0xFFFFC000  }
0xc4: {  	[spmem:s1] =	stream.indirect.scatter.add.f32 [tilespmem:s22], [sflag:$0x3], $0x80, s2, s20, $0xb8;
	[tilespmem:$0x1E000] =	vst v63  }
0xc5: {  	_ =	swait.ge [sflag:s18], $0x4000  }
0xc6: {  	[sflag:s18] =	ssyncset.done $0x0  }
0xc7: {  	[sflag:s18] =	ssyncadd.s32 $0xFFFFC000  }
0xc8: {  	[tilespmem:s22], [sflag:$0x2] =	stream.indirect.gather [hbm4b:s4+s20], $0x80, s25, s20, $0xb8;
	[tilespmem:$0x1E000] =	vst v63  }
0xc9: {  	_ =	swait.ge [sflag:s23], $0x4000  }
0xca: {  	[sflag:s23] =	ssyncset.done $0x0  }
0xcb: {  	[sflag:s23] =	ssyncadd.s32 $0xFFFFC000  }
0xcc: {  	[spmem:s1] =	stream.indirect.scatter.add.f32 [tilespmem:s21], [sflag:$0x3], $0x80, s26, s20, $0xb8;
	[tilespmem:$0x1E000] =	vst v63  }
0xcd: {  	_ =	swait.ge [sflag:s18], $0x4000  }
0xce: {  	[sflag:s18] =	ssyncset.done $0x0  }
0xcf: {  	[sflag:s18] =	ssyncadd.s32 $0xFFFFC000  }
0xd0: {  	_ =	swait.ge [sflag:s24], $0x4000  }
0xd1: {  	[sflag:s24] =	ssyncset.done $0x0  }
0xd2: {  	[sflag:s24] =	ssyncadd.s32 $0xFFFFC000  }
0xd3: {  	[spmem:s1] =	stream.indirect.scatter.add.f32 [tilespmem:s22], [sflag:$0x3], $0x80, s28, s20, $0xb8;
	[tilespmem:$0x1E000] =	vst v63  }
0xd4: {  	_ =	swait.ge [sflag:s18], $0x4000  }
0xd5: {  	[sflag:s18] =	ssyncset.done $0x0  }
0xd6: {  	s9 =	simm.s32 $0x0;
	[sflag:s18] =	ssyncadd.s32 $0xFFFFC000  }
0xd7: {  	[tilespmem:s9], [sflag:$0x3] =	stream.linear.gather [hbm4b:s11+s9], $0x1000, $0x38;
	[tilespmem:$0x1E000] =	vst v63  }
0xd8: {  	_ =	swait.ge [sflag:s18], $0x1000  }
0xd9: {  	[sflag:s18] =	ssyncset.done $0x0  }
0xda: {  	[sflag:s18] =	ssyncadd.s32 $0xFFFFF000  }
0xdb: {  	[tilespmem:s19], [sflag:$0x3] =	stream.linear.gather [hbm4b:s12+s9], $0x1000, $0x38;
	[tilespmem:$0x1E000] =	vst v63  }
0xdc: {  	_ =	swait.ge [sflag:s18], $0x1000  }
0xdd: {  	[sflag:s18] =	ssyncset.done $0x0  }
0xde: {  	[sflag:s18] =	ssyncadd.s32 $0xFFFFF000  }
0xdf: {  	[tilespmem:s21], [sflag:$0x1] =	stream.indirect.gather [hbm4b:s4+s20], $0x80, s9, s20, $0xb8;
	[tilespmem:$0x1E000] =	vst v63  }
0xe0: {  	s2 =	simm.s32 $0x80  }
0xe1: {  	[tilespmem:s22], [sflag:$0x2] =	stream.indirect.gather [hbm4b:s4+s20], $0x80, s2, s20, $0xb8;
	[tilespmem:$0x1E000] =	vst v63  }
0xe2: {  	_ =	swait.ge [sflag:s23], $0x4000  }
0xe3: {  	[sflag:s23] =	ssyncset.done $0x0  }
0xe4: {  	s9 =	simm.s32 $0x1000;
	[sflag:s23] =	ssyncadd.s32 $0xFFFFC000  }
0xe5: {  	[spmem:s1] =	stream.indirect.scatter.add.f32 [tilespmem:s21], [sflag:$0x3], $0x80, s9, s20, $0xb8;
	[tilespmem:$0x1E000] =	vst v63  }
0xe6: {  	_ =	swait.ge [sflag:s18], $0x4000  }
0xe7: {  	[sflag:s18] =	ssyncset.done $0x0  }
0xe8: {  	s2 =	simm.s32 $0x100;
	[sflag:s18] =	ssyncadd.s32 $0xFFFFC000  }
0xe9: {  	[tilespmem:s21], [sflag:$0x1] =	stream.indirect.gather [hbm4b:s4+s20], $0x80, s2, s20, $0xb8;
	[tilespmem:$0x1E000] =	vst v63  }
0xea: {  	_ =	swait.ge [sflag:s24], $0x4000  }
0xeb: {  	[sflag:s24] =	ssyncset.done $0x0  }
0xec: {  	s9 =	simm.s32 $0x1080;
	[sflag:s24] =	ssyncadd.s32 $0xFFFFC000  }
0xed: {  	[spmem:s1] =	stream.indirect.scatter.add.f32 [tilespmem:s22], [sflag:$0x3], $0x80, s9, s20, $0xb8;
	[tilespmem:$0x1E000] =	vst v63  }
0xee: {  	_ =	swait.ge [sflag:s18], $0x4000  }
0xef: {  	s31 =	simm.s32 $0x800;
	s30 =	simm.s32 $0x100;
	[sflag:s18] =	ssyncset.done $0x0  }
.LBB2_7:
0xf0: {  	s0 =	sadd.s32 $0x80, s30  }
0xf1: {  	[sflag:s18] =	ssyncadd.s32 $0xFFFFC000;
	s2 =	smov.u32 s31;
	s9 =	sadd.s32 $0x400, s31  }
0xf2: {  	[tilespmem:s22], [sflag:$0x2] =	stream.indirect.gather [hbm4b:s4+s20], $0x80, s0, s20, $0xb8;
	[tilespmem:$0x1E000] =	vst v63  }
0xf3: {  	p1 =	sne.s32 s31, $0x3800;
	_ =	swait.ge [sflag:s23], $0x4000  }
0xf4: {  	[sflag:s23] =	ssyncset.done $0x0  }
0xf5: {  	s0 =	sadd.s32 $0x1000, s30;
	[sflag:s23] =	ssyncadd.s32 $0xFFFFC000  }
0xf6: {  	[spmem:s1] =	stream.indirect.scatter.add.f32 [tilespmem:s21], [sflag:$0x3], $0x80, s0, s20, $0xb8;
	[tilespmem:$0x1E000] =	vst v63  }
0xf7: {  	_ =	swait.ge [sflag:s18], $0x4000  }
0xf8: {  	[sflag:s18] =	ssyncset.done $0x0  }
0xf9: {  	s0 =	sadd.s32 $0x100, s30;
	[sflag:s18] =	ssyncadd.s32 $0xFFFFC000  }
0xfa: {  	[tilespmem:s21], [sflag:$0x1] =	stream.indirect.gather [hbm4b:s4+s20], $0x80, s0, s20, $0xb8;
	[tilespmem:$0x1E000] =	vst v63  }
0xfb: {  	_ =	swait.ge [sflag:s24], $0x4000  }
.Ltmp5:
0xfc: {  	[sflag:s24] =	ssyncset.done $0x0;
	(pc) =	sbr.rel @p1 .LBB2_7-.Ltmp5, $4  }
0xfd: {  	s0 =	sadd.s32 $0x1080, s30;
	[sflag:s24] =	ssyncadd.s32 $0xFFFFC000  }
0xfe: {  	[spmem:s1] =	stream.indirect.scatter.add.f32 [tilespmem:s22], [sflag:$0x3], $0x80, s0, s20, $0xb8;
	[tilespmem:$0x1E000] =	vst v63  }
0xff: {  	_ =	swait.ge [sflag:s18], $0x4000  }
0x100: {  	s31 =	smov.u32 s9;
	s30 =	sshra.s32 s2, $0x2;
	[sflag:s18] =	ssyncset.done $0x0  }
0x101: {  	s0 =	sadd.s32 $0x80, s30;
	[sflag:s18] =	ssyncadd.s32 $0xFFFFC000  }
0x102: {  	[tilespmem:s22], [sflag:$0x2] =	stream.indirect.gather [hbm4b:s4+s20], $0x80, s0, s20, $0xb8;
	[tilespmem:$0x1E000] =	vst v63  }
0x103: {  	_ =	swait.ge [sflag:s23], $0x4000  }
0x104: {  	[sflag:s23] =	ssyncset.done $0x0  }
0x105: {  	s2 =	sadd.s32 $0x1000, s30;
	[sflag:s23] =	ssyncadd.s32 $0xFFFFC000  }
0x106: {  	[spmem:s1] =	stream.indirect.scatter.add.f32 [tilespmem:s21], [sflag:$0x3], $0x80, s2, s20, $0xb8;
	[tilespmem:$0x1E000] =	vst v63  }
0x107: {  	_ =	swait.ge [sflag:s18], $0x4000  }
0x108: {  	[sflag:s18] =	ssyncset.done $0x0  }
0x109: {  	s9 =	sadd.s32 $0x100, s30;
	[sflag:s18] =	ssyncadd.s32 $0xFFFFC000  }
0x10a: {  	[tilespmem:s21], [sflag:$0x1] =	stream.indirect.gather [hbm4b:s4+s20], $0x80, s9, s20, $0xb8;
	[tilespmem:$0x1E000] =	vst v63  }
0x10b: {  	_ =	swait.ge [sflag:s24], $0x4000  }
0x10c: {  	[sflag:s24] =	ssyncset.done $0x0  }
0x10d: {  	s2 =	sadd.s32 $0x1080, s30;
	[sflag:s24] =	ssyncadd.s32 $0xFFFFC000  }
0x10e: {  	[spmem:s1] =	stream.indirect.scatter.add.f32 [tilespmem:s22], [sflag:$0x3], $0x80, s2, s20, $0xb8;
	[tilespmem:$0x1E000] =	vst v63  }
0x10f: {  	_ =	swait.ge [sflag:s18], $0x4000  }
0x110: {  	[sflag:s18] =	ssyncset.done $0x0  }
0x111: {  	[sflag:s18] =	ssyncadd.s32 $0xFFFFC000  }
0x112: {  	[tilespmem:s22], [sflag:$0x2] =	stream.indirect.gather [hbm4b:s4+s20], $0x80, s25, s20, $0xb8;
	[tilespmem:$0x1E000] =	vst v63  }
0x113: {  	_ =	swait.ge [sflag:s23], $0x4000  }
0x114: {  	[sflag:s23] =	ssyncset.done $0x0  }
0x115: {  	[sflag:s23] =	ssyncadd.s32 $0xFFFFC000  }
0x116: {  	[spmem:s1] =	stream.indirect.scatter.add.f32 [tilespmem:s21], [sflag:$0x3], $0x80, s26, s20, $0xb8;
	[tilespmem:$0x1E000] =	vst v63  }
0x117: {  	_ =	swait.ge [sflag:s18], $0x4000  }
0x118: {  	[sflag:s18] =	ssyncset.done $0x0  }
0x119: {  	[sflag:s18] =	ssyncadd.s32 $0xFFFFC000  }
0x11a: {  	_ =	swait.ge [sflag:s24], $0x4000  }
0x11b: {  	[sflag:s24] =	ssyncset.done $0x0  }
0x11c: {  	[sflag:s24] =	ssyncadd.s32 $0xFFFFC000  }
0x11d: {  	[spmem:s1] =	stream.indirect.scatter.add.f32 [tilespmem:s22], [sflag:$0x3], $0x80, s28, s20, $0xb8;
	[tilespmem:$0x1E000] =	vst v63  }
0x11e: {  	_ =	swait.ge [sflag:s18], $0x4000  }
0x11f: {  	[sflag:s18] =	ssyncset.done $0x0  }
0x120: {  	s9 =	simm.s32 $0x0;
	[sflag:s18] =	ssyncadd.s32 $0xFFFFC000  }
0x121: {  	[tilespmem:s9], [sflag:$0x3] =	stream.linear.gather [hbm4b:s13+s9], $0x1000, $0x38;
	[tilespmem:$0x1E000] =	vst v63  }
0x122: {  	_ =	swait.ge [sflag:s18], $0x1000  }
0x123: {  	[sflag:s18] =	ssyncset.done $0x0  }
0x124: {  	[sflag:s18] =	ssyncadd.s32 $0xFFFFF000  }
0x125: {  	[tilespmem:s19], [sflag:$0x3] =	stream.linear.gather [hbm4b:s14+s9], $0x1000, $0x38;
	[tilespmem:$0x1E000] =	vst v63  }
0x126: {  	_ =	swait.ge [sflag:s18], $0x1000  }
0x127: {  	[sflag:s18] =	ssyncset.done $0x0  }
0x128: {  	[sflag:s18] =	ssyncadd.s32 $0xFFFFF000  }
0x129: {  	[tilespmem:s21], [sflag:$0x1] =	stream.indirect.gather [hbm4b:s4+s20], $0x80, s9, s20, $0xb8;
	[tilespmem:$0x1E000] =	vst v63  }
0x12a: {  	s2 =	simm.s32 $0x80  }
0x12b: {  	[tilespmem:s22], [sflag:$0x2] =	stream.indirect.gather [hbm4b:s4+s20], $0x80, s2, s20, $0xb8;
	[tilespmem:$0x1E000] =	vst v63  }
0x12c: {  	_ =	swait.ge [sflag:s23], $0x4000  }
0x12d: {  	[sflag:s23] =	ssyncset.done $0x0  }
0x12e: {  	s9 =	simm.s32 $0x1000;
	[sflag:s23] =	ssyncadd.s32 $0xFFFFC000  }
0x12f: {  	[spmem:s1] =	stream.indirect.scatter.add.f32 [tilespmem:s21], [sflag:$0x3], $0x80, s9, s20, $0xb8;
	[tilespmem:$0x1E000] =	vst v63  }
0x130: {  	_ =	swait.ge [sflag:s18], $0x4000  }
0x131: {  	[sflag:s18] =	ssyncset.done $0x0  }
0x132: {  	s2 =	simm.s32 $0x100;
	[sflag:s18] =	ssyncadd.s32 $0xFFFFC000  }
0x133: {  	[tilespmem:s21], [sflag:$0x1] =	stream.indirect.gather [hbm4b:s4+s20], $0x80, s2, s20, $0xb8;
	[tilespmem:$0x1E000] =	vst v63  }
0x134: {  	_ =	swait.ge [sflag:s24], $0x4000  }
0x135: {  	[sflag:s24] =	ssyncset.done $0x0  }
0x136: {  	s9 =	simm.s32 $0x1080;
	[sflag:s24] =	ssyncadd.s32 $0xFFFFC000  }
0x137: {  	[spmem:s1] =	stream.indirect.scatter.add.f32 [tilespmem:s22], [sflag:$0x3], $0x80, s9, s20, $0xb8;
	[tilespmem:$0x1E000] =	vst v63  }
0x138: {  	_ =	swait.ge [sflag:s18], $0x4000  }
0x139: {  	s31 =	simm.s32 $0x800;
	s30 =	simm.s32 $0x100;
	[sflag:s18] =	ssyncset.done $0x0  }
.LBB2_9:
0x13a: {  	s0 =	sadd.s32 $0x80, s30  }
0x13b: {  	[sflag:s18] =	ssyncadd.s32 $0xFFFFC000;
	s2 =	smov.u32 s31;
	s9 =	sadd.s32 $0x400, s31  }
0x13c: {  	[tilespmem:s22], [sflag:$0x2] =	stream.indirect.gather [hbm4b:s4+s20], $0x80, s0, s20, $0xb8;
	[tilespmem:$0x1E000] =	vst v63  }
0x13d: {  	p1 =	sne.s32 s31, $0x3800;
	_ =	swait.ge [sflag:s23], $0x4000  }
0x13e: {  	[sflag:s23] =	ssyncset.done $0x0  }
0x13f: {  	s0 =	sadd.s32 $0x1000, s30;
	[sflag:s23] =	ssyncadd.s32 $0xFFFFC000  }
0x140: {  	[spmem:s1] =	stream.indirect.scatter.add.f32 [tilespmem:s21], [sflag:$0x3], $0x80, s0, s20, $0xb8;
	[tilespmem:$0x1E000] =	vst v63  }
0x141: {  	_ =	swait.ge [sflag:s18], $0x4000  }
0x142: {  	[sflag:s18] =	ssyncset.done $0x0  }
0x143: {  	s0 =	sadd.s32 $0x100, s30;
	[sflag:s18] =	ssyncadd.s32 $0xFFFFC000  }
0x144: {  	[tilespmem:s21], [sflag:$0x1] =	stream.indirect.gather [hbm4b:s4+s20], $0x80, s0, s20, $0xb8;
	[tilespmem:$0x1E000] =	vst v63  }
0x145: {  	_ =	swait.ge [sflag:s24], $0x4000  }
.Ltmp6:
0x146: {  	[sflag:s24] =	ssyncset.done $0x0;
	(pc) =	sbr.rel @p1 .LBB2_9-.Ltmp6, $4  }
0x147: {  	s0 =	sadd.s32 $0x1080, s30;
	[sflag:s24] =	ssyncadd.s32 $0xFFFFC000  }
0x148: {  	[spmem:s1] =	stream.indirect.scatter.add.f32 [tilespmem:s22], [sflag:$0x3], $0x80, s0, s20, $0xb8;
	[tilespmem:$0x1E000] =	vst v63  }
0x149: {  	_ =	swait.ge [sflag:s18], $0x4000  }
0x14a: {  	s31 =	smov.u32 s9;
	s30 =	sshra.s32 s2, $0x2;
	[sflag:s18] =	ssyncset.done $0x0  }
.Ltmp7:
0x14b: {  	_ = 	snop;
	(pc) =	sbr.rel .LBB2_10-.Ltmp7, $1  }
0x14c: {  	_ =	sdelay $0x3  }
.LBB2_12:
0x14d: {  	_ =	sfence.sel $0x180000  }
0x14e: {  	[bflag:$0x0] =	sbarrier.arrive $0xFFFF  }
0x14f: {  	_ =	strace $0x9000004D  }
0x150: {  	s0 =	stileid.u32;
	[bflag:$0x2] =	sbarrier.arrive $0xFFFF  }
0x151: {  	p0 =	sne.s32 s0, $0x0;
	s0 =	rddreg [dreg:$0x3]  }
0x152: {  	s0 =	sadd.s32 @!p0 $0x100000, s0  }
0x153: {  	[sflag:s0] =	ssyncadd.tile.s32 @!p0 $0x1;
	_ =	shalt  }
.Lfunc_end2:
_tile_overlayer_lowered:
.L_overlay_start_2:
0x154: {  	(tag) =	ssettag $0x2  }
0x155: {  	s0 =	rddreg [dreg:$0x0];
	s2 =	stileid.u32  }
0x156: {  	s1 =	rddreg [dreg:$0x1];
	p0 =	sne.s32 s2, $0x0  }
0x157: {  	s3 =	rddreg [dreg:$0x2];
	[bflag:$0x3] =	sbarrier.arrive $0xFFFF;
	s2 =	simm.s32 @!p0 $0x1C03  }
0x158: {  	[timem:s3], [sflag:s2] =	dma.local @!p0 [hbm:s0], s1  }
0x159: {  	s0 =	simm.s32 @!p0 $0x3  }
0x15a: {  	_ =	swait.ge @!p0 [sflag:s0], s1  }
0x15b: {  	s1 =	ssub.s32 @!p0 $0x0, s1;
	[sflag:s0] =	ssyncset.done @!p0 $0x0  }
0x15c: {  	[sflag:s0] =	ssyncadd.s32 @!p0 s1  }
0x15d: {  	[bflag:$0x3] =	sbarrier.arrive $0xFFFF  }
0x15e: {  	_ =	shalt  }

// kernel: kernel.8.cloned.1.call-start
scs
__scs_entry_jumppad:
0x0: {  	(pc) =	sbr.rel $0x88, $3  }
0x1: {  	(tag) =	ssettag $0x0;
	lr =	simm.s32 $0x1  }
0x2: {  	[smem:$0x3F9B] =	sst lr;
	_ =	strace $0xD0000000  }
0x3: {  	_ = 	snop  }
0x4: {  	_ = 	snop  }
0x5: {  	_ = 	snop  }
0x6: {  	_ = 	snop  }
0x7: {  	_ = 	snop  }
__scs_overlays_trampoline_lowered:
0x8: {  	[smem:$0x3FAA] =	sst s0  }
0x9: {  	[smem:$0x3FAB] =	sst s1  }
0xa: {  	[smem:$0x3FAC] =	sst s2  }
0xb: {  	[smem:$0x3FAD] =	sst s3  }
0xc: {  	[smem:$0x3FAE] =	sst s4  }
0xd: {  	[smem:$0x3FAF] =	sst s5  }
0xe: {  	[smem:$0x3FB0] =	sst s6  }
0xf: {  	[smem:$0x3FB1] =	sst s7  }
0x10: {  	[smem:$0x3FB2] =	sst s8  }
0x11: {  	[smem:$0x3FB3] =	sst s9;
	s0 =	simm.s32 @!p0 $0x0  }
0x12: {  	s1 =	sld [smem:$0x3F99];
	s0 =	simm.s32 @p0 $0x1  }
0x13: {  	[smem:$0x3FB4] =	sst s0;
	s0 =	simm.s32 @!p1 $0x0  }
0x14: {  	s2 =	sld [smem:$0x3F98];
	s0 =	simm.s32 @p1 $0x1  }
0x15: {  	[smem:$0x3FB5] =	sst s0;
	s0 =	simm.s32 @!p2 $0x0  }
0x16: {  	s3 =	sld [smem:$0x3FDB];
	s0 =	simm.s32 @p2 $0x1  }
0x17: {  	s4 =	simm.s32 $0x1BF5;
	[smem:$0x3FB7] =	sst s0  }
0x18: {  	s0 =	sld [smem:$0x3F9A];
	_ =	swait.ge [sflag:s4], $0x0  }
0x19: {  	s7 =	sld [smem:$0x3F9B]  }
0x1a: {  	s8 =	sadd.s32 $0xFFFFE003, lr  }
0x1b: {  	s9 =	sadd.s32 $0xFFFFFEF7, lr;
	s5 =	simm.s32 $0xFFFFFFFF;
	p2 =	slt.u32 s8, $0xFFFFF086  }
0x1c: {  	p1 =	slt.u32 s9, $0xF7A;
	s5 =	simm.s32 @!p2 $0x0  }
0x1d: {  	s5 =	simm.s32 @p1 $0x1;
	p0 =	seq.s32 s7, s2  }
0x1e: {  	s7 =	smul.u32 @!p0 $0xF7A, s2;
	p2 =	seq.s32 @!p0 s5, $0x0  }
0x1f: {  	s9 =	smul.u32 $0xF7A, s1;
	s8 =	simm.s32 @!p0 $0x1BF5;
	p2 =	por !p2, p0  }
0x20: {  	[sflag:s8] =	ssyncset.s32 @!p0 $0xFFFFF086;
	s6 =	sadd.s32 @!p0 s3, s7;
	s7 =	simm.s32 @!p0 $0x108  }
0x21: {  	s3 =	sadd.s32 s3, s9;
	s6 =	sadd.s32 @!p0 $0x88, s6;
	s7 =	simm.s32 @p2 $0x1082  }
0x22: {  	[simem:s7], [sflag:s8] =	dma.local @!p0 [hbm:s6], $0xF7A  }
0x23: {  	s9 =	sor.u32 $0xD0000000, s2;
	s6 =	simm.s32 $0x108;
	_ =	swait.ge @!p0 [sflag:s8], $0x0  }
0x24: {  	s3 =	sadd.s32 $0x88, s3;
	s6 =	simm.s32 @!p1 $0x1082;
	[sflag:s4] =	ssyncset.s32 $0xFFFFF086  }
0x25: {  	[simem:s6], [sflag:s4] =	dma.local [hbm:s3], $0xF7A  }
0x26: {  	[smem:$0x3F9B] =	sst s1;
	(tag) =	ssettag s2;
	_ =	strace s9  }
0x27: {  	s1 =	sld [smem:$0x3FAB]  }
0x28: {  	s2 =	sld [smem:$0x3FAC]  }
0x29: {  	s4 =	sld [smem:$0x3FAE]  }
0x2a: {  	p0 =	seq.s32 s5, $0x0;
	s5 =	sld [smem:$0x3FAF]  }
0x2b: {  	s6 =	sld [smem:$0x3FB0]  }
0x2c: {  	s7 =	sld [smem:$0x3FB1]  }
0x2d: {  	s3 =	simm.s32 $0x108;
	s8 =	sld [smem:$0x3FB2]  }
0x2e: {  	s3 =	simm.s32 @!p0 $0x1082;
	s9 =	sld [smem:$0x3FB3]  }
0x2f: {  	lr =	sadd.s32 s0, s3;
	s0 =	sld [smem:$0x3FAA]  }
0x30: {  	s3 =	sld [smem:$0x3FAD]  }
0x31: {  	[smem:$0x3FB6] =	sst s10  }
0x32: {  	s10 =	sld [smem:$0x3FB4];
	_ =	sdelay $0x3  }
0x33: {  	p0 =	seq.s32 s10, $0x1;
	s10 =	sld [smem:$0x3FB6];
	_ =	sdelay $0x3  }
0x34: {  	[smem:$0x3FB6] =	sst s10  }
0x35: {  	s10 =	sld [smem:$0x3FB5];
	_ =	sdelay $0x3  }
0x36: {  	p1 =	seq.s32 s10, $0x1;
	s10 =	sld [smem:$0x3FB6];
	_ =	sdelay $0x3  }
0x37: {  	[smem:$0x3FB6] =	sst s10  }
0x38: {  	s10 =	sld [smem:$0x3FB7]  }
0x39: {  	_ = 	snop;
	(pc) =	sbr.ind lr, $3  }
0x3a: {  	_ = 	snop  }
0x3b: {  	_ = 	snop  }
0x3c: {  	p2 =	seq.s32 s10, $0x1;
	s10 =	sld [smem:$0x3FB6]  }
0x3d: {  	_ =	shalt  }
0x3e: {  	_ =	shalt  }
0x3f: {  	_ =	shalt  }
0x40: {  	_ =	shalt  }
0x41: {  	_ =	shalt  }
0x42: {  	_ =	shalt  }
0x43: {  	_ =	shalt  }
0x44: {  	_ =	shalt  }
0x45: {  	_ =	shalt  }
0x46: {  	_ =	shalt  }
0x47: {  	_ =	shalt  }
0x48: {  	_ =	shalt  }
0x49: {  	_ =	shalt  }
0x4a: {  	_ =	shalt  }
0x4b: {  	_ =	shalt  }
0x4c: {  	_ =	shalt  }
0x4d: {  	_ =	shalt  }
0x4e: {  	_ =	shalt  }
0x4f: {  	_ =	shalt  }
0x50: {  	_ =	shalt  }
0x51: {  	_ =	shalt  }
0x52: {  	_ =	shalt  }
0x53: {  	_ =	shalt  }
0x54: {  	_ =	shalt  }
0x55: {  	_ =	shalt  }
0x56: {  	_ =	shalt  }
0x57: {  	_ =	shalt  }
0x58: {  	_ =	shalt  }
0x59: {  	_ =	shalt  }
0x5a: {  	_ =	shalt  }
0x5b: {  	_ =	shalt  }
0x5c: {  	_ =	shalt  }
0x5d: {  	_ =	shalt  }
0x5e: {  	_ =	shalt  }
0x5f: {  	_ =	shalt  }
0x60: {  	_ =	shalt  }
0x61: {  	_ =	shalt  }
0x62: {  	_ =	shalt  }
0x63: {  	_ =	shalt  }
0x64: {  	_ =	shalt  }
0x65: {  	_ =	shalt  }
0x66: {  	_ =	shalt  }
0x67: {  	_ =	shalt  }
0x68: {  	_ =	shalt  }
0x69: {  	_ =	shalt  }
0x6a: {  	_ =	shalt  }
0x6b: {  	_ =	shalt  }
0x6c: {  	_ =	shalt  }
0x6d: {  	_ =	shalt  }
0x6e: {  	_ =	shalt  }
0x6f: {  	_ =	shalt  }
0x70: {  	_ =	shalt  }
0x71: {  	_ =	shalt  }
0x72: {  	_ =	shalt  }
0x73: {  	_ =	shalt  }
0x74: {  	_ =	shalt  }
0x75: {  	_ =	shalt  }
0x76: {  	_ =	shalt  }
0x77: {  	_ =	shalt  }
0x78: {  	_ =	shalt  }
0x79: {  	_ =	shalt  }
0x7a: {  	_ =	shalt  }
0x7b: {  	_ =	shalt  }
0x7c: {  	_ =	shalt  }
0x7d: {  	_ =	shalt  }
0x7e: {  	_ =	shalt  }
0x7f: {  	_ =	shalt  }
0x80: {  	_ =	shalt  }
0x81: {  	_ =	shalt  }
0x82: {  	_ =	shalt  }
0x83: {  	_ =	shalt  }
0x84: {  	_ =	shalt  }
0x85: {  	_ =	shalt  }
0x86: {  	_ =	shalt  }
0x87: {  	_ =	shalt  }
.Lfunc_end0:
.L_simem_size_0:
called_computation_lowered:
.L_overlay_start_0:
0x88: {  	s2 =	sld [smem:$0x3FD9]  }
0x89: {  	s3 =	sld [smem:$0x3FFE];
	_ =	sdelay $0x1  }
0x8a: {  	s1 =	srdreg.scid  }
0x8b: {  	s0 =	sand.u32 $0x1, s1  }
0x8c: {  	s16 =	sshll.u32 s0, $0xA;
	s2 =	sadd.s32 s3, s2  }
0x8d: {  	s2 =	sadd.s32 s2, s16  }
0x8e: {  	[smem:$0x3FC2] =	sst s2  }
0x8f: {  	_ = 	snop  }
0x90: {  	(tm) =	ssettm $0x1  }
0x91: {  	s17 =	sld [smem:$0x3FFB];
	_ =	sdelay $0x3  }
0x92: {  	_ =	strace s17  }
0x93: {  	s2 =	sld [smem:$0x3FFC];
	_ =	sdelay $0x3  }
0x94: {  	_ =	strace s2  }
0x95: {  	s2 =	sld [smem:$0x3FFD];
	_ =	sdelay $0x3  }
0x96: {  	_ =	strace s2  }
0x97: {  	_ =	strace $0x8FFFFFFF  }
0x98: {  	s18 =	sld [smem:$0x3FDB];
	_ =	sdelay $0x1  }
0x99: {  	s19 =	simm.s32 $_scs_section_size  }
0x9a: {  	s4 =	simm.s32 $_size__tile_overlayer_lowered;
	s5 =	simm.s32 $_tile_overlayer_lowered  }
0x9b: {  	s22 =	simm.s32 $0x1BFF;
	s21 =	sshll.u32 s5, $0x1;
	s2 =	sadd.s32 s19, s18  }
0x9c: {  	s6 =	simm.s32 $0x0;
	s20 =	sshll.u32 s4, $0x1;
	s4 =	sadd.s32 s21, s2  }
0x9d: {  	[timem:s6], [sflag:s22] =	dma.local [hbm:s4], s20  }
0x9e: {  	_ =	swait.ge [sflag:s22], s20  }
0x9f: {  	s3 =	ssub.s32 $0x0, s20;
	[sflag:s22] =	ssyncset.done $0x0  }
0xa0: {  	[sflag:s22] =	ssyncadd.s32 s3;
	_ =	sdelay $0x1  }
0xa1: {  	s23 =	simm.s32 $0x1B8B  }
0xa2: {  	_ =	swait.ge [sflag:s23], $0x1  }
0xa3: {  	[sflag:s23] =	ssyncset.done $0x0  }
0xa4: {  	s25 =	simm.s32 $0x1B8E;
	s24 =	sld [smem:$0x3FFE];
	[sflag:s23] =	ssyncadd.s32 $0xFFFFFFFF  }
0xa5: {  	s26 =	simm.s32 $execute0_lowered;
	[smem:$0x3FD2] =	sst s25  }
0xa6: {  	s4 =	sshll.u32 s26, $0x1;
	_ =	strace $0x80000046;
	[dreg:$0x1] =	wrdreg $0xFFFFFFFF  }
0xa7: {  	s28 =	simm.s32 $_size_execute0_lowered;
	s2 =	sadd.s32 s2, s4;
	[dreg:$0x0] =	wrdreg $0x0  }
0xa8: {  	s4 =	sshll.u32 s28, $0x1;
	[dreg:$0x2] =	wrdreg s2  }
0xa9: {  	[dreg:$0x3] =	wrdreg s4  }
0xaa: {  	[dreg:$0x4] =	wrdreg $0xC0  }
0xab: {  	_ =	task [dreg:s6], $0x5FFFF  }
0xac: {  	[dreg:$0x1] =	wrdreg $0xFFFFFFFF  }
0xad: {  	[dreg:$0x0] =	wrdreg $0x60  }
0xae: {  	[dreg:$0x2] =	wrdreg s24  }
0xaf: {  	[dreg:$0x3] =	wrdreg $0x9  }
0xb0: {  	_ =	task.clear_ibuf [dreg:s6], $0x4FFFF;
	_ =	strace $0x90000046  }
0xb1: {  	s29 =	simm.s32 $0x9;
	_ =	strace $0x80000048  }
0xb2: {  	_ =	swait.ge [sflag:s29], $0x1  }
0xb3: {  	[sflag:s29] =	ssyncadd.s32 $0xFFFFFFFF  }
0xb4: {  	_ =	strace $0x90000048  }
0xb5: {  	_ =	sfence  }
0xb6: {  	s30 =	sld [smem:$0x0];
	_ =	sdelay $0x2  }
0xb7: {  	s31 =	sshll.u32 s1, $0xD;
	s1 =	sshrl.u32 s1, $0x2  }
0xb8: {  	s3 =	sand.u32 $0x4000, s31;
	s1 =	sadd.s32 s1, s30  }
0xb9: {  	s0 =	sor.u32 s3, s0;
	s1 =	sshll.u32 s1, $0x11  }
0xba: {  	s0 =	sor.u32 s1, s0  }
0xbb: {  	s0 =	sadd.s32 $0x8F2B, s0  }
0xbc: {  	[sflag:s0] =	ssyncadd.remote.s32 $0x1  }
0xbd: {  	_ =	sfence.sel $0xFFFF  }
0xbe: {  	[dreg:$0x0] =	wrdreg $0xFFFFFFFF;
	(pc) =	sbr.abs _section_cstart, $3  }
0xbf: {  	[dreg:$0x1] =	wrdreg $0xFFFFFFFF  }
0xc0: {  	_ =	task.clear_ibuf [dreg:s6], $0x2FFFF;
	_ =	strace $0x9FFFFFFF  }
0xc1: {  	(tm) =	ssettm $0x7FFFFFFF  }
tec
execute0_lowered:
.L_overlay_start_1:
0x0: {  	(tag) =	ssettag $0x1  }
0x1: {  	s0 =	srdreg.scid  }
0x2: {  	s4 =	rddreg [dreg:$0x0];
	s1 =	stileid.u32  }
0x3: {  	s2 =	simm.s32 $0x0;
	s9 =	simm.s32 $0x80;
	s10 =	simm.s32 $0x400  }
0x4: {  	s11 =	simm.s32 $0x0;
	s3 =	sand.u32 $0x1, s0;
	s0 =	rddreg [dreg:$0x1]  }
0x5: {  	s6 =	sshrl.u32 s1, $0x3;
	[smem:$0x7FF] =	sst s2;
	s5 =	smul.u32 $0x28000, s3  }
0x6: {  	s8 =	sshll.u32 s1, $0x7;
	s7 =	sshll.u32 s3, $0x4;
	s6 =	smul.u32 $0x14000, s6  }
0x7: {  	s28 =	sand.u32 $0x380, s8;
	_ =	strace $0x80000047;
	s7 =	sor.u32 s1, s7  }
0x8: {  	s30 =	ssub.s32 $0x2, s3;
	s7 =	smul.u32 $0x500, s7;
	s5 =	sadd.s32 s5, s6  }
0x9: {  	s3 =	sadd.s32 $0xC800, s4;
	s8 =	simm.s32 $0x2800;
	s5 =	sor.u32 s28, s5  }
0xa: {  	s31 =	sshrl.u32 s30, $0x1;
	s29 =	sadd.s32 s7, s4;
	s5 =	sshrl.u32 s5, $0x3  }
0xb: {  	s7 =	ssub.s32 s30, s31;
	s5 =	sadd.s32 s5, s4;
	s4 =	sadd.s32 $0x2800, s29  }
0xc: {  	v0 =	vimm.f32 $1.000000000e+00;
	s6 =	smax.u32 s7, $0x1;
	s7 =	simm.s32 $0x1;
	s5 =	sadd.s32 $0xCE00, s5  }
.LBB2_1:
0xd: {  	[tilespmem:s2], [sflag:$0x1] =	stream.linear.gather [hbm4b:s4+s2], $0x2800, $0x38;
	[tilespmem:$0x5000] =	vst v63  }
0xe: {  	_ =	swait.ge [sflag:s7], $0x2800  }
0xf: {  	[sflag:s7] =	ssyncset.done $0x0  }
0x10: {  	[sflag:s7] =	ssyncadd.s32 $0xFFFFD800  }
0x11: {  	[tilespmem:s8], [sflag:$0x1] =	stream.linear.gather [hbm4b:s3+s2], $0x2800, $0x38;
	[tilespmem:$0x5000] =	vst v63  }
0x12: {  	_ =	swait.ge [sflag:s7], $0x2800  }
0x13: {  	[sflag:s7] =	ssyncset.done $0x0  }
0x14: {  	s12 =	simm.s32 $0x1C0;
	[sflag:s7] =	ssyncadd.s32 $0xFFFFD800  }
.LBB2_2:
0x15: {  	s13 =	sshra.s32 s12, $0x2  }
0x16: {  	v1 =	vld [tilespmem:s13+$0xFFFFFF90];
	_ =	sdelay $0x7  }
0x17: {  	[tilespmem:v1+s8+$0x0] =	vst.idx.add.f32.msk $0xffff, v0  }
0x18: {  	v1 =	vld [tilespmem:s13+$0xFFFFFFA0];
	_ =	sdelay $0x7  }
0x19: {  	[tilespmem:v1+s8+$0x0] =	vst.idx.add.f32.msk $0xffff, v0  }
0x1a: {  	v1 =	vld [tilespmem:s13+$0xFFFFFFB0];
	_ =	sdelay $0x7  }
0x1b: {  	[tilespmem:v1+s8+$0x0] =	vst.idx.add.f32.msk $0xffff, v0  }
0x1c: {  	v1 =	vld [tilespmem:s13+$0xFFFFFFC0];
	_ =	sdelay $0x7  }
0x1d: {  	[tilespmem:v1+s8+$0x0] =	vst.idx.add.f32.msk $0xffff, v0  }
0x1e: {  	v1 =	vld [tilespmem:s13+$0xFFFFFFD0];
	_ =	sdelay $0x7  }
0x1f: {  	[tilespmem:v1+s8+$0x0] =	vst.idx.add.f32.msk $0xffff, v0  }
0x20: {  	v1 =	vld [tilespmem:s13+$0xFFFFFFE0];
	_ =	sdelay $0x7  }
0x21: {  	[tilespmem:v1+s8+$0x0] =	vst.idx.add.f32.msk $0xffff, v0  }
0x22: {  	v1 =	vld [tilespmem:s13+$0xFFFFFFF0];
	_ =	sdelay $0x7  }
0x23: {  	[tilespmem:v1+s8+$0x0] =	vst.idx.add.f32.msk $0xffff, v0  }
0x24: {  	v1 =	vld [tilespmem:s13+$0x0];
	_ =	sdelay $0x2  }
0x25: {  	p0 =	sne.s32 s12, $0x9FC0  }
.Ltmp0:
0x26: {  	_ = 	snop;
	(pc) =	sbr.rel @p0 .LBB2_2-.Ltmp0, $2  }
0x27: {  	_ =	sdelay $0x2  }
0x28: {  	s12 =	sadd.s32 $0x200, s12;
	[tilespmem:v1+s8+$0x0] =	vst.idx.add.f32.msk $0xffff, v0  }
0x29: {  	s11 =	sadd.s32 $0x1, s11  }
0x2a: {  	p0 =	sne.s32 s11, s6  }
.Ltmp1:
0x2b: {  	_ = 	snop;
	(pc) =	sbr.rel @p0 .LBB2_1-.Ltmp1, $4  }
0x2c: {  	[hbm4b:s5+s9] =	stream.strided.scatter [tilespmem:s8], [sflag:$0x1], $0x2800, s10, s9, $0x38;
	[tilespmem:$0x5000] =	vst v63  }
0x2d: {  	_ =	swait.ge [sflag:s7], $0x2800  }
0x2e: {  	[sflag:s7] =	ssyncset.done $0x0  }
0x2f: {  	[sflag:s7] =	ssyncadd.s32 $0xFFFFD800  }
0x30: {  	_ =	sfence.sel $0x180000  }
0x31: {  	[bflag:$0x0] =	sbarrier.arrive $0xFFFF  }
0x32: {  	p0 =	sne.s32 s1, $0x0;
	_ =	strace $0x90000047  }
0x33: {  	s0 =	sadd.s32 @!p0 $0x100000, s0;
	[bflag:$0x2] =	sbarrier.arrive $0xFFFF  }
0x34: {  	[sflag:s0] =	ssyncadd.tile.s32 @!p0 $0x1;
	_ =	shalt  }
.Lfunc_end2:
_tile_overlayer_lowered:
.L_overlay_start_2:
0x35: {  	(tag) =	ssettag $0x2  }
0x36: {  	s0 =	rddreg [dreg:$0x0];
	s2 =	stileid.u32  }
0x37: {  	s1 =	rddreg [dreg:$0x1];
	p0 =	sne.s32 s2, $0x0  }
0x38: {  	s3 =	rddreg [dreg:$0x2];
	[bflag:$0x3] =	sbarrier.arrive $0xFFFF;
	s2 =	simm.s32 @!p0 $0x1C01  }
0x39: {  	[timem:s3], [sflag:s2] =	dma.local @!p0 [hbm:s0], s1  }
0x3a: {  	s0 =	simm.s32 @!p0 $0x1  }
0x3b: {  	_ =	swait.ge @!p0 [sflag:s0], s1  }
0x3c: {  	s1 =	ssub.s32 @!p0 $0x0, s1;
	[sflag:s0] =	ssyncset.done @!p0 $0x0  }
0x3d: {  	[sflag:s0] =	ssyncadd.s32 @!p0 s1  }
0x3e: {  	[bflag:$0x3] =	sbarrier.arrive $0xFFFF  }
0x3f: {  	_ =	shalt  }

</sc_bundles>
